<compile_context>
chip_gen: v7x
topology: tpu7x:2x2x1
jax: 0.10.2.dev20260603
libtpu: 0.0.44.dev20260713+nightly
codegen_flags: <defaults>
</compile_context>

<pallas_src>
import functools

import jax
import jax.numpy as jnp
from jax import lax
from jax.experimental import pallas as pl
from jax.experimental.pallas import tpu as pltpu
from jax.experimental.pallas import tpu_sc as plsc

N = 10000
E = 320000
D = 128
H = 128
O = 128

NC = 2
NS = 16
NW = NC * NS

CH = 128
TCH = 2560
E_PAD = TCH * CH
CPW = TCH // NW
N_PAD = 10240
RPT = N_PAD // NS
ROW_CHUNKS = RPT // CH


def _make_segsum():
    mesh = plsc.VectorSubcoreMesh(
        core_axis_name="c", subcore_axis_name="s", num_cores=NC, num_subcores=NS
    )

    @functools.partial(
        pl.kernel,
        out_type=jax.ShapeDtypeStruct((NC, N_PAD, D), jnp.float32),
        mesh=mesh,
        scratch_types=[
            pltpu.VMEM((CPW, CH), jnp.int32),
            [pltpu.VMEM((CH,), jnp.int32) for _ in range(2)],
            [pltpu.VMEM((CH,), jnp.int32) for _ in range(2)],
            [pltpu.VMEM((CH, D), jnp.float32) for _ in range(2)],
            pltpu.VMEM_SHARED((N_PAD, D), jnp.float32),
            [pltpu.SemaphoreType.DMA for _ in range(2)],
        ],
    )
    def segsum(h_hbm, idx_hbm, out_hbm, slab_v, srcb, dstb, bufs, acc_sh, sems):
        c = lax.axis_index("c")
        s = lax.axis_index("s")
        base = (c * NS + s) * CPW

        pltpu.sync_copy(idx_hbm.at[pl.ds(base, CPW)], slab_v)

        zv = jnp.zeros((16,), jnp.float32)

        def zero_body(i, carry):
            for j in range(D // 16):
                bufs[0][i, pl.ds(j * 16, 16)] = zv
            return carry

        lax.fori_loop(0, CH, zero_body, 0)
        row0 = s * RPT
        for k in range(RPT // CH):
            pltpu.sync_copy(bufs[0], acc_sh.at[pl.ds(row0 + k * CH, CH)])
        plsc.subcore_barrier()

        def unpack(j, b):
            for k in range(CH // 16):
                p = slab_v[j, pl.ds(k * 16, 16)]
                srcb[b][pl.ds(k * 16, 16)] = p >> 14
                dstb[b][pl.ds(k * 16, 16)] = p & 16383

        def fire(b):
            pltpu.async_copy(h_hbm.at[srcb[b]], bufs[b], sems[b])

        def drain(b):
            pltpu.make_async_copy(h_hbm.at[pl.ds(0, CH)], bufs[b], sems[b]).wait()

        def scat(b):
            pltpu.sync_copy(bufs[b], acc_sh.at[dstb[b]], add=True)

        unpack(0, 0)
        fire(0)
        unpack(1, 1)
        fire(1)

        def body(g, carry):
            j = g * 2
            drain(0)
            scat(0)
            unpack(j + 2, 0)
            fire(0)
            drain(1)
            scat(1)
            unpack(j + 3, 1)
            fire(1)
            return carry

        lax.fori_loop(0, CPW // 2 - 1, body, 0)
        drain(0)
        scat(0)
        drain(1)
        scat(1)
        plsc.subcore_barrier()

        for k in range(RPT // CH):
            r0 = row0 + k * CH
            pltpu.sync_copy(acc_sh.at[pl.ds(r0, CH)], out_hbm.at[c, pl.ds(r0, CH)])

    return segsum


_SEGSUM = None


def _segsum_call(h, idx4):
    global _SEGSUM
    if _SEGSUM is None:
        _SEGSUM = _make_segsum()
    return _SEGSUM(h, idx4)


def _dense_mid_body(h_ref, parts_ref, w1_ref, b1_ref, nw1_ref, nb1_ref, ns1_ref,
                    w2_ref, b2_ref, nw2_ref, nb2_ref, ns2_ref, out_ref):
    x = h_ref[...]
    neigh = parts_ref[0, :N, :] + parts_ref[1, :N, :]
    rst = x + neigh
    ones = jnp.full((1, N), 1.0 / N, dtype=jnp.float32)
    m = jnp.dot(rst, w1_ref[...], preferred_element_type=jnp.float32) + b1_ref[...]
    mean = jnp.dot(ones, m, preferred_element_type=jnp.float32)
    sub = m - mean * ns1_ref[...]
    var = jnp.dot(ones, sub * sub, preferred_element_type=jnp.float32)
    rstd = lax.rsqrt(var + 1e-6)
    m = jnp.maximum(nw1_ref[...] * sub * rstd + nb1_ref[...], 0.0)
    m = jnp.dot(m, w2_ref[...], preferred_element_type=jnp.float32) + b2_ref[...]
    mean2 = jnp.dot(ones, m, preferred_element_type=jnp.float32)
    sub2 = m - mean2 * ns2_ref[...]
    var2 = jnp.dot(ones, sub2 * sub2, preferred_element_type=jnp.float32)
    rstd2 = lax.rsqrt(var2 + 1e-6)
    out_ref[...] = jnp.maximum(nw2_ref[...] * sub2 * rstd2 + nb2_ref[...], 0.0)


def _dense_last_body(h_ref, parts_ref, w1_ref, b1_ref, nw1_ref, nb1_ref, ns1_ref,
                     w2_ref, b2_ref, nw2_ref, nb2_ref, ns2_ref,
                     pw_ref, pb_ref, out_ref):
    x = h_ref[...]
    neigh = parts_ref[0, :N, :] + parts_ref[1, :N, :]
    rst = x + neigh
    ones = jnp.full((1, N), 1.0 / N, dtype=jnp.float32)
    m = jnp.dot(rst, w1_ref[...], preferred_element_type=jnp.float32) + b1_ref[...]
    mean = jnp.dot(ones, m, preferred_element_type=jnp.float32)
    sub = m - mean * ns1_ref[...]
    var = jnp.dot(ones, sub * sub, preferred_element_type=jnp.float32)
    rstd = lax.rsqrt(var + 1e-6)
    m = jnp.maximum(nw1_ref[...] * sub * rstd + nb1_ref[...], 0.0)
    m = jnp.dot(m, w2_ref[...], preferred_element_type=jnp.float32) + b2_ref[...]
    mean2 = jnp.dot(ones, m, preferred_element_type=jnp.float32)
    sub2 = m - mean2 * ns2_ref[...]
    var2 = jnp.dot(ones, sub2 * sub2, preferred_element_type=jnp.float32)
    rstd2 = lax.rsqrt(var2 + 1e-6)
    h2 = jnp.maximum(nw2_ref[...] * sub2 * rstd2 + nb2_ref[...], 0.0) + x
    onesN = jnp.full((1, N), 1.0, dtype=jnp.float32)
    pooled = jnp.dot(onesN, h2, preferred_element_type=jnp.float32)
    out_ref[...] = (
        jnp.dot(pooled, pw_ref[...], preferred_element_type=jnp.float32) + pb_ref[...]
    )


def _dense_mid(h, parts, p):
    return pl.pallas_call(
        _dense_mid_body,
        out_shape=jax.ShapeDtypeStruct((N, H), jnp.float32),
    )(h, parts, p['W1'], p['b1'].reshape(1, H), p['mlp_nw'].reshape(1, H),
      p['mlp_nb'].reshape(1, H), p['mlp_ns'].reshape(1, H),
      p['W2'], p['b2'].reshape(1, H), p['app_nw'].reshape(1, H),
      p['app_nb'].reshape(1, H), p['app_ns'].reshape(1, H))


def _dense_last(h, parts, p, pw, pb):
    return pl.pallas_call(
        _dense_last_body,
        out_shape=jax.ShapeDtypeStruct((1, O), jnp.float32),
    )(h, parts, p['W1'], p['b1'].reshape(1, H), p['mlp_nw'].reshape(1, H),
      p['mlp_nb'].reshape(1, H), p['mlp_ns'].reshape(1, H),
      p['W2'], p['b2'].reshape(1, H), p['app_nw'].reshape(1, H),
      p['app_nb'].reshape(1, H), p['app_ns'].reshape(1, H),
      pw, pb.reshape(1, O))


def kernel(h, edge_index, params):
    src = edge_index[0]
    dst = edge_index[1]
    src_p = jnp.pad(src, (0, E_PAD - E))
    dst_p = jnp.pad(dst, (0, E_PAD - E), constant_values=N)
    idx4 = ((src_p << 14) | dst_p).reshape(TCH, CH)

    parts0 = _segsum_call(h, idx4)
    h1 = _dense_mid(h, parts0, params['layers'][0])
    parts1 = _segsum_call(h1, idx4)
    return _dense_last(h1, parts1, params['layers'][1],
                       params['pred_W'], params['pred_b'])

# --- scband reference (transcript-rebuilt; emitter-appended) ---
"""Pipeline reference for scband-gin-28716151341446 (READ-ONLY COPY).

The authoritative reference and input builder live on the scoring server;
editing this copy changes nothing except your own understanding.
"""

import jax, jax.numpy as jnp
import numpy as np

N = 10000
E = 320000
D = 128
H = 128
O = 128
L = 2  # num_layers - 1 GIN conv layers


def _graph_norm(h, w, b, s):
    # GraphNorm ('gn') over a single graph: per-feature mean/std across nodes
    mean = jnp.mean(h, axis=0, keepdims=True)
    sub = h - mean * s
    std = jnp.sqrt(jnp.mean(sub * sub, axis=0, keepdims=True) + 1e-6)
    return w * sub / std + b


def _forward(h, params, edge_index):
    src = edge_index[0]
    dst = edge_index[1]
    eps = 0.0  # learn_eps=False, init_eps=0
    for i in range(L):
        p = params['layers'][i]
        x = h
        # GINConv: sum-aggregate neighbor messages (copy_u -> sum reduce)
        neigh = jax.ops.segment_sum(h[src], dst, num_segments=N)
        rst = (1.0 + eps) * h + neigh
        # ApplyNodeFunc: MLP (2 linear layers with graph norm + relu in between)
        m = rst @ p['W1'] + p['b1']
        m = _graph_norm(m, p['mlp_nw'], p['mlp_nb'], p['mlp_ns'])
        m = jax.nn.relu(m)
        m = m @ p['W2'] + p['b2']
        # ApplyNodeFunc: Norm + relu
        m = _graph_norm(m, p['app_nw'], p['app_nb'], p['app_ns'])
        h = jax.nn.relu(m)
        if i != 0:
            h = h + x  # residual connection for layers > 0
    # SumPooling over single graph + prediction head (dropout is identity in eval)
    pooled = jnp.sum(h, axis=0, keepdims=True)
    out = pooled @ params['pred_W'] + params['pred_b']
    return out


def setup_inputs(seed: int = 0) -> dict:
    key = jax.random.key(seed)
    ks = jax.random.split(key, 64)
    h = jax.random.normal(ks[0], (N, D), dtype=jnp.float32)
    edge_index = jax.random.randint(ks[1], (2, E), 0, N, dtype=jnp.int32)
    layers = []
    k = 2
    for i in range(L):
        in_dim = D if i == 0 else H
        p = {
            'W1': jax.random.normal(ks[k], (in_dim, H), dtype=jnp.float32) * 0.05,
            'b1': jnp.zeros((H,), dtype=jnp.float32),
            'W2': jax.random.normal(ks[k + 1], (H, H), dtype=jnp.float32) * 0.05,
            'b2': jnp.zeros((H,), dtype=jnp.float32),
            'mlp_nw': jnp.ones((H,), dtype=jnp.float32),
            'mlp_nb': jnp.zeros((H,), dtype=jnp.float32),
            'mlp_ns': jnp.ones((H,), dtype=jnp.float32),
            'app_nw': jnp.ones((H,), dtype=jnp.float32),
            'app_nb': jnp.zeros((H,), dtype=jnp.float32),
            'app_ns': jnp.ones((H,), dtype=jnp.float32),
        }
        layers.append(p)
        k += 2
    params = {
        'layers': layers,
        'pred_W': jax.random.normal(ks[k], (H, O), dtype=jnp.float32) * 0.05,
        'pred_b': jnp.zeros((O,), dtype=jnp.float32),
    }
    return {'h': h, 'edge_index': edge_index, 'params': params}


def reference(h, edge_index, params):
    return _forward(h, params, edge_index)

if __name__ == "__main__":
    import jax
    _d = setup_inputs()
    print(jax.jit(kernel)(*tuple(_d.values())))

</pallas_src>

<mosaic_0001>
#map = affine_map<(d0, d1) -> (0, 0)>
#map1 = affine_map<(d0, d1) -> (0, 0, 0)>
module attributes {stable_mosaic.version = 14 : i64} {
  func.func @segsum(%arg0: i32, %arg1: i32, %arg2: memref<10000x128xf32, #tpu.memory_space<hbm>>, %arg3: memref<2560x128xi32, #tpu.memory_space<hbm>>, %arg4: memref<2x10240x128xf32, #tpu.memory_space<hbm>>, %arg5: memref<80x128xi32, #tpu.memory_space<vmem>>, %arg6: memref<128xi32, #tpu.memory_space<vmem>>, %arg7: memref<128xi32, #tpu.memory_space<vmem>>, %arg8: memref<128xi32, #tpu.memory_space<vmem>>, %arg9: memref<128xi32, #tpu.memory_space<vmem>>, %arg10: memref<128x128xf32, #tpu.memory_space<vmem>>, %arg11: memref<128x128xf32, #tpu.memory_space<vmem>>, %arg12: memref<10240x128xf32, #tpu.memory_space<vmem_shared>>, %arg13: memref<!tpu.dma_semaphore, #tpu.memory_space<semaphore_mem>>, %arg14: memref<!tpu.dma_semaphore, #tpu.memory_space<semaphore_mem>>) attributes {dimension_semantics = [#tpu.dimension_semantics<core_parallel>, #tpu.dimension_semantics<subcore_parallel>], iteration_bounds = array<i64: 2, 16>, scalar_prefetch = 0 : i64, scratch_operands = 10 : i64, tpu.core_type = #tpu.core_type<sc_vector_subcore>, window_params = [{transform_indices = #map}, {transform_indices = #map}, {transform_indices = #map1}]} {
    %mul3A = arith.constant 16 : i32
    %mul3A_0 = arith.muli %arg0, %mul3A : i32
    %add3A = arith.addi %mul3A_0, %arg1 : i32
    %mul3A_1 = arith.constant 80 : i32
    %mul3A_2 = arith.muli %add3A, %mul3A_1 : i32
    "tpu.region"() ({
      %run_scoped3A = tpu.sem_alloc : memref<!tpu.dma_semaphore, #tpu.memory_space<semaphore_mem>>
      %dma_start3A_354 = arith.constant 0 : i32
      %dma_start3A_355 = tpu.memref_slice %arg3[%mul3A_2, %dma_start3A_354] : memref<2560x128xi32, #tpu.memory_space<hbm>> -> memref<80x128xi32, #tpu.memory_space<hbm>>
      %dma_start3A_356 = arith.constant 0 : i32
      %dma_start3A_357 = tpu.memref_slice %arg3[%mul3A_2, %dma_start3A_356] : memref<2560x128xi32, #tpu.memory_space<hbm>> -> memref<80x128xi32, #tpu.memory_space<hbm>>
      tpu.enqueue_dma source(%dma_start3A_357 : memref<80x128xi32, #tpu.memory_space<hbm>>) target(%arg5 : memref<80x128xi32, #tpu.memory_space<vmem>>) target_semaphore(%run_scoped3A : memref<!tpu.dma_semaphore, #tpu.memory_space<semaphore_mem>>)
      %dma_wait3A_358 = arith.constant 0 : i32
      %dma_wait3A_359 = tpu.memref_slice %arg3[%mul3A_2, %dma_wait3A_358] : memref<2560x128xi32, #tpu.memory_space<hbm>> -> memref<80x128xi32, #tpu.memory_space<hbm>>
      %dma_wait3A_360 = arith.constant 0 : i32
      %dma_wait3A_361 = tpu.memref_slice %arg3[%mul3A_2, %dma_wait3A_360] : memref<2560x128xi32, #tpu.memory_space<hbm>> -> memref<80x128xi32, #tpu.memory_space<hbm>>
      tpu.wait_dma2 semaphore(%run_scoped3A : memref<!tpu.dma_semaphore, #tpu.memory_space<semaphore_mem>>) src(%dma_wait3A_361 : memref<80x128xi32, #tpu.memory_space<hbm>>) dst(%arg5 : memref<80x128xi32, #tpu.memory_space<vmem>>)
      tpu.yield
    }) : () -> ()
    %broadcast_in_dim3A = arith.constant 0.000000e+00 : f32
    %broadcast_in_dim3A_3 = vector.broadcast %broadcast_in_dim3A : f32 to vector<16xf32>
    %scan3A = arith.constant 0 : i32
    %scan3A_4 = arith.constant 0 : i32
    %scan3A_5 = arith.constant 128 : i32
    %scan3A_6 = arith.addi %scan3A_4, %scan3A_5 : i32
    %scan3A_7 = arith.constant 1 : i32
    scf.for %scan3A_354 = %scan3A_4 to %scan3A_6 step %scan3A_7  : i32 {
      %swap3A_355 = arith.index_cast %scan3A_354 : i32 to index
      %swap3A_356 = arith.constant 0 : index
      %swap3A_357 = tpu.vector_load %arg10[%swap3A_355, %swap3A_356] {strides = array<i32>} : memref<128x128xf32, #tpu.memory_space<vmem>>, vector<1x16xf32>,
      %swap3A_358 = vector.shape_cast %swap3A_357 : vector<1x16xf32> to vector<16xf32>
      %swap3A_359 = vector.shape_cast %broadcast_in_dim3A_3 : vector<16xf32> to vector<1x16xf32>
      tpu.vector_store %arg10[%swap3A_355, %swap3A_356], %swap3A_359 {strides = array<i32>} : memref<128x128xf32, #tpu.memory_space<vmem>>, vector<1x16xf32>,
      %swap3A_360 = arith.index_cast %scan3A_354 : i32 to index
      %swap3A_361 = arith.constant 16 : index
      %swap3A_362 = tpu.vector_load %arg10[%swap3A_360, %swap3A_361] {strides = array<i32>} : memref<128x128xf32, #tpu.memory_space<vmem>>, vector<1x16xf32>,
      %swap3A_363 = vector.shape_cast %swap3A_362 : vector<1x16xf32> to vector<16xf32>
      %swap3A_364 = vector.shape_cast %broadcast_in_dim3A_3 : vector<16xf32> to vector<1x16xf32>
      tpu.vector_store %arg10[%swap3A_360, %swap3A_361], %swap3A_364 {strides = array<i32>} : memref<128x128xf32, #tpu.memory_space<vmem>>, vector<1x16xf32>,
      %swap3A_365 = arith.index_cast %scan3A_354 : i32 to index
      %swap3A_366 = arith.constant 32 : index
      %swap3A_367 = tpu.vector_load %arg10[%swap3A_365, %swap3A_366] {strides = array<i32>} : memref<128x128xf32, #tpu.memory_space<vmem>>, vector<1x16xf32>,
      %swap3A_368 = vector.shape_cast %swap3A_367 : vector<1x16xf32> to vector<16xf32>
      %swap3A_369 = vector.shape_cast %broadcast_in_dim3A_3 : vector<16xf32> to vector<1x16xf32>
      tpu.vector_store %arg10[%swap3A_365, %swap3A_366], %swap3A_369 {strides = array<i32>} : memref<128x128xf32, #tpu.memory_space<vmem>>, vector<1x16xf32>,
      %swap3A_370 = arith.index_cast %scan3A_354 : i32 to index
      %swap3A_371 = arith.constant 48 : index
      %swap3A_372 = tpu.vector_load %arg10[%swap3A_370, %swap3A_371] {strides = array<i32>} : memref<128x128xf32, #tpu.memory_space<vmem>>, vector<1x16xf32>,
      %swap3A_373 = vector.shape_cast %swap3A_372 : vector<1x16xf32> to vector<16xf32>
      %swap3A_374 = vector.shape_cast %broadcast_in_dim3A_3 : vector<16xf32> to vector<1x16xf32>
      tpu.vector_store %arg10[%swap3A_370, %swap3A_371], %swap3A_374 {strides = array<i32>} : memref<128x128xf32, #tpu.memory_space<vmem>>, vector<1x16xf32>,
      %swap3A_375 = arith.index_cast %scan3A_354 : i32 to index
      %swap3A_376 = arith.constant 64 : index
      %swap3A_377 = tpu.vector_load %arg10[%swap3A_375, %swap3A_376] {strides = array<i32>} : memref<128x128xf32, #tpu.memory_space<vmem>>, vector<1x16xf32>,
      %swap3A_378 = vector.shape_cast %swap3A_377 : vector<1x16xf32> to vector<16xf32>
      %swap3A_379 = vector.shape_cast %broadcast_in_dim3A_3 : vector<16xf32> to vector<1x16xf32>
      tpu.vector_store %arg10[%swap3A_375, %swap3A_376], %swap3A_379 {strides = array<i32>} : memref<128x128xf32, #tpu.memory_space<vmem>>, vector<1x16xf32>,
      %swap3A_380 = arith.index_cast %scan3A_354 : i32 to index
      %swap3A_381 = arith.constant 80 : index
      %swap3A_382 = tpu.vector_load %arg10[%swap3A_380, %swap3A_381] {strides = array<i32>} : memref<128x128xf32, #tpu.memory_space<vmem>>, vector<1x16xf32>,
      %swap3A_383 = vector.shape_cast %swap3A_382 : vector<1x16xf32> to vector<16xf32>
      %swap3A_384 = vector.shape_cast %broadcast_in_dim3A_3 : vector<16xf32> to vector<1x16xf32>
      tpu.vector_store %arg10[%swap3A_380, %swap3A_381], %swap3A_384 {strides = array<i32>} : memref<128x128xf32, #tpu.memory_space<vmem>>, vector<1x16xf32>,
      %swap3A_385 = arith.index_cast %scan3A_354 : i32 to index
      %swap3A_386 = arith.constant 96 : index
      %swap3A_387 = tpu.vector_load %arg10[%swap3A_385, %swap3A_386] {strides = array<i32>} : memref<128x128xf32, #tpu.memory_space<vmem>>, vector<1x16xf32>,
      %swap3A_388 = vector.shape_cast %swap3A_387 : vector<1x16xf32> to vector<16xf32>
      %swap3A_389 = vector.shape_cast %broadcast_in_dim3A_3 : vector<16xf32> to vector<1x16xf32>
      tpu.vector_store %arg10[%swap3A_385, %swap3A_386], %swap3A_389 {strides = array<i32>} : memref<128x128xf32, #tpu.memory_space<vmem>>, vector<1x16xf32>,
      %swap3A_390 = arith.index_cast %scan3A_354 : i32 to index
      %swap3A_391 = arith.constant 112 : index
      %swap3A_392 = tpu.vector_load %arg10[%swap3A_390, %swap3A_391] {strides = array<i32>} : memref<128x128xf32, #tpu.memory_space<vmem>>, vector<1x16xf32>,
      %swap3A_393 = vector.shape_cast %swap3A_392 : vector<1x16xf32> to vector<16xf32>
      %swap3A_394 = vector.shape_cast %broadcast_in_dim3A_3 : vector<16xf32> to vector<1x16xf32>
      tpu.vector_store %arg10[%swap3A_390, %swap3A_391], %swap3A_394 {strides = array<i32>} : memref<128x128xf32, #tpu.memory_space<vmem>>, vector<1x16xf32>,
    }
    %scan3A_8 = arith.constant 128 : i32
    %mul3A_9 = arith.constant 640 : i32
    %mul3A_10 = arith.muli %arg1, %mul3A_9 : i32
    %add3A_11 = arith.constant 0 : i32
    %add3A_12 = arith.addi %mul3A_10, %add3A_11 : i32
    "tpu.region"() ({
      %run_scoped3A = tpu.sem_alloc : memref<!tpu.dma_semaphore, #tpu.memory_space<semaphore_mem>>
      %dma_start3A_354 = arith.constant 0 : i32
      %dma_start3A_355 = tpu.memref_slice %arg12[%add3A_12, %dma_start3A_354] : memref<10240x128xf32, #tpu.memory_space<vmem_shared>> -> memref<128x128xf32, #tpu.memory_space<vmem_shared>>
      %dma_start3A_356 = arith.constant 0 : i32
      %dma_start3A_357 = tpu.memref_slice %arg12[%add3A_12, %dma_start3A_356] : memref<10240x128xf32, #tpu.memory_space<vmem_shared>> -> memref<128x128xf32, #tpu.memory_space<vmem_shared>>
      tpu.enqueue_dma source(%arg10 : memref<128x128xf32, #tpu.memory_space<vmem>>) target(%dma_start3A_357 : memref<128x128xf32, #tpu.memory_space<vmem_shared>>) target_semaphore(%run_scoped3A : memref<!tpu.dma_semaphore, #tpu.memory_space<semaphore_mem>>)
      %dma_wait3A_358 = arith.constant 0 : i32
      %dma_wait3A_359 = tpu.memref_slice %arg12[%add3A_12, %dma_wait3A_358] : memref<10240x128xf32, #tpu.memory_space<vmem_shared>> -> memref<128x128xf32, #tpu.memory_space<vmem_shared>>
      %dma_wait3A_360 = arith.constant 0 : i32
      %dma_wait3A_361 = tpu.memref_slice %arg12[%add3A_12, %dma_wait3A_360] : memref<10240x128xf32, #tpu.memory_space<vmem_shared>> -> memref<128x128xf32, #tpu.memory_space<vmem_shared>>
      tpu.wait_dma2 semaphore(%run_scoped3A : memref<!tpu.dma_semaphore, #tpu.memory_space<semaphore_mem>>) src(%arg10 : memref<128x128xf32, #tpu.memory_space<vmem>>) dst(%dma_wait3A_361 : memref<128x128xf32, #tpu.memory_space<vmem_shared>>)
      tpu.yield
    }) : () -> ()
    %add3A_13 = arith.constant 128 : i32
    %add3A_14 = arith.addi %mul3A_10, %add3A_13 : i32
    "tpu.region"() ({
      %run_scoped3A = tpu.sem_alloc : memref<!tpu.dma_semaphore, #tpu.memory_space<semaphore_mem>>
      %dma_start3A_354 = arith.constant 0 : i32
      %dma_start3A_355 = tpu.memref_slice %arg12[%add3A_14, %dma_start3A_354] : memref<10240x128xf32, #tpu.memory_space<vmem_shared>> -> memref<128x128xf32, #tpu.memory_space<vmem_shared>>
      %dma_start3A_356 = arith.constant 0 : i32
      %dma_start3A_357 = tpu.memref_slice %arg12[%add3A_14, %dma_start3A_356] : memref<10240x128xf32, #tpu.memory_space<vmem_shared>> -> memref<128x128xf32, #tpu.memory_space<vmem_shared>>
      tpu.enqueue_dma source(%arg10 : memref<128x128xf32, #tpu.memory_space<vmem>>) target(%dma_start3A_357 : memref<128x128xf32, #tpu.memory_space<vmem_shared>>) target_semaphore(%run_scoped3A : memref<!tpu.dma_semaphore, #tpu.memory_space<semaphore_mem>>)
      %dma_wait3A_358 = arith.constant 0 : i32
      %dma_wait3A_359 = tpu.memref_slice %arg12[%add3A_14, %dma_wait3A_358] : memref<10240x128xf32, #tpu.memory_space<vmem_shared>> -> memref<128x128xf32, #tpu.memory_space<vmem_shared>>
      %dma_wait3A_360 = arith.constant 0 : i32
      %dma_wait3A_361 = tpu.memref_slice %arg12[%add3A_14, %dma_wait3A_360] : memref<10240x128xf32, #tpu.memory_space<vmem_shared>> -> memref<128x128xf32, #tpu.memory_space<vmem_shared>>
      tpu.wait_dma2 semaphore(%run_scoped3A : memref<!tpu.dma_semaphore, #tpu.memory_space<semaphore_mem>>) src(%arg10 : memref<128x128xf32, #tpu.memory_space<vmem>>) dst(%dma_wait3A_361 : memref<128x128xf32, #tpu.memory_space<vmem_shared>>)
      tpu.yield
    }) : () -> ()
    %add3A_15 = arith.constant 256 : i32
    %add3A_16 = arith.addi %mul3A_10, %add3A_15 : i32
    "tpu.region"() ({
      %run_scoped3A = tpu.sem_alloc : memref<!tpu.dma_semaphore, #tpu.memory_space<semaphore_mem>>
      %dma_start3A_354 = arith.constant 0 : i32
      %dma_start3A_355 = tpu.memref_slice %arg12[%add3A_16, %dma_start3A_354] : memref<10240x128xf32, #tpu.memory_space<vmem_shared>> -> memref<128x128xf32, #tpu.memory_space<vmem_shared>>
      %dma_start3A_356 = arith.constant 0 : i32
      %dma_start3A_357 = tpu.memref_slice %arg12[%add3A_16, %dma_start3A_356] : memref<10240x128xf32, #tpu.memory_space<vmem_shared>> -> memref<128x128xf32, #tpu.memory_space<vmem_shared>>
      tpu.enqueue_dma source(%arg10 : memref<128x128xf32, #tpu.memory_space<vmem>>) target(%dma_start3A_357 : memref<128x128xf32, #tpu.memory_space<vmem_shared>>) target_semaphore(%run_scoped3A : memref<!tpu.dma_semaphore, #tpu.memory_space<semaphore_mem>>)
      %dma_wait3A_358 = arith.constant 0 : i32
      %dma_wait3A_359 = tpu.memref_slice %arg12[%add3A_16, %dma_wait3A_358] : memref<10240x128xf32, #tpu.memory_space<vmem_shared>> -> memref<128x128xf32, #tpu.memory_space<vmem_shared>>
      %dma_wait3A_360 = arith.constant 0 : i32
      %dma_wait3A_361 = tpu.memref_slice %arg12[%add3A_16, %dma_wait3A_360] : memref<10240x128xf32, #tpu.memory_space<vmem_shared>> -> memref<128x128xf32, #tpu.memory_space<vmem_shared>>
      tpu.wait_dma2 semaphore(%run_scoped3A : memref<!tpu.dma_semaphore, #tpu.memory_space<semaphore_mem>>) src(%arg10 : memref<128x128xf32, #tpu.memory_space<vmem>>) dst(%dma_wait3A_361 : memref<128x128xf32, #tpu.memory_space<vmem_shared>>)
      tpu.yield
    }) : () -> ()
    %add3A_17 = arith.constant 384 : i32
    %add3A_18 = arith.addi %mul3A_10, %add3A_17 : i32
    "tpu.region"() ({
      %run_scoped3A = tpu.sem_alloc : memref<!tpu.dma_semaphore, #tpu.memory_space<semaphore_mem>>
      %dma_start3A_354 = arith.constant 0 : i32
      %dma_start3A_355 = tpu.memref_slice %arg12[%add3A_18, %dma_start3A_354] : memref<10240x128xf32, #tpu.memory_space<vmem_shared>> -> memref<128x128xf32, #tpu.memory_space<vmem_shared>>
      %dma_start3A_356 = arith.constant 0 : i32
      %dma_start3A_357 = tpu.memref_slice %arg12[%add3A_18, %dma_start3A_356] : memref<10240x128xf32, #tpu.memory_space<vmem_shared>> -> memref<128x128xf32, #tpu.memory_space<vmem_shared>>
      tpu.enqueue_dma source(%arg10 : memref<128x128xf32, #tpu.memory_space<vmem>>) target(%dma_start3A_357 : memref<128x128xf32, #tpu.memory_space<vmem_shared>>) target_semaphore(%run_scoped3A : memref<!tpu.dma_semaphore, #tpu.memory_space<semaphore_mem>>)
      %dma_wait3A_358 = arith.constant 0 : i32
      %dma_wait3A_359 = tpu.memref_slice %arg12[%add3A_18, %dma_wait3A_358] : memref<10240x128xf32, #tpu.memory_space<vmem_shared>> -> memref<128x128xf32, #tpu.memory_space<vmem_shared>>
      %dma_wait3A_360 = arith.constant 0 : i32
      %dma_wait3A_361 = tpu.memref_slice %arg12[%add3A_18, %dma_wait3A_360] : memref<10240x128xf32, #tpu.memory_space<vmem_shared>> -> memref<128x128xf32, #tpu.memory_space<vmem_shared>>
      tpu.wait_dma2 semaphore(%run_scoped3A : memref<!tpu.dma_semaphore, #tpu.memory_space<semaphore_mem>>) src(%arg10 : memref<128x128xf32, #tpu.memory_space<vmem>>) dst(%dma_wait3A_361 : memref<128x128xf32, #tpu.memory_space<vmem_shared>>)
      tpu.yield
    }) : () -> ()
    %add3A_19 = arith.constant 512 : i32
    %add3A_20 = arith.addi %mul3A_10, %add3A_19 : i32
    "tpu.region"() ({
      %run_scoped3A = tpu.sem_alloc : memref<!tpu.dma_semaphore, #tpu.memory_space<semaphore_mem>>
      %dma_start3A_354 = arith.constant 0 : i32
      %dma_start3A_355 = tpu.memref_slice %arg12[%add3A_20, %dma_start3A_354] : memref<10240x128xf32, #tpu.memory_space<vmem_shared>> -> memref<128x128xf32, #tpu.memory_space<vmem_shared>>
      %dma_start3A_356 = arith.constant 0 : i32
      %dma_start3A_357 = tpu.memref_slice %arg12[%add3A_20, %dma_start3A_356] : memref<10240x128xf32, #tpu.memory_space<vmem_shared>> -> memref<128x128xf32, #tpu.memory_space<vmem_shared>>
      tpu.enqueue_dma source(%arg10 : memref<128x128xf32, #tpu.memory_space<vmem>>) target(%dma_start3A_357 : memref<128x128xf32, #tpu.memory_space<vmem_shared>>) target_semaphore(%run_scoped3A : memref<!tpu.dma_semaphore, #tpu.memory_space<semaphore_mem>>)
      %dma_wait3A_358 = arith.constant 0 : i32
      %dma_wait3A_359 = tpu.memref_slice %arg12[%add3A_20, %dma_wait3A_358] : memref<10240x128xf32, #tpu.memory_space<vmem_shared>> -> memref<128x128xf32, #tpu.memory_space<vmem_shared>>
      %dma_wait3A_360 = arith.constant 0 : i32
      %dma_wait3A_361 = tpu.memref_slice %arg12[%add3A_20, %dma_wait3A_360] : memref<10240x128xf32, #tpu.memory_space<vmem_shared>> -> memref<128x128xf32, #tpu.memory_space<vmem_shared>>
      tpu.wait_dma2 semaphore(%run_scoped3A : memref<!tpu.dma_semaphore, #tpu.memory_space<semaphore_mem>>) src(%arg10 : memref<128x128xf32, #tpu.memory_space<vmem>>) dst(%dma_wait3A_361 : memref<128x128xf32, #tpu.memory_space<vmem_shared>>)
      tpu.yield
    }) : () -> ()
    %barrier3A = arith.constant 0 : index
    tpu.barrier barrier_id(%barrier3A)
    %get3A = arith.constant 0 : i32
    %get3A_21 = arith.index_cast %get3A : i32 to index
    %get3A_22 = arith.constant 0 : index
    %get3A_23 = tpu.vector_load %arg5[%get3A_21, %get3A_22] {strides = array<i32>} : memref<80x128xi32, #tpu.memory_space<vmem>>, vector<1x16xi32>,
    %get3A_24 = vector.shape_cast %get3A_23 : vector<1x16xi32> to vector<16xi32>
    %shift_right_arithmetic3A = arith.constant 14 : i32
    %shift_right_arithmetic3A_25 = vector.broadcast %shift_right_arithmetic3A : i32 to vector<16xi32>
    %shift_right_arithmetic3A_26 = arith.shrsi %get3A_24, %shift_right_arithmetic3A_25 : vector<16xi32>
    %swap3A = arith.constant 0 : index
    %swap3A_27 = tpu.vector_load %arg6[%swap3A] {strides = array<i32>} : memref<128xi32, #tpu.memory_space<vmem>>, vector<16xi32>,
    %swap3A_28 = vector.shape_cast %swap3A_27 : vector<16xi32> to vector<16xi32>
    %swap3A_29 = vector.shape_cast %shift_right_arithmetic3A_26 : vector<16xi32> to vector<16xi32>
    tpu.vector_store %arg6[%swap3A], %swap3A_29 {strides = array<i32>} : memref<128xi32, #tpu.memory_space<vmem>>, vector<16xi32>,
    %and3A = arith.constant 16383 : i32
    %and3A_30 = vector.broadcast %and3A : i32 to vector<16xi32>
    %and3A_31 = arith.andi %get3A_24, %and3A_30 : vector<16xi32>
    %swap3A_32 = arith.constant 0 : index
    %swap3A_33 = tpu.vector_load %arg8[%swap3A_32] {strides = array<i32>} : memref<128xi32, #tpu.memory_space<vmem>>, vector<16xi32>,
    %swap3A_34 = vector.shape_cast %swap3A_33 : vector<16xi32> to vector<16xi32>
    %swap3A_35 = vector.shape_cast %and3A_31 : vector<16xi32> to vector<16xi32>
    tpu.vector_store %arg8[%swap3A_32], %swap3A_35 {strides = array<i32>} : memref<128xi32, #tpu.memory_space<vmem>>, vector<16xi32>,
    %get3A_36 = arith.constant 0 : i32
    %get3A_37 = arith.index_cast %get3A_36 : i32 to index
    %get3A_38 = arith.constant 16 : index
    %get3A_39 = tpu.vector_load %arg5[%get3A_37, %get3A_38] {strides = array<i32>} : memref<80x128xi32, #tpu.memory_space<vmem>>, vector<1x16xi32>,
    %get3A_40 = vector.shape_cast %get3A_39 : vector<1x16xi32> to vector<16xi32>
    %shift_right_arithmetic3A_41 = arith.constant 14 : i32
    %shift_right_arithmetic3A_42 = vector.broadcast %shift_right_arithmetic3A_41 : i32 to vector<16xi32>
    %shift_right_arithmetic3A_43 = arith.shrsi %get3A_40, %shift_right_arithmetic3A_42 : vector<16xi32>
    %swap3A_44 = arith.constant 16 : index
    %swap3A_45 = tpu.vector_load %arg6[%swap3A_44] {strides = array<i32>} : memref<128xi32, #tpu.memory_space<vmem>>, vector<16xi32>,
    %swap3A_46 = vector.shape_cast %swap3A_45 : vector<16xi32> to vector<16xi32>
    %swap3A_47 = vector.shape_cast %shift_right_arithmetic3A_43 : vector<16xi32> to vector<16xi32>
    tpu.vector_store %arg6[%swap3A_44], %swap3A_47 {strides = array<i32>} : memref<128xi32, #tpu.memory_space<vmem>>, vector<16xi32>,
    %and3A_48 = arith.constant 16383 : i32
    %and3A_49 = vector.broadcast %and3A_48 : i32 to vector<16xi32>
    %and3A_50 = arith.andi %get3A_40, %and3A_49 : vector<16xi32>
    %swap3A_51 = arith.constant 16 : index
    %swap3A_52 = tpu.vector_load %arg8[%swap3A_51] {strides = array<i32>} : memref<128xi32, #tpu.memory_space<vmem>>, vector<16xi32>,
    %swap3A_53 = vector.shape_cast %swap3A_52 : vector<16xi32> to vector<16xi32>
    %swap3A_54 = vector.shape_cast %and3A_50 : vector<16xi32> to vector<16xi32>
    tpu.vector_store %arg8[%swap3A_51], %swap3A_54 {strides = array<i32>} : memref<128xi32, #tpu.memory_space<vmem>>, vector<16xi32>,
    %get3A_55 = arith.constant 0 : i32
    %get3A_56 = arith.index_cast %get3A_55 : i32 to index
    %get3A_57 = arith.constant 32 : index
    %get3A_58 = tpu.vector_load %arg5[%get3A_56, %get3A_57] {strides = array<i32>} : memref<80x128xi32, #tpu.memory_space<vmem>>, vector<1x16xi32>,
    %get3A_59 = vector.shape_cast %get3A_58 : vector<1x16xi32> to vector<16xi32>
    %shift_right_arithmetic3A_60 = arith.constant 14 : i32
    %shift_right_arithmetic3A_61 = vector.broadcast %shift_right_arithmetic3A_60 : i32 to vector<16xi32>
    %shift_right_arithmetic3A_62 = arith.shrsi %get3A_59, %shift_right_arithmetic3A_61 : vector<16xi32>
    %swap3A_63 = arith.constant 32 : index
    %swap3A_64 = tpu.vector_load %arg6[%swap3A_63] {strides = array<i32>} : memref<128xi32, #tpu.memory_space<vmem>>, vector<16xi32>,
    %swap3A_65 = vector.shape_cast %swap3A_64 : vector<16xi32> to vector<16xi32>
    %swap3A_66 = vector.shape_cast %shift_right_arithmetic3A_62 : vector<16xi32> to vector<16xi32>
    tpu.vector_store %arg6[%swap3A_63], %swap3A_66 {strides = array<i32>} : memref<128xi32, #tpu.memory_space<vmem>>, vector<16xi32>,
    %and3A_67 = arith.constant 16383 : i32
    %and3A_68 = vector.broadcast %and3A_67 : i32 to vector<16xi32>
    %and3A_69 = arith.andi %get3A_59, %and3A_68 : vector<16xi32>
    %swap3A_70 = arith.constant 32 : index
    %swap3A_71 = tpu.vector_load %arg8[%swap3A_70] {strides = array<i32>} : memref<128xi32, #tpu.memory_space<vmem>>, vector<16xi32>,
    %swap3A_72 = vector.shape_cast %swap3A_71 : vector<16xi32> to vector<16xi32>
    %swap3A_73 = vector.shape_cast %and3A_69 : vector<16xi32> to vector<16xi32>
    tpu.vector_store %arg8[%swap3A_70], %swap3A_73 {strides = array<i32>} : memref<128xi32, #tpu.memory_space<vmem>>, vector<16xi32>,
    %get3A_74 = arith.constant 0 : i32
    %get3A_75 = arith.index_cast %get3A_74 : i32 to index
    %get3A_76 = arith.constant 48 : index
    %get3A_77 = tpu.vector_load %arg5[%get3A_75, %get3A_76] {strides = array<i32>} : memref<80x128xi32, #tpu.memory_space<vmem>>, vector<1x16xi32>,
    %get3A_78 = vector.shape_cast %get3A_77 : vector<1x16xi32> to vector<16xi32>
    %shift_right_arithmetic3A_79 = arith.constant 14 : i32
    %shift_right_arithmetic3A_80 = vector.broadcast %shift_right_arithmetic3A_79 : i32 to vector<16xi32>
    %shift_right_arithmetic3A_81 = arith.shrsi %get3A_78, %shift_right_arithmetic3A_80 : vector<16xi32>
    %swap3A_82 = arith.constant 48 : index
    %swap3A_83 = tpu.vector_load %arg6[%swap3A_82] {strides = array<i32>} : memref<128xi32, #tpu.memory_space<vmem>>, vector<16xi32>,
    %swap3A_84 = vector.shape_cast %swap3A_83 : vector<16xi32> to vector<16xi32>
    %swap3A_85 = vector.shape_cast %shift_right_arithmetic3A_81 : vector<16xi32> to vector<16xi32>
    tpu.vector_store %arg6[%swap3A_82], %swap3A_85 {strides = array<i32>} : memref<128xi32, #tpu.memory_space<vmem>>, vector<16xi32>,
    %and3A_86 = arith.constant 16383 : i32
    %and3A_87 = vector.broadcast %and3A_86 : i32 to vector<16xi32>
    %and3A_88 = arith.andi %get3A_78, %and3A_87 : vector<16xi32>
    %swap3A_89 = arith.constant 48 : index
    %swap3A_90 = tpu.vector_load %arg8[%swap3A_89] {strides = array<i32>} : memref<128xi32, #tpu.memory_space<vmem>>, vector<16xi32>,
    %swap3A_91 = vector.shape_cast %swap3A_90 : vector<16xi32> to vector<16xi32>
    %swap3A_92 = vector.shape_cast %and3A_88 : vector<16xi32> to vector<16xi32>
    tpu.vector_store %arg8[%swap3A_89], %swap3A_92 {strides = array<i32>} : memref<128xi32, #tpu.memory_space<vmem>>, vector<16xi32>,
    %get3A_93 = arith.constant 0 : i32
    %get3A_94 = arith.index_cast %get3A_93 : i32 to index
    %get3A_95 = arith.constant 64 : index
    %get3A_96 = tpu.vector_load %arg5[%get3A_94, %get3A_95] {strides = array<i32>} : memref<80x128xi32, #tpu.memory_space<vmem>>, vector<1x16xi32>,
    %get3A_97 = vector.shape_cast %get3A_96 : vector<1x16xi32> to vector<16xi32>
    %shift_right_arithmetic3A_98 = arith.constant 14 : i32
    %shift_right_arithmetic3A_99 = vector.broadcast %shift_right_arithmetic3A_98 : i32 to vector<16xi32>
    %shift_right_arithmetic3A_100 = arith.shrsi %get3A_97, %shift_right_arithmetic3A_99 : vector<16xi32>
    %swap3A_101 = arith.constant 64 : index
    %swap3A_102 = tpu.vector_load %arg6[%swap3A_101] {strides = array<i32>} : memref<128xi32, #tpu.memory_space<vmem>>, vector<16xi32>,
    %swap3A_103 = vector.shape_cast %swap3A_102 : vector<16xi32> to vector<16xi32>
    %swap3A_104 = vector.shape_cast %shift_right_arithmetic3A_100 : vector<16xi32> to vector<16xi32>
    tpu.vector_store %arg6[%swap3A_101], %swap3A_104 {strides = array<i32>} : memref<128xi32, #tpu.memory_space<vmem>>, vector<16xi32>,
    %and3A_105 = arith.constant 16383 : i32
    %and3A_106 = vector.broadcast %and3A_105 : i32 to vector<16xi32>
    %and3A_107 = arith.andi %get3A_97, %and3A_106 : vector<16xi32>
    %swap3A_108 = arith.constant 64 : index
    %swap3A_109 = tpu.vector_load %arg8[%swap3A_108] {strides = array<i32>} : memref<128xi32, #tpu.memory_space<vmem>>, vector<16xi32>,
    %swap3A_110 = vector.shape_cast %swap3A_109 : vector<16xi32> to vector<16xi32>
    %swap3A_111 = vector.shape_cast %and3A_107 : vector<16xi32> to vector<16xi32>
    tpu.vector_store %arg8[%swap3A_108], %swap3A_111 {strides = array<i32>} : memref<128xi32, #tpu.memory_space<vmem>>, vector<16xi32>,
    %get3A_112 = arith.constant 0 : i32
    %get3A_113 = arith.index_cast %get3A_112 : i32 to index
    %get3A_114 = arith.constant 80 : index
    %get3A_115 = tpu.vector_load %arg5[%get3A_113, %get3A_114] {strides = array<i32>} : memref<80x128xi32, #tpu.memory_space<vmem>>, vector<1x16xi32>,
    %get3A_116 = vector.shape_cast %get3A_115 : vector<1x16xi32> to vector<16xi32>
    %shift_right_arithmetic3A_117 = arith.constant 14 : i32
    %shift_right_arithmetic3A_118 = vector.broadcast %shift_right_arithmetic3A_117 : i32 to vector<16xi32>
    %shift_right_arithmetic3A_119 = arith.shrsi %get3A_116, %shift_right_arithmetic3A_118 : vector<16xi32>
    %swap3A_120 = arith.constant 80 : index
    %swap3A_121 = tpu.vector_load %arg6[%swap3A_120] {strides = array<i32>} : memref<128xi32, #tpu.memory_space<vmem>>, vector<16xi32>,
    %swap3A_122 = vector.shape_cast %swap3A_121 : vector<16xi32> to vector<16xi32>
    %swap3A_123 = vector.shape_cast %shift_right_arithmetic3A_119 : vector<16xi32> to vector<16xi32>
    tpu.vector_store %arg6[%swap3A_120], %swap3A_123 {strides = array<i32>} : memref<128xi32, #tpu.memory_space<vmem>>, vector<16xi32>,
    %and3A_124 = arith.constant 16383 : i32
    %and3A_125 = vector.broadcast %and3A_124 : i32 to vector<16xi32>
    %and3A_126 = arith.andi %get3A_116, %and3A_125 : vector<16xi32>
    %swap3A_127 = arith.constant 80 : index
    %swap3A_128 = tpu.vector_load %arg8[%swap3A_127] {strides = array<i32>} : memref<128xi32, #tpu.memory_space<vmem>>, vector<16xi32>,
    %swap3A_129 = vector.shape_cast %swap3A_128 : vector<16xi32> to vector<16xi32>
    %swap3A_130 = vector.shape_cast %and3A_126 : vector<16xi32> to vector<16xi32>
    tpu.vector_store %arg8[%swap3A_127], %swap3A_130 {strides = array<i32>} : memref<128xi32, #tpu.memory_space<vmem>>, vector<16xi32>,
    %get3A_131 = arith.constant 0 : i32
    %get3A_132 = arith.index_cast %get3A_131 : i32 to index
    %get3A_133 = arith.constant 96 : index
    %get3A_134 = tpu.vector_load %arg5[%get3A_132, %get3A_133] {strides = array<i32>} : memref<80x128xi32, #tpu.memory_space<vmem>>, vector<1x16xi32>,
    %get3A_135 = vector.shape_cast %get3A_134 : vector<1x16xi32> to vector<16xi32>
    %shift_right_arithmetic3A_136 = arith.constant 14 : i32
    %shift_right_arithmetic3A_137 = vector.broadcast %shift_right_arithmetic3A_136 : i32 to vector<16xi32>
    %shift_right_arithmetic3A_138 = arith.shrsi %get3A_135, %shift_right_arithmetic3A_137 : vector<16xi32>
    %swap3A_139 = arith.constant 96 : index
    %swap3A_140 = tpu.vector_load %arg6[%swap3A_139] {strides = array<i32>} : memref<128xi32, #tpu.memory_space<vmem>>, vector<16xi32>,
    %swap3A_141 = vector.shape_cast %swap3A_140 : vector<16xi32> to vector<16xi32>
    %swap3A_142 = vector.shape_cast %shift_right_arithmetic3A_138 : vector<16xi32> to vector<16xi32>
    tpu.vector_store %arg6[%swap3A_139], %swap3A_142 {strides = array<i32>} : memref<128xi32, #tpu.memory_space<vmem>>, vector<16xi32>,
    %and3A_143 = arith.constant 16383 : i32
    %and3A_144 = vector.broadcast %and3A_143 : i32 to vector<16xi32>
    %and3A_145 = arith.andi %get3A_135, %and3A_144 : vector<16xi32>
    %swap3A_146 = arith.constant 96 : index
    %swap3A_147 = tpu.vector_load %arg8[%swap3A_146] {strides = array<i32>} : memref<128xi32, #tpu.memory_space<vmem>>, vector<16xi32>,
    %swap3A_148 = vector.shape_cast %swap3A_147 : vector<16xi32> to vector<16xi32>
    %swap3A_149 = vector.shape_cast %and3A_145 : vector<16xi32> to vector<16xi32>
    tpu.vector_store %arg8[%swap3A_146], %swap3A_149 {strides = array<i32>} : memref<128xi32, #tpu.memory_space<vmem>>, vector<16xi32>,
    %get3A_150 = arith.constant 0 : i32
    %get3A_151 = arith.index_cast %get3A_150 : i32 to index
    %get3A_152 = arith.constant 112 : index
    %get3A_153 = tpu.vector_load %arg5[%get3A_151, %get3A_152] {strides = array<i32>} : memref<80x128xi32, #tpu.memory_space<vmem>>, vector<1x16xi32>,
    %get3A_154 = vector.shape_cast %get3A_153 : vector<1x16xi32> to vector<16xi32>
    %shift_right_arithmetic3A_155 = arith.constant 14 : i32
    %shift_right_arithmetic3A_156 = vector.broadcast %shift_right_arithmetic3A_155 : i32 to vector<16xi32>
    %shift_right_arithmetic3A_157 = arith.shrsi %get3A_154, %shift_right_arithmetic3A_156 : vector<16xi32>
    %swap3A_158 = arith.constant 112 : index
    %swap3A_159 = tpu.vector_load %arg6[%swap3A_158] {strides = array<i32>} : memref<128xi32, #tpu.memory_space<vmem>>, vector<16xi32>,
    %swap3A_160 = vector.shape_cast %swap3A_159 : vector<16xi32> to vector<16xi32>
    %swap3A_161 = vector.shape_cast %shift_right_arithmetic3A_157 : vector<16xi32> to vector<16xi32>
    tpu.vector_store %arg6[%swap3A_158], %swap3A_161 {strides = array<i32>} : memref<128xi32, #tpu.memory_space<vmem>>, vector<16xi32>,
    %and3A_162 = arith.constant 16383 : i32
    %and3A_163 = vector.broadcast %and3A_162 : i32 to vector<16xi32>
    %and3A_164 = arith.andi %get3A_154, %and3A_163 : vector<16xi32>
    %swap3A_165 = arith.constant 112 : index
    %swap3A_166 = tpu.vector_load %arg8[%swap3A_165] {strides = array<i32>} : memref<128xi32, #tpu.memory_space<vmem>>, vector<16xi32>,
    %swap3A_167 = vector.shape_cast %swap3A_166 : vector<16xi32> to vector<16xi32>
    %swap3A_168 = vector.shape_cast %and3A_164 : vector<16xi32> to vector<16xi32>
    tpu.vector_store %arg8[%swap3A_165], %swap3A_168 {strides = array<i32>} : memref<128xi32, #tpu.memory_space<vmem>>, vector<16xi32>,
    %dma_start3A = arith.constant 0 : i32
    %dma_start3A_169 = arith.constant 0 : i32
    %dma_start3A_170 = tpu.memref_slice %arg2[%dma_start3A, %dma_start3A_169] : memref<10000x128xf32, #tpu.memory_space<hbm>> -> memref<10000x128xf32, #tpu.memory_space<hbm>>
    tpu.enqueue_indirect_dma source(%dma_start3A_170 : memref<10000x128xf32, #tpu.memory_space<hbm>>) target(%arg10 : memref<128x128xf32, #tpu.memory_space<vmem>>) offsets(%arg6 : memref<128xi32, #tpu.memory_space<vmem>>) semaphore(%arg13 : memref<!tpu.dma_semaphore, #tpu.memory_space<semaphore_mem>>)
    %get3A_171 = arith.constant 1 : i32
    %get3A_172 = arith.index_cast %get3A_171 : i32 to index
    %get3A_173 = arith.constant 0 : index
    %get3A_174 = tpu.vector_load %arg5[%get3A_172, %get3A_173] {strides = array<i32>} : memref<80x128xi32, #tpu.memory_space<vmem>>, vector<1x16xi32>,
    %get3A_175 = vector.shape_cast %get3A_174 : vector<1x16xi32> to vector<16xi32>
    %shift_right_arithmetic3A_176 = arith.constant 14 : i32
    %shift_right_arithmetic3A_177 = vector.broadcast %shift_right_arithmetic3A_176 : i32 to vector<16xi32>
    %shift_right_arithmetic3A_178 = arith.shrsi %get3A_175, %shift_right_arithmetic3A_177 : vector<16xi32>
    %swap3A_179 = arith.constant 0 : index
    %swap3A_180 = tpu.vector_load %arg7[%swap3A_179] {strides = array<i32>} : memref<128xi32, #tpu.memory_space<vmem>>, vector<16xi32>,
    %swap3A_181 = vector.shape_cast %swap3A_180 : vector<16xi32> to vector<16xi32>
    %swap3A_182 = vector.shape_cast %shift_right_arithmetic3A_178 : vector<16xi32> to vector<16xi32>
    tpu.vector_store %arg7[%swap3A_179], %swap3A_182 {strides = array<i32>} : memref<128xi32, #tpu.memory_space<vmem>>, vector<16xi32>,
    %and3A_183 = arith.constant 16383 : i32
    %and3A_184 = vector.broadcast %and3A_183 : i32 to vector<16xi32>
    %and3A_185 = arith.andi %get3A_175, %and3A_184 : vector<16xi32>
    %swap3A_186 = arith.constant 0 : index
    %swap3A_187 = tpu.vector_load %arg9[%swap3A_186] {strides = array<i32>} : memref<128xi32, #tpu.memory_space<vmem>>, vector<16xi32>,
    %swap3A_188 = vector.shape_cast %swap3A_187 : vector<16xi32> to vector<16xi32>
    %swap3A_189 = vector.shape_cast %and3A_185 : vector<16xi32> to vector<16xi32>
    tpu.vector_store %arg9[%swap3A_186], %swap3A_189 {strides = array<i32>} : memref<128xi32, #tpu.memory_space<vmem>>, vector<16xi32>,
    %get3A_190 = arith.constant 1 : i32
    %get3A_191 = arith.index_cast %get3A_190 : i32 to index
    %get3A_192 = arith.constant 16 : index
    %get3A_193 = tpu.vector_load %arg5[%get3A_191, %get3A_192] {strides = array<i32>} : memref<80x128xi32, #tpu.memory_space<vmem>>, vector<1x16xi32>,
    %get3A_194 = vector.shape_cast %get3A_193 : vector<1x16xi32> to vector<16xi32>
    %shift_right_arithmetic3A_195 = arith.constant 14 : i32
    %shift_right_arithmetic3A_196 = vector.broadcast %shift_right_arithmetic3A_195 : i32 to vector<16xi32>
    %shift_right_arithmetic3A_197 = arith.shrsi %get3A_194, %shift_right_arithmetic3A_196 : vector<16xi32>
    %swap3A_198 = arith.constant 16 : index
    %swap3A_199 = tpu.vector_load %arg7[%swap3A_198] {strides = array<i32>} : memref<128xi32, #tpu.memory_space<vmem>>, vector<16xi32>,
    %swap3A_200 = vector.shape_cast %swap3A_199 : vector<16xi32> to vector<16xi32>
    %swap3A_201 = vector.shape_cast %shift_right_arithmetic3A_197 : vector<16xi32> to vector<16xi32>
    tpu.vector_store %arg7[%swap3A_198], %swap3A_201 {strides = array<i32>} : memref<128xi32, #tpu.memory_space<vmem>>, vector<16xi32>,
    %and3A_202 = arith.constant 16383 : i32
    %and3A_203 = vector.broadcast %and3A_202 : i32 to vector<16xi32>
    %and3A_204 = arith.andi %get3A_194, %and3A_203 : vector<16xi32>
    %swap3A_205 = arith.constant 16 : index
    %swap3A_206 = tpu.vector_load %arg9[%swap3A_205] {strides = array<i32>} : memref<128xi32, #tpu.memory_space<vmem>>, vector<16xi32>,
    %swap3A_207 = vector.shape_cast %swap3A_206 : vector<16xi32> to vector<16xi32>
    %swap3A_208 = vector.shape_cast %and3A_204 : vector<16xi32> to vector<16xi32>
    tpu.vector_store %arg9[%swap3A_205], %swap3A_208 {strides = array<i32>} : memref<128xi32, #tpu.memory_space<vmem>>, vector<16xi32>,
    %get3A_209 = arith.constant 1 : i32
    %get3A_210 = arith.index_cast %get3A_209 : i32 to index
    %get3A_211 = arith.constant 32 : index
    %get3A_212 = tpu.vector_load %arg5[%get3A_210, %get3A_211] {strides = array<i32>} : memref<80x128xi32, #tpu.memory_space<vmem>>, vector<1x16xi32>,
    %get3A_213 = vector.shape_cast %get3A_212 : vector<1x16xi32> to vector<16xi32>
    %shift_right_arithmetic3A_214 = arith.constant 14 : i32
    %shift_right_arithmetic3A_215 = vector.broadcast %shift_right_arithmetic3A_214 : i32 to vector<16xi32>
    %shift_right_arithmetic3A_216 = arith.shrsi %get3A_213, %shift_right_arithmetic3A_215 : vector<16xi32>
    %swap3A_217 = arith.constant 32 : index
    %swap3A_218 = tpu.vector_load %arg7[%swap3A_217] {strides = array<i32>} : memref<128xi32, #tpu.memory_space<vmem>>, vector<16xi32>,
    %swap3A_219 = vector.shape_cast %swap3A_218 : vector<16xi32> to vector<16xi32>
    %swap3A_220 = vector.shape_cast %shift_right_arithmetic3A_216 : vector<16xi32> to vector<16xi32>
    tpu.vector_store %arg7[%swap3A_217], %swap3A_220 {strides = array<i32>} : memref<128xi32, #tpu.memory_space<vmem>>, vector<16xi32>,
    %and3A_221 = arith.constant 16383 : i32
    %and3A_222 = vector.broadcast %and3A_221 : i32 to vector<16xi32>
    %and3A_223 = arith.andi %get3A_213, %and3A_222 : vector<16xi32>
    %swap3A_224 = arith.constant 32 : index
    %swap3A_225 = tpu.vector_load %arg9[%swap3A_224] {strides = array<i32>} : memref<128xi32, #tpu.memory_space<vmem>>, vector<16xi32>,
    %swap3A_226 = vector.shape_cast %swap3A_225 : vector<16xi32> to vector<16xi32>
    %swap3A_227 = vector.shape_cast %and3A_223 : vector<16xi32> to vector<16xi32>
    tpu.vector_store %arg9[%swap3A_224], %swap3A_227 {strides = array<i32>} : memref<128xi32, #tpu.memory_space<vmem>>, vector<16xi32>,
    %get3A_228 = arith.constant 1 : i32
    %get3A_229 = arith.index_cast %get3A_228 : i32 to index
    %get3A_230 = arith.constant 48 : index
    %get3A_231 = tpu.vector_load %arg5[%get3A_229, %get3A_230] {strides = array<i32>} : memref<80x128xi32, #tpu.memory_space<vmem>>, vector<1x16xi32>,
    %get3A_232 = vector.shape_cast %get3A_231 : vector<1x16xi32> to vector<16xi32>
    %shift_right_arithmetic3A_233 = arith.constant 14 : i32
    %shift_right_arithmetic3A_234 = vector.broadcast %shift_right_arithmetic3A_233 : i32 to vector<16xi32>
    %shift_right_arithmetic3A_235 = arith.shrsi %get3A_232, %shift_right_arithmetic3A_234 : vector<16xi32>
    %swap3A_236 = arith.constant 48 : index
    %swap3A_237 = tpu.vector_load %arg7[%swap3A_236] {strides = array<i32>} : memref<128xi32, #tpu.memory_space<vmem>>, vector<16xi32>,
    %swap3A_238 = vector.shape_cast %swap3A_237 : vector<16xi32> to vector<16xi32>
    %swap3A_239 = vector.shape_cast %shift_right_arithmetic3A_235 : vector<16xi32> to vector<16xi32>
    tpu.vector_store %arg7[%swap3A_236], %swap3A_239 {strides = array<i32>} : memref<128xi32, #tpu.memory_space<vmem>>, vector<16xi32>,
    %and3A_240 = arith.constant 16383 : i32
    %and3A_241 = vector.broadcast %and3A_240 : i32 to vector<16xi32>
    %and3A_242 = arith.andi %get3A_232, %and3A_241 : vector<16xi32>
    %swap3A_243 = arith.constant 48 : index
    %swap3A_244 = tpu.vector_load %arg9[%swap3A_243] {strides = array<i32>} : memref<128xi32, #tpu.memory_space<vmem>>, vector<16xi32>,
    %swap3A_245 = vector.shape_cast %swap3A_244 : vector<16xi32> to vector<16xi32>
    %swap3A_246 = vector.shape_cast %and3A_242 : vector<16xi32> to vector<16xi32>
    tpu.vector_store %arg9[%swap3A_243], %swap3A_246 {strides = array<i32>} : memref<128xi32, #tpu.memory_space<vmem>>, vector<16xi32>,
    %get3A_247 = arith.constant 1 : i32
    %get3A_248 = arith.index_cast %get3A_247 : i32 to index
    %get3A_249 = arith.constant 64 : index
    %get3A_250 = tpu.vector_load %arg5[%get3A_248, %get3A_249] {strides = array<i32>} : memref<80x128xi32, #tpu.memory_space<vmem>>, vector<1x16xi32>,
    %get3A_251 = vector.shape_cast %get3A_250 : vector<1x16xi32> to vector<16xi32>
    %shift_right_arithmetic3A_252 = arith.constant 14 : i32
    %shift_right_arithmetic3A_253 = vector.broadcast %shift_right_arithmetic3A_252 : i32 to vector<16xi32>
    %shift_right_arithmetic3A_254 = arith.shrsi %get3A_251, %shift_right_arithmetic3A_253 : vector<16xi32>
    %swap3A_255 = arith.constant 64 : index
    %swap3A_256 = tpu.vector_load %arg7[%swap3A_255] {strides = array<i32>} : memref<128xi32, #tpu.memory_space<vmem>>, vector<16xi32>,
    %swap3A_257 = vector.shape_cast %swap3A_256 : vector<16xi32> to vector<16xi32>
    %swap3A_258 = vector.shape_cast %shift_right_arithmetic3A_254 : vector<16xi32> to vector<16xi32>
    tpu.vector_store %arg7[%swap3A_255], %swap3A_258 {strides = array<i32>} : memref<128xi32, #tpu.memory_space<vmem>>, vector<16xi32>,
    %and3A_259 = arith.constant 16383 : i32
    %and3A_260 = vector.broadcast %and3A_259 : i32 to vector<16xi32>
    %and3A_261 = arith.andi %get3A_251, %and3A_260 : vector<16xi32>
    %swap3A_262 = arith.constant 64 : index
    %swap3A_263 = tpu.vector_load %arg9[%swap3A_262] {strides = array<i32>} : memref<128xi32, #tpu.memory_space<vmem>>, vector<16xi32>,
    %swap3A_264 = vector.shape_cast %swap3A_263 : vector<16xi32> to vector<16xi32>
    %swap3A_265 = vector.shape_cast %and3A_261 : vector<16xi32> to vector<16xi32>
    tpu.vector_store %arg9[%swap3A_262], %swap3A_265 {strides = array<i32>} : memref<128xi32, #tpu.memory_space<vmem>>, vector<16xi32>,
    %get3A_266 = arith.constant 1 : i32
    %get3A_267 = arith.index_cast %get3A_266 : i32 to index
    %get3A_268 = arith.constant 80 : index
    %get3A_269 = tpu.vector_load %arg5[%get3A_267, %get3A_268] {strides = array<i32>} : memref<80x128xi32, #tpu.memory_space<vmem>>, vector<1x16xi32>,
    %get3A_270 = vector.shape_cast %get3A_269 : vector<1x16xi32> to vector<16xi32>
    %shift_right_arithmetic3A_271 = arith.constant 14 : i32
    %shift_right_arithmetic3A_272 = vector.broadcast %shift_right_arithmetic3A_271 : i32 to vector<16xi32>
    %shift_right_arithmetic3A_273 = arith.shrsi %get3A_270, %shift_right_arithmetic3A_272 : vector<16xi32>
    %swap3A_274 = arith.constant 80 : index
    %swap3A_275 = tpu.vector_load %arg7[%swap3A_274] {strides = array<i32>} : memref<128xi32, #tpu.memory_space<vmem>>, vector<16xi32>,
    %swap3A_276 = vector.shape_cast %swap3A_275 : vector<16xi32> to vector<16xi32>
    %swap3A_277 = vector.shape_cast %shift_right_arithmetic3A_273 : vector<16xi32> to vector<16xi32>
    tpu.vector_store %arg7[%swap3A_274], %swap3A_277 {strides = array<i32>} : memref<128xi32, #tpu.memory_space<vmem>>, vector<16xi32>,
    %and3A_278 = arith.constant 16383 : i32
    %and3A_279 = vector.broadcast %and3A_278 : i32 to vector<16xi32>
    %and3A_280 = arith.andi %get3A_270, %and3A_279 : vector<16xi32>
    %swap3A_281 = arith.constant 80 : index
    %swap3A_282 = tpu.vector_load %arg9[%swap3A_281] {strides = array<i32>} : memref<128xi32, #tpu.memory_space<vmem>>, vector<16xi32>,
    %swap3A_283 = vector.shape_cast %swap3A_282 : vector<16xi32> to vector<16xi32>
    %swap3A_284 = vector.shape_cast %and3A_280 : vector<16xi32> to vector<16xi32>
    tpu.vector_store %arg9[%swap3A_281], %swap3A_284 {strides = array<i32>} : memref<128xi32, #tpu.memory_space<vmem>>, vector<16xi32>,
    %get3A_285 = arith.constant 1 : i32
    %get3A_286 = arith.index_cast %get3A_285 : i32 to index
    %get3A_287 = arith.constant 96 : index
    %get3A_288 = tpu.vector_load %arg5[%get3A_286, %get3A_287] {strides = array<i32>} : memref<80x128xi32, #tpu.memory_space<vmem>>, vector<1x16xi32>,
    %get3A_289 = vector.shape_cast %get3A_288 : vector<1x16xi32> to vector<16xi32>
    %shift_right_arithmetic3A_290 = arith.constant 14 : i32
    %shift_right_arithmetic3A_291 = vector.broadcast %shift_right_arithmetic3A_290 : i32 to vector<16xi32>
    %shift_right_arithmetic3A_292 = arith.shrsi %get3A_289, %shift_right_arithmetic3A_291 : vector<16xi32>
    %swap3A_293 = arith.constant 96 : index
    %swap3A_294 = tpu.vector_load %arg7[%swap3A_293] {strides = array<i32>} : memref<128xi32, #tpu.memory_space<vmem>>, vector<16xi32>,
    %swap3A_295 = vector.shape_cast %swap3A_294 : vector<16xi32> to vector<16xi32>
    %swap3A_296 = vector.shape_cast %shift_right_arithmetic3A_292 : vector<16xi32> to vector<16xi32>
    tpu.vector_store %arg7[%swap3A_293], %swap3A_296 {strides = array<i32>} : memref<128xi32, #tpu.memory_space<vmem>>, vector<16xi32>,
    %and3A_297 = arith.constant 16383 : i32
    %and3A_298 = vector.broadcast %and3A_297 : i32 to vector<16xi32>
    %and3A_299 = arith.andi %get3A_289, %and3A_298 : vector<16xi32>
    %swap3A_300 = arith.constant 96 : index
    %swap3A_301 = tpu.vector_load %arg9[%swap3A_300] {strides = array<i32>} : memref<128xi32, #tpu.memory_space<vmem>>, vector<16xi32>,
    %swap3A_302 = vector.shape_cast %swap3A_301 : vector<16xi32> to vector<16xi32>
    %swap3A_303 = vector.shape_cast %and3A_299 : vector<16xi32> to vector<16xi32>
    tpu.vector_store %arg9[%swap3A_300], %swap3A_303 {strides = array<i32>} : memref<128xi32, #tpu.memory_space<vmem>>, vector<16xi32>,
    %get3A_304 = arith.constant 1 : i32
    %get3A_305 = arith.index_cast %get3A_304 : i32 to index
    %get3A_306 = arith.constant 112 : index
    %get3A_307 = tpu.vector_load %arg5[%get3A_305, %get3A_306] {strides = array<i32>} : memref<80x128xi32, #tpu.memory_space<vmem>>, vector<1x16xi32>,
    %get3A_308 = vector.shape_cast %get3A_307 : vector<1x16xi32> to vector<16xi32>
    %shift_right_arithmetic3A_309 = arith.constant 14 : i32
    %shift_right_arithmetic3A_310 = vector.broadcast %shift_right_arithmetic3A_309 : i32 to vector<16xi32>
    %shift_right_arithmetic3A_311 = arith.shrsi %get3A_308, %shift_right_arithmetic3A_310 : vector<16xi32>
    %swap3A_312 = arith.constant 112 : index
    %swap3A_313 = tpu.vector_load %arg7[%swap3A_312] {strides = array<i32>} : memref<128xi32, #tpu.memory_space<vmem>>, vector<16xi32>,
    %swap3A_314 = vector.shape_cast %swap3A_313 : vector<16xi32> to vector<16xi32>
    %swap3A_315 = vector.shape_cast %shift_right_arithmetic3A_311 : vector<16xi32> to vector<16xi32>
    tpu.vector_store %arg7[%swap3A_312], %swap3A_315 {strides = array<i32>} : memref<128xi32, #tpu.memory_space<vmem>>, vector<16xi32>,
    %and3A_316 = arith.constant 16383 : i32
    %and3A_317 = vector.broadcast %and3A_316 : i32 to vector<16xi32>
    %and3A_318 = arith.andi %get3A_308, %and3A_317 : vector<16xi32>
    %swap3A_319 = arith.constant 112 : index
    %swap3A_320 = tpu.vector_load %arg9[%swap3A_319] {strides = array<i32>} : memref<128xi32, #tpu.memory_space<vmem>>, vector<16xi32>,
    %swap3A_321 = vector.shape_cast %swap3A_320 : vector<16xi32> to vector<16xi32>
    %swap3A_322 = vector.shape_cast %and3A_318 : vector<16xi32> to vector<16xi32>
    tpu.vector_store %arg9[%swap3A_319], %swap3A_322 {strides = array<i32>} : memref<128xi32, #tpu.memory_space<vmem>>, vector<16xi32>,
    %dma_start3A_323 = arith.constant 0 : i32
    %dma_start3A_324 = arith.constant 0 : i32
    %dma_start3A_325 = tpu.memref_slice %arg2[%dma_start3A_323, %dma_start3A_324] : memref<10000x128xf32, #tpu.memory_space<hbm>> -> memref<10000x128xf32, #tpu.memory_space<hbm>>
    tpu.enqueue_indirect_dma source(%dma_start3A_325 : memref<10000x128xf32, #tpu.memory_space<hbm>>) target(%arg11 : memref<128x128xf32, #tpu.memory_space<vmem>>) offsets(%arg7 : memref<128xi32, #tpu.memory_space<vmem>>) semaphore(%arg14 : memref<!tpu.dma_semaphore, #tpu.memory_space<semaphore_mem>>)
    %scan3A_326 = arith.constant 0 : i32
    %scan3A_327 = arith.constant 0 : i32
    %scan3A_328 = arith.constant 39 : i32
    %scan3A_329 = arith.addi %scan3A_327, %scan3A_328 : i32
    %scan3A_330 = arith.constant 1 : i32
    scf.for %scan3A_354 = %scan3A_327 to %scan3A_329 step %scan3A_330  : i32 {
      %mul3A_355 = arith.constant 2 : i32
      %mul3A_356 = arith.muli %scan3A_354, %mul3A_355 : i32
      %dma_wait3A_357 = arith.constant 0 : i32
      %dma_wait3A_358 = arith.constant 0 : i32
      %dma_wait3A_359 = tpu.memref_slice %arg2[%dma_wait3A_357, %dma_wait3A_358] : memref<10000x128xf32, #tpu.memory_space<hbm>> -> memref<128x128xf32, #tpu.memory_space<hbm>>
      %dma_wait3A_360 = arith.constant 0 : i32
      %dma_wait3A_361 = arith.constant 0 : i32
      %dma_wait3A_362 = tpu.memref_slice %arg2[%dma_wait3A_360, %dma_wait3A_361] : memref<10000x128xf32, #tpu.memory_space<hbm>> -> memref<128x128xf32, #tpu.memory_space<hbm>>
      tpu.wait_dma2 semaphore(%arg13 : memref<!tpu.dma_semaphore, #tpu.memory_space<semaphore_mem>>) src(%dma_wait3A_362 : memref<128x128xf32, #tpu.memory_space<hbm>>) dst(%arg10 : memref<128x128xf32, #tpu.memory_space<vmem>>)
      "tpu.region"() ({
        %run_scoped3A = tpu.sem_alloc : memref<!tpu.dma_semaphore, #tpu.memory_space<semaphore_mem>>
        %dma_start3A_667 = arith.constant 0 : i32
        %dma_start3A_668 = arith.constant 0 : i32
        %dma_start3A_669 = tpu.memref_slice %arg12[%dma_start3A_667, %dma_start3A_668] : memref<10240x128xf32, #tpu.memory_space<vmem_shared>> -> memref<10240x128xf32, #tpu.memory_space<vmem_shared>>
        tpu.enqueue_indirect_dma source(%arg10 : memref<128x128xf32, #tpu.memory_space<vmem>>) target(%dma_start3A_669 : memref<10240x128xf32, #tpu.memory_space<vmem_shared>>) offsets(%arg8 : memref<128xi32, #tpu.memory_space<vmem>>) semaphore(%run_scoped3A : memref<!tpu.dma_semaphore, #tpu.memory_space<semaphore_mem>>) {add = true}
        %dma_wait3A_670 = arith.constant 0 : i32
        %dma_wait3A_671 = arith.constant 0 : i32
        %dma_wait3A_672 = tpu.memref_slice %arg12[%dma_wait3A_670, %dma_wait3A_671] : memref<10240x128xf32, #tpu.memory_space<vmem_shared>> -> memref<10240x128xf32, #tpu.memory_space<vmem_shared>>
        tpu.wait_indirect_dma semaphore(%run_scoped3A : memref<!tpu.dma_semaphore, #tpu.memory_space<semaphore_mem>>) src(%arg10 : memref<128x128xf32, #tpu.memory_space<vmem>>) dst(%dma_wait3A_672 : memref<10240x128xf32, #tpu.memory_space<vmem_shared>>)
        tpu.yield
      }) : () -> ()
      %add3A_363 = arith.constant 2 : i32
      %add3A_364 = arith.addi %mul3A_356, %add3A_363 : i32
      %get3A_365 = arith.index_cast %add3A_364 : i32 to index
      %get3A_366 = arith.constant 0 : index
      %get3A_367 = tpu.vector_load %arg5[%get3A_365, %get3A_366] {strides = array<i32>} : memref<80x128xi32, #tpu.memory_space<vmem>>, vector<1x16xi32>,
      %get3A_368 = vector.shape_cast %get3A_367 : vector<1x16xi32> to vector<16xi32>
      %shift_right_arithmetic3A_369 = arith.constant 14 : i32
      %shift_right_arithmetic3A_370 = vector.broadcast %shift_right_arithmetic3A_369 : i32 to vector<16xi32>
      %shift_right_arithmetic3A_371 = arith.shrsi %get3A_368, %shift_right_arithmetic3A_370 : vector<16xi32>
      %swap3A_372 = arith.constant 0 : index
      %swap3A_373 = tpu.vector_load %arg6[%swap3A_372] {strides = array<i32>} : memref<128xi32, #tpu.memory_space<vmem>>, vector<16xi32>,
      %swap3A_374 = vector.shape_cast %swap3A_373 : vector<16xi32> to vector<16xi32>
      %swap3A_375 = vector.shape_cast %shift_right_arithmetic3A_371 : vector<16xi32> to vector<16xi32>
      tpu.vector_store %arg6[%swap3A_372], %swap3A_375 {strides = array<i32>} : memref<128xi32, #tpu.memory_space<vmem>>, vector<16xi32>,
      %and3A_376 = arith.constant 16383 : i32
      %and3A_377 = vector.broadcast %and3A_376 : i32 to vector<16xi32>
      %and3A_378 = arith.andi %get3A_368, %and3A_377 : vector<16xi32>
      %swap3A_379 = arith.constant 0 : index
      %swap3A_380 = tpu.vector_load %arg8[%swap3A_379] {strides = array<i32>} : memref<128xi32, #tpu.memory_space<vmem>>, vector<16xi32>,
      %swap3A_381 = vector.shape_cast %swap3A_380 : vector<16xi32> to vector<16xi32>
      %swap3A_382 = vector.shape_cast %and3A_378 : vector<16xi32> to vector<16xi32>
      tpu.vector_store %arg8[%swap3A_379], %swap3A_382 {strides = array<i32>} : memref<128xi32, #tpu.memory_space<vmem>>, vector<16xi32>,
      %get3A_383 = arith.index_cast %add3A_364 : i32 to index
      %get3A_384 = arith.constant 16 : index
      %get3A_385 = tpu.vector_load %arg5[%get3A_383, %get3A_384] {strides = array<i32>} : memref<80x128xi32, #tpu.memory_space<vmem>>, vector<1x16xi32>,
      %get3A_386 = vector.shape_cast %get3A_385 : vector<1x16xi32> to vector<16xi32>
      %shift_right_arithmetic3A_387 = arith.constant 14 : i32
      %shift_right_arithmetic3A_388 = vector.broadcast %shift_right_arithmetic3A_387 : i32 to vector<16xi32>
      %shift_right_arithmetic3A_389 = arith.shrsi %get3A_386, %shift_right_arithmetic3A_388 : vector<16xi32>
      %swap3A_390 = arith.constant 16 : index
      %swap3A_391 = tpu.vector_load %arg6[%swap3A_390] {strides = array<i32>} : memref<128xi32, #tpu.memory_space<vmem>>, vector<16xi32>,
      %swap3A_392 = vector.shape_cast %swap3A_391 : vector<16xi32> to vector<16xi32>
      %swap3A_393 = vector.shape_cast %shift_right_arithmetic3A_389 : vector<16xi32> to vector<16xi32>
      tpu.vector_store %arg6[%swap3A_390], %swap3A_393 {strides = array<i32>} : memref<128xi32, #tpu.memory_space<vmem>>, vector<16xi32>,
      %and3A_394 = arith.constant 16383 : i32
      %and3A_395 = vector.broadcast %and3A_394 : i32 to vector<16xi32>
      %and3A_396 = arith.andi %get3A_386, %and3A_395 : vector<16xi32>
      %swap3A_397 = arith.constant 16 : index
      %swap3A_398 = tpu.vector_load %arg8[%swap3A_397] {strides = array<i32>} : memref<128xi32, #tpu.memory_space<vmem>>, vector<16xi32>,
      %swap3A_399 = vector.shape_cast %swap3A_398 : vector<16xi32> to vector<16xi32>
      %swap3A_400 = vector.shape_cast %and3A_396 : vector<16xi32> to vector<16xi32>
      tpu.vector_store %arg8[%swap3A_397], %swap3A_400 {strides = array<i32>} : memref<128xi32, #tpu.memory_space<vmem>>, vector<16xi32>,
      %get3A_401 = arith.index_cast %add3A_364 : i32 to index
      %get3A_402 = arith.constant 32 : index
      %get3A_403 = tpu.vector_load %arg5[%get3A_401, %get3A_402] {strides = array<i32>} : memref<80x128xi32, #tpu.memory_space<vmem>>, vector<1x16xi32>,
      %get3A_404 = vector.shape_cast %get3A_403 : vector<1x16xi32> to vector<16xi32>
      %shift_right_arithmetic3A_405 = arith.constant 14 : i32
      %shift_right_arithmetic3A_406 = vector.broadcast %shift_right_arithmetic3A_405 : i32 to vector<16xi32>
      %shift_right_arithmetic3A_407 = arith.shrsi %get3A_404, %shift_right_arithmetic3A_406 : vector<16xi32>
      %swap3A_408 = arith.constant 32 : index
      %swap3A_409 = tpu.vector_load %arg6[%swap3A_408] {strides = array<i32>} : memref<128xi32, #tpu.memory_space<vmem>>, vector<16xi32>,
      %swap3A_410 = vector.shape_cast %swap3A_409 : vector<16xi32> to vector<16xi32>
      %swap3A_411 = vector.shape_cast %shift_right_arithmetic3A_407 : vector<16xi32> to vector<16xi32>
      tpu.vector_store %arg6[%swap3A_408], %swap3A_411 {strides = array<i32>} : memref<128xi32, #tpu.memory_space<vmem>>, vector<16xi32>,
      %and3A_412 = arith.constant 16383 : i32
      %and3A_413 = vector.broadcast %and3A_412 : i32 to vector<16xi32>
      %and3A_414 = arith.andi %get3A_404, %and3A_413 : vector<16xi32>
      %swap3A_415 = arith.constant 32 : index
      %swap3A_416 = tpu.vector_load %arg8[%swap3A_415] {strides = array<i32>} : memref<128xi32, #tpu.memory_space<vmem>>, vector<16xi32>,
      %swap3A_417 = vector.shape_cast %swap3A_416 : vector<16xi32> to vector<16xi32>
      %swap3A_418 = vector.shape_cast %and3A_414 : vector<16xi32> to vector<16xi32>
      tpu.vector_store %arg8[%swap3A_415], %swap3A_418 {strides = array<i32>} : memref<128xi32, #tpu.memory_space<vmem>>, vector<16xi32>,
      %get3A_419 = arith.index_cast %add3A_364 : i32 to index
      %get3A_420 = arith.constant 48 : index
      %get3A_421 = tpu.vector_load %arg5[%get3A_419, %get3A_420] {strides = array<i32>} : memref<80x128xi32, #tpu.memory_space<vmem>>, vector<1x16xi32>,
      %get3A_422 = vector.shape_cast %get3A_421 : vector<1x16xi32> to vector<16xi32>
      %shift_right_arithmetic3A_423 = arith.constant 14 : i32
      %shift_right_arithmetic3A_424 = vector.broadcast %shift_right_arithmetic3A_423 : i32 to vector<16xi32>
      %shift_right_arithmetic3A_425 = arith.shrsi %get3A_422, %shift_right_arithmetic3A_424 : vector<16xi32>
      %swap3A_426 = arith.constant 48 : index
      %swap3A_427 = tpu.vector_load %arg6[%swap3A_426] {strides = array<i32>} : memref<128xi32, #tpu.memory_space<vmem>>, vector<16xi32>,
      %swap3A_428 = vector.shape_cast %swap3A_427 : vector<16xi32> to vector<16xi32>
      %swap3A_429 = vector.shape_cast %shift_right_arithmetic3A_425 : vector<16xi32> to vector<16xi32>
      tpu.vector_store %arg6[%swap3A_426], %swap3A_429 {strides = array<i32>} : memref<128xi32, #tpu.memory_space<vmem>>, vector<16xi32>,
      %and3A_430 = arith.constant 16383 : i32
      %and3A_431 = vector.broadcast %and3A_430 : i32 to vector<16xi32>
      %and3A_432 = arith.andi %get3A_422, %and3A_431 : vector<16xi32>
      %swap3A_433 = arith.constant 48 : index
      %swap3A_434 = tpu.vector_load %arg8[%swap3A_433] {strides = array<i32>} : memref<128xi32, #tpu.memory_space<vmem>>, vector<16xi32>,
      %swap3A_435 = vector.shape_cast %swap3A_434 : vector<16xi32> to vector<16xi32>
      %swap3A_436 = vector.shape_cast %and3A_432 : vector<16xi32> to vector<16xi32>
      tpu.vector_store %arg8[%swap3A_433], %swap3A_436 {strides = array<i32>} : memref<128xi32, #tpu.memory_space<vmem>>, vector<16xi32>,
      %get3A_437 = arith.index_cast %add3A_364 : i32 to index
      %get3A_438 = arith.constant 64 : index
      %get3A_439 = tpu.vector_load %arg5[%get3A_437, %get3A_438] {strides = array<i32>} : memref<80x128xi32, #tpu.memory_space<vmem>>, vector<1x16xi32>,
      %get3A_440 = vector.shape_cast %get3A_439 : vector<1x16xi32> to vector<16xi32>
      %shift_right_arithmetic3A_441 = arith.constant 14 : i32
      %shift_right_arithmetic3A_442 = vector.broadcast %shift_right_arithmetic3A_441 : i32 to vector<16xi32>
      %shift_right_arithmetic3A_443 = arith.shrsi %get3A_440, %shift_right_arithmetic3A_442 : vector<16xi32>
      %swap3A_444 = arith.constant 64 : index
      %swap3A_445 = tpu.vector_load %arg6[%swap3A_444] {strides = array<i32>} : memref<128xi32, #tpu.memory_space<vmem>>, vector<16xi32>,
      %swap3A_446 = vector.shape_cast %swap3A_445 : vector<16xi32> to vector<16xi32>
      %swap3A_447 = vector.shape_cast %shift_right_arithmetic3A_443 : vector<16xi32> to vector<16xi32>
      tpu.vector_store %arg6[%swap3A_444], %swap3A_447 {strides = array<i32>} : memref<128xi32, #tpu.memory_space<vmem>>, vector<16xi32>,
      %and3A_448 = arith.constant 16383 : i32
      %and3A_449 = vector.broadcast %and3A_448 : i32 to vector<16xi32>
      %and3A_450 = arith.andi %get3A_440, %and3A_449 : vector<16xi32>
      %swap3A_451 = arith.constant 64 : index
      %swap3A_452 = tpu.vector_load %arg8[%swap3A_451] {strides = array<i32>} : memref<128xi32, #tpu.memory_space<vmem>>, vector<16xi32>,
      %swap3A_453 = vector.shape_cast %swap3A_452 : vector<16xi32> to vector<16xi32>
      %swap3A_454 = vector.shape_cast %and3A_450 : vector<16xi32> to vector<16xi32>
      tpu.vector_store %arg8[%swap3A_451], %swap3A_454 {strides = array<i32>} : memref<128xi32, #tpu.memory_space<vmem>>, vector<16xi32>,
      %get3A_455 = arith.index_cast %add3A_364 : i32 to index
      %get3A_456 = arith.constant 80 : index
      %get3A_457 = tpu.vector_load %arg5[%get3A_455, %get3A_456] {strides = array<i32>} : memref<80x128xi32, #tpu.memory_space<vmem>>, vector<1x16xi32>,
      %get3A_458 = vector.shape_cast %get3A_457 : vector<1x16xi32> to vector<16xi32>
      %shift_right_arithmetic3A_459 = arith.constant 14 : i32
      %shift_right_arithmetic3A_460 = vector.broadcast %shift_right_arithmetic3A_459 : i32 to vector<16xi32>
      %shift_right_arithmetic3A_461 = arith.shrsi %get3A_458, %shift_right_arithmetic3A_460 : vector<16xi32>
      %swap3A_462 = arith.constant 80 : index
      %swap3A_463 = tpu.vector_load %arg6[%swap3A_462] {strides = array<i32>} : memref<128xi32, #tpu.memory_space<vmem>>, vector<16xi32>,
      %swap3A_464 = vector.shape_cast %swap3A_463 : vector<16xi32> to vector<16xi32>
      %swap3A_465 = vector.shape_cast %shift_right_arithmetic3A_461 : vector<16xi32> to vector<16xi32>
      tpu.vector_store %arg6[%swap3A_462], %swap3A_465 {strides = array<i32>} : memref<128xi32, #tpu.memory_space<vmem>>, vector<16xi32>,
      %and3A_466 = arith.constant 16383 : i32
      %and3A_467 = vector.broadcast %and3A_466 : i32 to vector<16xi32>
      %and3A_468 = arith.andi %get3A_458, %and3A_467 : vector<16xi32>
      %swap3A_469 = arith.constant 80 : index
      %swap3A_470 = tpu.vector_load %arg8[%swap3A_469] {strides = array<i32>} : memref<128xi32, #tpu.memory_space<vmem>>, vector<16xi32>,
      %swap3A_471 = vector.shape_cast %swap3A_470 : vector<16xi32> to vector<16xi32>
      %swap3A_472 = vector.shape_cast %and3A_468 : vector<16xi32> to vector<16xi32>
      tpu.vector_store %arg8[%swap3A_469], %swap3A_472 {strides = array<i32>} : memref<128xi32, #tpu.memory_space<vmem>>, vector<16xi32>,
      %get3A_473 = arith.index_cast %add3A_364 : i32 to index
      %get3A_474 = arith.constant 96 : index
      %get3A_475 = tpu.vector_load %arg5[%get3A_473, %get3A_474] {strides = array<i32>} : memref<80x128xi32, #tpu.memory_space<vmem>>, vector<1x16xi32>,
      %get3A_476 = vector.shape_cast %get3A_475 : vector<1x16xi32> to vector<16xi32>
      %shift_right_arithmetic3A_477 = arith.constant 14 : i32
      %shift_right_arithmetic3A_478 = vector.broadcast %shift_right_arithmetic3A_477 : i32 to vector<16xi32>
      %shift_right_arithmetic3A_479 = arith.shrsi %get3A_476, %shift_right_arithmetic3A_478 : vector<16xi32>
      %swap3A_480 = arith.constant 96 : index
      %swap3A_481 = tpu.vector_load %arg6[%swap3A_480] {strides = array<i32>} : memref<128xi32, #tpu.memory_space<vmem>>, vector<16xi32>,
      %swap3A_482 = vector.shape_cast %swap3A_481 : vector<16xi32> to vector<16xi32>
      %swap3A_483 = vector.shape_cast %shift_right_arithmetic3A_479 : vector<16xi32> to vector<16xi32>
      tpu.vector_store %arg6[%swap3A_480], %swap3A_483 {strides = array<i32>} : memref<128xi32, #tpu.memory_space<vmem>>, vector<16xi32>,
      %and3A_484 = arith.constant 16383 : i32
      %and3A_485 = vector.broadcast %and3A_484 : i32 to vector<16xi32>
      %and3A_486 = arith.andi %get3A_476, %and3A_485 : vector<16xi32>
      %swap3A_487 = arith.constant 96 : index
      %swap3A_488 = tpu.vector_load %arg8[%swap3A_487] {strides = array<i32>} : memref<128xi32, #tpu.memory_space<vmem>>, vector<16xi32>,
      %swap3A_489 = vector.shape_cast %swap3A_488 : vector<16xi32> to vector<16xi32>
      %swap3A_490 = vector.shape_cast %and3A_486 : vector<16xi32> to vector<16xi32>
      tpu.vector_store %arg8[%swap3A_487], %swap3A_490 {strides = array<i32>} : memref<128xi32, #tpu.memory_space<vmem>>, vector<16xi32>,
      %get3A_491 = arith.index_cast %add3A_364 : i32 to index
      %get3A_492 = arith.constant 112 : index
      %get3A_493 = tpu.vector_load %arg5[%get3A_491, %get3A_492] {strides = array<i32>} : memref<80x128xi32, #tpu.memory_space<vmem>>, vector<1x16xi32>,
      %get3A_494 = vector.shape_cast %get3A_493 : vector<1x16xi32> to vector<16xi32>
      %shift_right_arithmetic3A_495 = arith.constant 14 : i32
      %shift_right_arithmetic3A_496 = vector.broadcast %shift_right_arithmetic3A_495 : i32 to vector<16xi32>
      %shift_right_arithmetic3A_497 = arith.shrsi %get3A_494, %shift_right_arithmetic3A_496 : vector<16xi32>
      %swap3A_498 = arith.constant 112 : index
      %swap3A_499 = tpu.vector_load %arg6[%swap3A_498] {strides = array<i32>} : memref<128xi32, #tpu.memory_space<vmem>>, vector<16xi32>,
      %swap3A_500 = vector.shape_cast %swap3A_499 : vector<16xi32> to vector<16xi32>
      %swap3A_501 = vector.shape_cast %shift_right_arithmetic3A_497 : vector<16xi32> to vector<16xi32>
      tpu.vector_store %arg6[%swap3A_498], %swap3A_501 {strides = array<i32>} : memref<128xi32, #tpu.memory_space<vmem>>, vector<16xi32>,
      %and3A_502 = arith.constant 16383 : i32
      %and3A_503 = vector.broadcast %and3A_502 : i32 to vector<16xi32>
      %and3A_504 = arith.andi %get3A_494, %and3A_503 : vector<16xi32>
      %swap3A_505 = arith.constant 112 : index
      %swap3A_506 = tpu.vector_load %arg8[%swap3A_505] {strides = array<i32>} : memref<128xi32, #tpu.memory_space<vmem>>, vector<16xi32>,
      %swap3A_507 = vector.shape_cast %swap3A_506 : vector<16xi32> to vector<16xi32>
      %swap3A_508 = vector.shape_cast %and3A_504 : vector<16xi32> to vector<16xi32>
      tpu.vector_store %arg8[%swap3A_505], %swap3A_508 {strides = array<i32>} : memref<128xi32, #tpu.memory_space<vmem>>, vector<16xi32>,
      %dma_start3A_509 = arith.constant 0 : i32
      %dma_start3A_510 = arith.constant 0 : i32
      %dma_start3A_511 = tpu.memref_slice %arg2[%dma_start3A_509, %dma_start3A_510] : memref<10000x128xf32, #tpu.memory_space<hbm>> -> memref<10000x128xf32, #tpu.memory_space<hbm>>
      tpu.enqueue_indirect_dma source(%dma_start3A_511 : memref<10000x128xf32, #tpu.memory_space<hbm>>) target(%arg10 : memref<128x128xf32, #tpu.memory_space<vmem>>) offsets(%arg6 : memref<128xi32, #tpu.memory_space<vmem>>) semaphore(%arg13 : memref<!tpu.dma_semaphore, #tpu.memory_space<semaphore_mem>>)
      %dma_wait3A_512 = arith.constant 0 : i32
      %dma_wait3A_513 = arith.constant 0 : i32
      %dma_wait3A_514 = tpu.memref_slice %arg2[%dma_wait3A_512, %dma_wait3A_513] : memref<10000x128xf32, #tpu.memory_space<hbm>> -> memref<128x128xf32, #tpu.memory_space<hbm>>
      %dma_wait3A_515 = arith.constant 0 : i32
      %dma_wait3A_516 = arith.constant 0 : i32
      %dma_wait3A_517 = tpu.memref_slice %arg2[%dma_wait3A_515, %dma_wait3A_516] : memref<10000x128xf32, #tpu.memory_space<hbm>> -> memref<128x128xf32, #tpu.memory_space<hbm>>
      tpu.wait_dma2 semaphore(%arg14 : memref<!tpu.dma_semaphore, #tpu.memory_space<semaphore_mem>>) src(%dma_wait3A_517 : memref<128x128xf32, #tpu.memory_space<hbm>>) dst(%arg11 : memref<128x128xf32, #tpu.memory_space<vmem>>)
      "tpu.region"() ({
        %run_scoped3A = tpu.sem_alloc : memref<!tpu.dma_semaphore, #tpu.memory_space<semaphore_mem>>
        %dma_start3A_667 = arith.constant 0 : i32
        %dma_start3A_668 = arith.constant 0 : i32
        %dma_start3A_669 = tpu.memref_slice %arg12[%dma_start3A_667, %dma_start3A_668] : memref<10240x128xf32, #tpu.memory_space<vmem_shared>> -> memref<10240x128xf32, #tpu.memory_space<vmem_shared>>
        tpu.enqueue_indirect_dma source(%arg11 : memref<128x128xf32, #tpu.memory_space<vmem>>) target(%dma_start3A_669 : memref<10240x128xf32, #tpu.memory_space<vmem_shared>>) offsets(%arg9 : memref<128xi32, #tpu.memory_space<vmem>>) semaphore(%run_scoped3A : memref<!tpu.dma_semaphore, #tpu.memory_space<semaphore_mem>>) {add = true}
        %dma_wait3A_670 = arith.constant 0 : i32
        %dma_wait3A_671 = arith.constant 0 : i32
        %dma_wait3A_672 = tpu.memref_slice %arg12[%dma_wait3A_670, %dma_wait3A_671] : memref<10240x128xf32, #tpu.memory_space<vmem_shared>> -> memref<10240x128xf32, #tpu.memory_space<vmem_shared>>
        tpu.wait_indirect_dma semaphore(%run_scoped3A : memref<!tpu.dma_semaphore, #tpu.memory_space<semaphore_mem>>) src(%arg11 : memref<128x128xf32, #tpu.memory_space<vmem>>) dst(%dma_wait3A_672 : memref<10240x128xf32, #tpu.memory_space<vmem_shared>>)
        tpu.yield
      }) : () -> ()
      %add3A_518 = arith.constant 3 : i32
      %add3A_519 = arith.addi %mul3A_356, %add3A_518 : i32
      %get3A_520 = arith.index_cast %add3A_519 : i32 to index
      %get3A_521 = arith.constant 0 : index
      %get3A_522 = tpu.vector_load %arg5[%get3A_520, %get3A_521] {strides = array<i32>} : memref<80x128xi32, #tpu.memory_space<vmem>>, vector<1x16xi32>,
      %get3A_523 = vector.shape_cast %get3A_522 : vector<1x16xi32> to vector<16xi32>
      %shift_right_arithmetic3A_524 = arith.constant 14 : i32
      %shift_right_arithmetic3A_525 = vector.broadcast %shift_right_arithmetic3A_524 : i32 to vector<16xi32>
      %shift_right_arithmetic3A_526 = arith.shrsi %get3A_523, %shift_right_arithmetic3A_525 : vector<16xi32>
      %swap3A_527 = arith.constant 0 : index
      %swap3A_528 = tpu.vector_load %arg7[%swap3A_527] {strides = array<i32>} : memref<128xi32, #tpu.memory_space<vmem>>, vector<16xi32>,
      %swap3A_529 = vector.shape_cast %swap3A_528 : vector<16xi32> to vector<16xi32>
      %swap3A_530 = vector.shape_cast %shift_right_arithmetic3A_526 : vector<16xi32> to vector<16xi32>
      tpu.vector_store %arg7[%swap3A_527], %swap3A_530 {strides = array<i32>} : memref<128xi32, #tpu.memory_space<vmem>>, vector<16xi32>,
      %and3A_531 = arith.constant 16383 : i32
      %and3A_532 = vector.broadcast %and3A_531 : i32 to vector<16xi32>
      %and3A_533 = arith.andi %get3A_523, %and3A_532 : vector<16xi32>
      %swap3A_534 = arith.constant 0 : index
      %swap3A_535 = tpu.vector_load %arg9[%swap3A_534] {strides = array<i32>} : memref<128xi32, #tpu.memory_space<vmem>>, vector<16xi32>,
      %swap3A_536 = vector.shape_cast %swap3A_535 : vector<16xi32> to vector<16xi32>
      %swap3A_537 = vector.shape_cast %and3A_533 : vector<16xi32> to vector<16xi32>
      tpu.vector_store %arg9[%swap3A_534], %swap3A_537 {strides = array<i32>} : memref<128xi32, #tpu.memory_space<vmem>>, vector<16xi32>,
      %get3A_538 = arith.index_cast %add3A_519 : i32 to index
      %get3A_539 = arith.constant 16 : index
      %get3A_540 = tpu.vector_load %arg5[%get3A_538, %get3A_539] {strides = array<i32>} : memref<80x128xi32, #tpu.memory_space<vmem>>, vector<1x16xi32>,
      %get3A_541 = vector.shape_cast %get3A_540 : vector<1x16xi32> to vector<16xi32>
      %shift_right_arithmetic3A_542 = arith.constant 14 : i32
      %shift_right_arithmetic3A_543 = vector.broadcast %shift_right_arithmetic3A_542 : i32 to vector<16xi32>
      %shift_right_arithmetic3A_544 = arith.shrsi %get3A_541, %shift_right_arithmetic3A_543 : vector<16xi32>
      %swap3A_545 = arith.constant 16 : index
      %swap3A_546 = tpu.vector_load %arg7[%swap3A_545] {strides = array<i32>} : memref<128xi32, #tpu.memory_space<vmem>>, vector<16xi32>,
      %swap3A_547 = vector.shape_cast %swap3A_546 : vector<16xi32> to vector<16xi32>
      %swap3A_548 = vector.shape_cast %shift_right_arithmetic3A_544 : vector<16xi32> to vector<16xi32>
      tpu.vector_store %arg7[%swap3A_545], %swap3A_548 {strides = array<i32>} : memref<128xi32, #tpu.memory_space<vmem>>, vector<16xi32>,
      %and3A_549 = arith.constant 16383 : i32
      %and3A_550 = vector.broadcast %and3A_549 : i32 to vector<16xi32>
      %and3A_551 = arith.andi %get3A_541, %and3A_550 : vector<16xi32>
      %swap3A_552 = arith.constant 16 : index
      %swap3A_553 = tpu.vector_load %arg9[%swap3A_552] {strides = array<i32>} : memref<128xi32, #tpu.memory_space<vmem>>, vector<16xi32>,
      %swap3A_554 = vector.shape_cast %swap3A_553 : vector<16xi32> to vector<16xi32>
      %swap3A_555 = vector.shape_cast %and3A_551 : vector<16xi32> to vector<16xi32>
      tpu.vector_store %arg9[%swap3A_552], %swap3A_555 {strides = array<i32>} : memref<128xi32, #tpu.memory_space<vmem>>, vector<16xi32>,
      %get3A_556 = arith.index_cast %add3A_519 : i32 to index
      %get3A_557 = arith.constant 32 : index
      %get3A_558 = tpu.vector_load %arg5[%get3A_556, %get3A_557] {strides = array<i32>} : memref<80x128xi32, #tpu.memory_space<vmem>>, vector<1x16xi32>,
      %get3A_559 = vector.shape_cast %get3A_558 : vector<1x16xi32> to vector<16xi32>
      %shift_right_arithmetic3A_560 = arith.constant 14 : i32
      %shift_right_arithmetic3A_561 = vector.broadcast %shift_right_arithmetic3A_560 : i32 to vector<16xi32>
      %shift_right_arithmetic3A_562 = arith.shrsi %get3A_559, %shift_right_arithmetic3A_561 : vector<16xi32>
      %swap3A_563 = arith.constant 32 : index
      %swap3A_564 = tpu.vector_load %arg7[%swap3A_563] {strides = array<i32>} : memref<128xi32, #tpu.memory_space<vmem>>, vector<16xi32>,
      %swap3A_565 = vector.shape_cast %swap3A_564 : vector<16xi32> to vector<16xi32>
      %swap3A_566 = vector.shape_cast %shift_right_arithmetic3A_562 : vector<16xi32> to vector<16xi32>
      tpu.vector_store %arg7[%swap3A_563], %swap3A_566 {strides = array<i32>} : memref<128xi32, #tpu.memory_space<vmem>>, vector<16xi32>,
      %and3A_567 = arith.constant 16383 : i32
      %and3A_568 = vector.broadcast %and3A_567 : i32 to vector<16xi32>
      %and3A_569 = arith.andi %get3A_559, %and3A_568 : vector<16xi32>
      %swap3A_570 = arith.constant 32 : index
      %swap3A_571 = tpu.vector_load %arg9[%swap3A_570] {strides = array<i32>} : memref<128xi32, #tpu.memory_space<vmem>>, vector<16xi32>,
      %swap3A_572 = vector.shape_cast %swap3A_571 : vector<16xi32> to vector<16xi32>
      %swap3A_573 = vector.shape_cast %and3A_569 : vector<16xi32> to vector<16xi32>
      tpu.vector_store %arg9[%swap3A_570], %swap3A_573 {strides = array<i32>} : memref<128xi32, #tpu.memory_space<vmem>>, vector<16xi32>,
      %get3A_574 = arith.index_cast %add3A_519 : i32 to index
      %get3A_575 = arith.constant 48 : index
      %get3A_576 = tpu.vector_load %arg5[%get3A_574, %get3A_575] {strides = array<i32>} : memref<80x128xi32, #tpu.memory_space<vmem>>, vector<1x16xi32>,
      %get3A_577 = vector.shape_cast %get3A_576 : vector<1x16xi32> to vector<16xi32>
      %shift_right_arithmetic3A_578 = arith.constant 14 : i32
      %shift_right_arithmetic3A_579 = vector.broadcast %shift_right_arithmetic3A_578 : i32 to vector<16xi32>
      %shift_right_arithmetic3A_580 = arith.shrsi %get3A_577, %shift_right_arithmetic3A_579 : vector<16xi32>
      %swap3A_581 = arith.constant 48 : index
      %swap3A_582 = tpu.vector_load %arg7[%swap3A_581] {strides = array<i32>} : memref<128xi32, #tpu.memory_space<vmem>>, vector<16xi32>,
      %swap3A_583 = vector.shape_cast %swap3A_582 : vector<16xi32> to vector<16xi32>
      %swap3A_584 = vector.shape_cast %shift_right_arithmetic3A_580 : vector<16xi32> to vector<16xi32>
      tpu.vector_store %arg7[%swap3A_581], %swap3A_584 {strides = array<i32>} : memref<128xi32, #tpu.memory_space<vmem>>, vector<16xi32>,
      %and3A_585 = arith.constant 16383 : i32
      %and3A_586 = vector.broadcast %and3A_585 : i32 to vector<16xi32>
      %and3A_587 = arith.andi %get3A_577, %and3A_586 : vector<16xi32>
      %swap3A_588 = arith.constant 48 : index
      %swap3A_589 = tpu.vector_load %arg9[%swap3A_588] {strides = array<i32>} : memref<128xi32, #tpu.memory_space<vmem>>, vector<16xi32>,
      %swap3A_590 = vector.shape_cast %swap3A_589 : vector<16xi32> to vector<16xi32>
      %swap3A_591 = vector.shape_cast %and3A_587 : vector<16xi32> to vector<16xi32>
      tpu.vector_store %arg9[%swap3A_588], %swap3A_591 {strides = array<i32>} : memref<128xi32, #tpu.memory_space<vmem>>, vector<16xi32>,
      %get3A_592 = arith.index_cast %add3A_519 : i32 to index
      %get3A_593 = arith.constant 64 : index
      %get3A_594 = tpu.vector_load %arg5[%get3A_592, %get3A_593] {strides = array<i32>} : memref<80x128xi32, #tpu.memory_space<vmem>>, vector<1x16xi32>,
      %get3A_595 = vector.shape_cast %get3A_594 : vector<1x16xi32> to vector<16xi32>
      %shift_right_arithmetic3A_596 = arith.constant 14 : i32
      %shift_right_arithmetic3A_597 = vector.broadcast %shift_right_arithmetic3A_596 : i32 to vector<16xi32>
      %shift_right_arithmetic3A_598 = arith.shrsi %get3A_595, %shift_right_arithmetic3A_597 : vector<16xi32>
      %swap3A_599 = arith.constant 64 : index
      %swap3A_600 = tpu.vector_load %arg7[%swap3A_599] {strides = array<i32>} : memref<128xi32, #tpu.memory_space<vmem>>, vector<16xi32>,
      %swap3A_601 = vector.shape_cast %swap3A_600 : vector<16xi32> to vector<16xi32>
      %swap3A_602 = vector.shape_cast %shift_right_arithmetic3A_598 : vector<16xi32> to vector<16xi32>
      tpu.vector_store %arg7[%swap3A_599], %swap3A_602 {strides = array<i32>} : memref<128xi32, #tpu.memory_space<vmem>>, vector<16xi32>,
      %and3A_603 = arith.constant 16383 : i32
      %and3A_604 = vector.broadcast %and3A_603 : i32 to vector<16xi32>
      %and3A_605 = arith.andi %get3A_595, %and3A_604 : vector<16xi32>
      %swap3A_606 = arith.constant 64 : index
      %swap3A_607 = tpu.vector_load %arg9[%swap3A_606] {strides = array<i32>} : memref<128xi32, #tpu.memory_space<vmem>>, vector<16xi32>,
      %swap3A_608 = vector.shape_cast %swap3A_607 : vector<16xi32> to vector<16xi32>
      %swap3A_609 = vector.shape_cast %and3A_605 : vector<16xi32> to vector<16xi32>
      tpu.vector_store %arg9[%swap3A_606], %swap3A_609 {strides = array<i32>} : memref<128xi32, #tpu.memory_space<vmem>>, vector<16xi32>,
      %get3A_610 = arith.index_cast %add3A_519 : i32 to index
      %get3A_611 = arith.constant 80 : index
      %get3A_612 = tpu.vector_load %arg5[%get3A_610, %get3A_611] {strides = array<i32>} : memref<80x128xi32, #tpu.memory_space<vmem>>, vector<1x16xi32>,
      %get3A_613 = vector.shape_cast %get3A_612 : vector<1x16xi32> to vector<16xi32>
      %shift_right_arithmetic3A_614 = arith.constant 14 : i32
      %shift_right_arithmetic3A_615 = vector.broadcast %shift_right_arithmetic3A_614 : i32 to vector<16xi32>
      %shift_right_arithmetic3A_616 = arith.shrsi %get3A_613, %shift_right_arithmetic3A_615 : vector<16xi32>
      %swap3A_617 = arith.constant 80 : index
      %swap3A_618 = tpu.vector_load %arg7[%swap3A_617] {strides = array<i32>} : memref<128xi32, #tpu.memory_space<vmem>>, vector<16xi32>,
      %swap3A_619 = vector.shape_cast %swap3A_618 : vector<16xi32> to vector<16xi32>
      %swap3A_620 = vector.shape_cast %shift_right_arithmetic3A_616 : vector<16xi32> to vector<16xi32>
      tpu.vector_store %arg7[%swap3A_617], %swap3A_620 {strides = array<i32>} : memref<128xi32, #tpu.memory_space<vmem>>, vector<16xi32>,
      %and3A_621 = arith.constant 16383 : i32
      %and3A_622 = vector.broadcast %and3A_621 : i32 to vector<16xi32>
      %and3A_623 = arith.andi %get3A_613, %and3A_622 : vector<16xi32>
      %swap3A_624 = arith.constant 80 : index
      %swap3A_625 = tpu.vector_load %arg9[%swap3A_624] {strides = array<i32>} : memref<128xi32, #tpu.memory_space<vmem>>, vector<16xi32>,
      %swap3A_626 = vector.shape_cast %swap3A_625 : vector<16xi32> to vector<16xi32>
      %swap3A_627 = vector.shape_cast %and3A_623 : vector<16xi32> to vector<16xi32>
      tpu.vector_store %arg9[%swap3A_624], %swap3A_627 {strides = array<i32>} : memref<128xi32, #tpu.memory_space<vmem>>, vector<16xi32>,
      %get3A_628 = arith.index_cast %add3A_519 : i32 to index
      %get3A_629 = arith.constant 96 : index
      %get3A_630 = tpu.vector_load %arg5[%get3A_628, %get3A_629] {strides = array<i32>} : memref<80x128xi32, #tpu.memory_space<vmem>>, vector<1x16xi32>,
      %get3A_631 = vector.shape_cast %get3A_630 : vector<1x16xi32> to vector<16xi32>
      %shift_right_arithmetic3A_632 = arith.constant 14 : i32
      %shift_right_arithmetic3A_633 = vector.broadcast %shift_right_arithmetic3A_632 : i32 to vector<16xi32>
      %shift_right_arithmetic3A_634 = arith.shrsi %get3A_631, %shift_right_arithmetic3A_633 : vector<16xi32>
      %swap3A_635 = arith.constant 96 : index
      %swap3A_636 = tpu.vector_load %arg7[%swap3A_635] {strides = array<i32>} : memref<128xi32, #tpu.memory_space<vmem>>, vector<16xi32>,
      %swap3A_637 = vector.shape_cast %swap3A_636 : vector<16xi32> to vector<16xi32>
      %swap3A_638 = vector.shape_cast %shift_right_arithmetic3A_634 : vector<16xi32> to vector<16xi32>
      tpu.vector_store %arg7[%swap3A_635], %swap3A_638 {strides = array<i32>} : memref<128xi32, #tpu.memory_space<vmem>>, vector<16xi32>,
      %and3A_639 = arith.constant 16383 : i32
      %and3A_640 = vector.broadcast %and3A_639 : i32 to vector<16xi32>
      %and3A_641 = arith.andi %get3A_631, %and3A_640 : vector<16xi32>
      %swap3A_642 = arith.constant 96 : index
      %swap3A_643 = tpu.vector_load %arg9[%swap3A_642] {strides = array<i32>} : memref<128xi32, #tpu.memory_space<vmem>>, vector<16xi32>,
      %swap3A_644 = vector.shape_cast %swap3A_643 : vector<16xi32> to vector<16xi32>
      %swap3A_645 = vector.shape_cast %and3A_641 : vector<16xi32> to vector<16xi32>
      tpu.vector_store %arg9[%swap3A_642], %swap3A_645 {strides = array<i32>} : memref<128xi32, #tpu.memory_space<vmem>>, vector<16xi32>,
      %get3A_646 = arith.index_cast %add3A_519 : i32 to index
      %get3A_647 = arith.constant 112 : index
      %get3A_648 = tpu.vector_load %arg5[%get3A_646, %get3A_647] {strides = array<i32>} : memref<80x128xi32, #tpu.memory_space<vmem>>, vector<1x16xi32>,
      %get3A_649 = vector.shape_cast %get3A_648 : vector<1x16xi32> to vector<16xi32>
      %shift_right_arithmetic3A_650 = arith.constant 14 : i32
      %shift_right_arithmetic3A_651 = vector.broadcast %shift_right_arithmetic3A_650 : i32 to vector<16xi32>
      %shift_right_arithmetic3A_652 = arith.shrsi %get3A_649, %shift_right_arithmetic3A_651 : vector<16xi32>
      %swap3A_653 = arith.constant 112 : index
      %swap3A_654 = tpu.vector_load %arg7[%swap3A_653] {strides = array<i32>} : memref<128xi32, #tpu.memory_space<vmem>>, vector<16xi32>,
      %swap3A_655 = vector.shape_cast %swap3A_654 : vector<16xi32> to vector<16xi32>
      %swap3A_656 = vector.shape_cast %shift_right_arithmetic3A_652 : vector<16xi32> to vector<16xi32>
      tpu.vector_store %arg7[%swap3A_653], %swap3A_656 {strides = array<i32>} : memref<128xi32, #tpu.memory_space<vmem>>, vector<16xi32>,
      %and3A_657 = arith.constant 16383 : i32
      %and3A_658 = vector.broadcast %and3A_657 : i32 to vector<16xi32>
      %and3A_659 = arith.andi %get3A_649, %and3A_658 : vector<16xi32>
      %swap3A_660 = arith.constant 112 : index
      %swap3A_661 = tpu.vector_load %arg9[%swap3A_660] {strides = array<i32>} : memref<128xi32, #tpu.memory_space<vmem>>, vector<16xi32>,
      %swap3A_662 = vector.shape_cast %swap3A_661 : vector<16xi32> to vector<16xi32>
      %swap3A_663 = vector.shape_cast %and3A_659 : vector<16xi32> to vector<16xi32>
      tpu.vector_store %arg9[%swap3A_660], %swap3A_663 {strides = array<i32>} : memref<128xi32, #tpu.memory_space<vmem>>, vector<16xi32>,
      %dma_start3A_664 = arith.constant 0 : i32
      %dma_start3A_665 = arith.constant 0 : i32
      %dma_start3A_666 = tpu.memref_slice %arg2[%dma_start3A_664, %dma_start3A_665] : memref<10000x128xf32, #tpu.memory_space<hbm>> -> memref<10000x128xf32, #tpu.memory_space<hbm>>
      tpu.enqueue_indirect_dma source(%dma_start3A_666 : memref<10000x128xf32, #tpu.memory_space<hbm>>) target(%arg11 : memref<128x128xf32, #tpu.memory_space<vmem>>) offsets(%arg7 : memref<128xi32, #tpu.memory_space<vmem>>) semaphore(%arg14 : memref<!tpu.dma_semaphore, #tpu.memory_space<semaphore_mem>>)
    }
    %scan3A_331 = arith.constant 39 : i32
    %dma_wait3A = arith.constant 0 : i32
    %dma_wait3A_332 = arith.constant 0 : i32
    %dma_wait3A_333 = tpu.memref_slice %arg2[%dma_wait3A, %dma_wait3A_332] : memref<10000x128xf32, #tpu.memory_space<hbm>> -> memref<128x128xf32, #tpu.memory_space<hbm>>
    %dma_wait3A_334 = arith.constant 0 : i32
    %dma_wait3A_335 = arith.constant 0 : i32
    %dma_wait3A_336 = tpu.memref_slice %arg2[%dma_wait3A_334, %dma_wait3A_335] : memref<10000x128xf32, #tpu.memory_space<hbm>> -> memref<128x128xf32, #tpu.memory_space<hbm>>
    tpu.wait_dma2 semaphore(%arg13 : memref<!tpu.dma_semaphore, #tpu.memory_space<semaphore_mem>>) src(%dma_wait3A_336 : memref<128x128xf32, #tpu.memory_space<hbm>>) dst(%arg10 : memref<128x128xf32, #tpu.memory_space<vmem>>)
    "tpu.region"() ({
      %run_scoped3A = tpu.sem_alloc : memref<!tpu.dma_semaphore, #tpu.memory_space<semaphore_mem>>
      %dma_start3A_354 = arith.constant 0 : i32
      %dma_start3A_355 = arith.constant 0 : i32
      %dma_start3A_356 = tpu.memref_slice %arg12[%dma_start3A_354, %dma_start3A_355] : memref<10240x128xf32, #tpu.memory_space<vmem_shared>> -> memref<10240x128xf32, #tpu.memory_space<vmem_shared>>
      tpu.enqueue_indirect_dma source(%arg10 : memref<128x128xf32, #tpu.memory_space<vmem>>) target(%dma_start3A_356 : memref<10240x128xf32, #tpu.memory_space<vmem_shared>>) offsets(%arg8 : memref<128xi32, #tpu.memory_space<vmem>>) semaphore(%run_scoped3A : memref<!tpu.dma_semaphore, #tpu.memory_space<semaphore_mem>>) {add = true}
      %dma_wait3A_357 = arith.constant 0 : i32
      %dma_wait3A_358 = arith.constant 0 : i32
      %dma_wait3A_359 = tpu.memref_slice %arg12[%dma_wait3A_357, %dma_wait3A_358] : memref<10240x128xf32, #tpu.memory_space<vmem_shared>> -> memref<10240x128xf32, #tpu.memory_space<vmem_shared>>
      tpu.wait_indirect_dma semaphore(%run_scoped3A : memref<!tpu.dma_semaphore, #tpu.memory_space<semaphore_mem>>) src(%arg10 : memref<128x128xf32, #tpu.memory_space<vmem>>) dst(%dma_wait3A_359 : memref<10240x128xf32, #tpu.memory_space<vmem_shared>>)
      tpu.yield
    }) : () -> ()
    %dma_wait3A_337 = arith.constant 0 : i32
    %dma_wait3A_338 = arith.constant 0 : i32
    %dma_wait3A_339 = tpu.memref_slice %arg2[%dma_wait3A_337, %dma_wait3A_338] : memref<10000x128xf32, #tpu.memory_space<hbm>> -> memref<128x128xf32, #tpu.memory_space<hbm>>
    %dma_wait3A_340 = arith.constant 0 : i32
    %dma_wait3A_341 = arith.constant 0 : i32
    %dma_wait3A_342 = tpu.memref_slice %arg2[%dma_wait3A_340, %dma_wait3A_341] : memref<10000x128xf32, #tpu.memory_space<hbm>> -> memref<128x128xf32, #tpu.memory_space<hbm>>
    tpu.wait_dma2 semaphore(%arg14 : memref<!tpu.dma_semaphore, #tpu.memory_space<semaphore_mem>>) src(%dma_wait3A_342 : memref<128x128xf32, #tpu.memory_space<hbm>>) dst(%arg11 : memref<128x128xf32, #tpu.memory_space<vmem>>)
    "tpu.region"() ({
      %run_scoped3A = tpu.sem_alloc : memref<!tpu.dma_semaphore, #tpu.memory_space<semaphore_mem>>
      %dma_start3A_354 = arith.constant 0 : i32
      %dma_start3A_355 = arith.constant 0 : i32
      %dma_start3A_356 = tpu.memref_slice %arg12[%dma_start3A_354, %dma_start3A_355] : memref<10240x128xf32, #tpu.memory_space<vmem_shared>> -> memref<10240x128xf32, #tpu.memory_space<vmem_shared>>
      tpu.enqueue_indirect_dma source(%arg11 : memref<128x128xf32, #tpu.memory_space<vmem>>) target(%dma_start3A_356 : memref<10240x128xf32, #tpu.memory_space<vmem_shared>>) offsets(%arg9 : memref<128xi32, #tpu.memory_space<vmem>>) semaphore(%run_scoped3A : memref<!tpu.dma_semaphore, #tpu.memory_space<semaphore_mem>>) {add = true}
      %dma_wait3A_357 = arith.constant 0 : i32
      %dma_wait3A_358 = arith.constant 0 : i32
      %dma_wait3A_359 = tpu.memref_slice %arg12[%dma_wait3A_357, %dma_wait3A_358] : memref<10240x128xf32, #tpu.memory_space<vmem_shared>> -> memref<10240x128xf32, #tpu.memory_space<vmem_shared>>
      tpu.wait_indirect_dma semaphore(%run_scoped3A : memref<!tpu.dma_semaphore, #tpu.memory_space<semaphore_mem>>) src(%arg11 : memref<128x128xf32, #tpu.memory_space<vmem>>) dst(%dma_wait3A_359 : memref<10240x128xf32, #tpu.memory_space<vmem_shared>>)
      tpu.yield
    }) : () -> ()
    %barrier3A_343 = arith.constant 0 : index
    tpu.barrier barrier_id(%barrier3A_343)
    %add3A_344 = arith.constant 0 : i32
    %add3A_345 = arith.addi %mul3A_10, %add3A_344 : i32
    "tpu.region"() ({
      %run_scoped3A = tpu.sem_alloc : memref<!tpu.dma_semaphore, #tpu.memory_space<semaphore_mem>>
      %dma_start3A_354 = arith.constant 0 : i32
      %dma_start3A_355 = tpu.memref_slice %arg4[%arg0, %add3A_345, %dma_start3A_354] : memref<2x10240x128xf32, #tpu.memory_space<hbm>> -> memref<1x128x128xf32, #tpu.memory_space<hbm>>
      %dma_start3A_356 = tpu.memref_squeeze %dma_start3A_355 : memref<1x128x128xf32, #tpu.memory_space<hbm>> -> memref<128x128xf32, #tpu.memory_space<hbm>>
      %dma_start3A_357 = arith.constant 0 : i32
      %dma_start3A_358 = tpu.memref_slice %arg12[%add3A_345, %dma_start3A_357] : memref<10240x128xf32, #tpu.memory_space<vmem_shared>> -> memref<128x128xf32, #tpu.memory_space<vmem_shared>>
      tpu.enqueue_dma source(%dma_start3A_358 : memref<128x128xf32, #tpu.memory_space<vmem_shared>>) target(%dma_start3A_356 : memref<128x128xf32, #tpu.memory_space<hbm>>) target_semaphore(%run_scoped3A : memref<!tpu.dma_semaphore, #tpu.memory_space<semaphore_mem>>)
      %dma_wait3A_359 = arith.constant 0 : i32
      %dma_wait3A_360 = tpu.memref_slice %arg4[%arg0, %add3A_345, %dma_wait3A_359] : memref<2x10240x128xf32, #tpu.memory_space<hbm>> -> memref<1x128x128xf32, #tpu.memory_space<hbm>>
      %dma_wait3A_361 = tpu.memref_squeeze %dma_wait3A_360 : memref<1x128x128xf32, #tpu.memory_space<hbm>> -> memref<128x128xf32, #tpu.memory_space<hbm>>
      %dma_wait3A_362 = arith.constant 0 : i32
      %dma_wait3A_363 = tpu.memref_slice %arg12[%add3A_345, %dma_wait3A_362] : memref<10240x128xf32, #tpu.memory_space<vmem_shared>> -> memref<128x128xf32, #tpu.memory_space<vmem_shared>>
      tpu.wait_dma2 semaphore(%run_scoped3A : memref<!tpu.dma_semaphore, #tpu.memory_space<semaphore_mem>>) src(%dma_wait3A_363 : memref<128x128xf32, #tpu.memory_space<vmem_shared>>) dst(%dma_wait3A_361 : memref<128x128xf32, #tpu.memory_space<hbm>>)
      tpu.yield
    }) : () -> ()
    %add3A_346 = arith.constant 128 : i32
    %add3A_347 = arith.addi %mul3A_10, %add3A_346 : i32
    "tpu.region"() ({
      %run_scoped3A = tpu.sem_alloc : memref<!tpu.dma_semaphore, #tpu.memory_space<semaphore_mem>>
      %dma_start3A_354 = arith.constant 0 : i32
      %dma_start3A_355 = tpu.memref_slice %arg4[%arg0, %add3A_347, %dma_start3A_354] : memref<2x10240x128xf32, #tpu.memory_space<hbm>> -> memref<1x128x128xf32, #tpu.memory_space<hbm>>
      %dma_start3A_356 = tpu.memref_squeeze %dma_start3A_355 : memref<1x128x128xf32, #tpu.memory_space<hbm>> -> memref<128x128xf32, #tpu.memory_space<hbm>>
      %dma_start3A_357 = arith.constant 0 : i32
      %dma_start3A_358 = tpu.memref_slice %arg12[%add3A_347, %dma_start3A_357] : memref<10240x128xf32, #tpu.memory_space<vmem_shared>> -> memref<128x128xf32, #tpu.memory_space<vmem_shared>>
      tpu.enqueue_dma source(%dma_start3A_358 : memref<128x128xf32, #tpu.memory_space<vmem_shared>>) target(%dma_start3A_356 : memref<128x128xf32, #tpu.memory_space<hbm>>) target_semaphore(%run_scoped3A : memref<!tpu.dma_semaphore, #tpu.memory_space<semaphore_mem>>)
      %dma_wait3A_359 = arith.constant 0 : i32
      %dma_wait3A_360 = tpu.memref_slice %arg4[%arg0, %add3A_347, %dma_wait3A_359] : memref<2x10240x128xf32, #tpu.memory_space<hbm>> -> memref<1x128x128xf32, #tpu.memory_space<hbm>>
      %dma_wait3A_361 = tpu.memref_squeeze %dma_wait3A_360 : memref<1x128x128xf32, #tpu.memory_space<hbm>> -> memref<128x128xf32, #tpu.memory_space<hbm>>
      %dma_wait3A_362 = arith.constant 0 : i32
      %dma_wait3A_363 = tpu.memref_slice %arg12[%add3A_347, %dma_wait3A_362] : memref<10240x128xf32, #tpu.memory_space<vmem_shared>> -> memref<128x128xf32, #tpu.memory_space<vmem_shared>>
      tpu.wait_dma2 semaphore(%run_scoped3A : memref<!tpu.dma_semaphore, #tpu.memory_space<semaphore_mem>>) src(%dma_wait3A_363 : memref<128x128xf32, #tpu.memory_space<vmem_shared>>) dst(%dma_wait3A_361 : memref<128x128xf32, #tpu.memory_space<hbm>>)
      tpu.yield
    }) : () -> ()
    %add3A_348 = arith.constant 256 : i32
    %add3A_349 = arith.addi %mul3A_10, %add3A_348 : i32
    "tpu.region"() ({
      %run_scoped3A = tpu.sem_alloc : memref<!tpu.dma_semaphore, #tpu.memory_space<semaphore_mem>>
      %dma_start3A_354 = arith.constant 0 : i32
      %dma_start3A_355 = tpu.memref_slice %arg4[%arg0, %add3A_349, %dma_start3A_354] : memref<2x10240x128xf32, #tpu.memory_space<hbm>> -> memref<1x128x128xf32, #tpu.memory_space<hbm>>
      %dma_start3A_356 = tpu.memref_squeeze %dma_start3A_355 : memref<1x128x128xf32, #tpu.memory_space<hbm>> -> memref<128x128xf32, #tpu.memory_space<hbm>>
      %dma_start3A_357 = arith.constant 0 : i32
      %dma_start3A_358 = tpu.memref_slice %arg12[%add3A_349, %dma_start3A_357] : memref<10240x128xf32, #tpu.memory_space<vmem_shared>> -> memref<128x128xf32, #tpu.memory_space<vmem_shared>>
      tpu.enqueue_dma source(%dma_start3A_358 : memref<128x128xf32, #tpu.memory_space<vmem_shared>>) target(%dma_start3A_356 : memref<128x128xf32, #tpu.memory_space<hbm>>) target_semaphore(%run_scoped3A : memref<!tpu.dma_semaphore, #tpu.memory_space<semaphore_mem>>)
      %dma_wait3A_359 = arith.constant 0 : i32
      %dma_wait3A_360 = tpu.memref_slice %arg4[%arg0, %add3A_349, %dma_wait3A_359] : memref<2x10240x128xf32, #tpu.memory_space<hbm>> -> memref<1x128x128xf32, #tpu.memory_space<hbm>>
      %dma_wait3A_361 = tpu.memref_squeeze %dma_wait3A_360 : memref<1x128x128xf32, #tpu.memory_space<hbm>> -> memref<128x128xf32, #tpu.memory_space<hbm>>
      %dma_wait3A_362 = arith.constant 0 : i32
      %dma_wait3A_363 = tpu.memref_slice %arg12[%add3A_349, %dma_wait3A_362] : memref<10240x128xf32, #tpu.memory_space<vmem_shared>> -> memref<128x128xf32, #tpu.memory_space<vmem_shared>>
      tpu.wait_dma2 semaphore(%run_scoped3A : memref<!tpu.dma_semaphore, #tpu.memory_space<semaphore_mem>>) src(%dma_wait3A_363 : memref<128x128xf32, #tpu.memory_space<vmem_shared>>) dst(%dma_wait3A_361 : memref<128x128xf32, #tpu.memory_space<hbm>>)
      tpu.yield
    }) : () -> ()
    %add3A_350 = arith.constant 384 : i32
    %add3A_351 = arith.addi %mul3A_10, %add3A_350 : i32
    "tpu.region"() ({
      %run_scoped3A = tpu.sem_alloc : memref<!tpu.dma_semaphore, #tpu.memory_space<semaphore_mem>>
      %dma_start3A_354 = arith.constant 0 : i32
      %dma_start3A_355 = tpu.memref_slice %arg4[%arg0, %add3A_351, %dma_start3A_354] : memref<2x10240x128xf32, #tpu.memory_space<hbm>> -> memref<1x128x128xf32, #tpu.memory_space<hbm>>
      %dma_start3A_356 = tpu.memref_squeeze %dma_start3A_355 : memref<1x128x128xf32, #tpu.memory_space<hbm>> -> memref<128x128xf32, #tpu.memory_space<hbm>>
      %dma_start3A_357 = arith.constant 0 : i32
      %dma_start3A_358 = tpu.memref_slice %arg12[%add3A_351, %dma_start3A_357] : memref<10240x128xf32, #tpu.memory_space<vmem_shared>> -> memref<128x128xf32, #tpu.memory_space<vmem_shared>>
      tpu.enqueue_dma source(%dma_start3A_358 : memref<128x128xf32, #tpu.memory_space<vmem_shared>>) target(%dma_start3A_356 : memref<128x128xf32, #tpu.memory_space<hbm>>) target_semaphore(%run_scoped3A : memref<!tpu.dma_semaphore, #tpu.memory_space<semaphore_mem>>)
      %dma_wait3A_359 = arith.constant 0 : i32
      %dma_wait3A_360 = tpu.memref_slice %arg4[%arg0, %add3A_351, %dma_wait3A_359] : memref<2x10240x128xf32, #tpu.memory_space<hbm>> -> memref<1x128x128xf32, #tpu.memory_space<hbm>>
      %dma_wait3A_361 = tpu.memref_squeeze %dma_wait3A_360 : memref<1x128x128xf32, #tpu.memory_space<hbm>> -> memref<128x128xf32, #tpu.memory_space<hbm>>
      %dma_wait3A_362 = arith.constant 0 : i32
      %dma_wait3A_363 = tpu.memref_slice %arg12[%add3A_351, %dma_wait3A_362] : memref<10240x128xf32, #tpu.memory_space<vmem_shared>> -> memref<128x128xf32, #tpu.memory_space<vmem_shared>>
      tpu.wait_dma2 semaphore(%run_scoped3A : memref<!tpu.dma_semaphore, #tpu.memory_space<semaphore_mem>>) src(%dma_wait3A_363 : memref<128x128xf32, #tpu.memory_space<vmem_shared>>) dst(%dma_wait3A_361 : memref<128x128xf32, #tpu.memory_space<hbm>>)
      tpu.yield
    }) : () -> ()
    %add3A_352 = arith.constant 512 : i32
    %add3A_353 = arith.addi %mul3A_10, %add3A_352 : i32
    "tpu.region"() ({
      %run_scoped3A = tpu.sem_alloc : memref<!tpu.dma_semaphore, #tpu.memory_space<semaphore_mem>>
      %dma_start3A_354 = arith.constant 0 : i32
      %dma_start3A_355 = tpu.memref_slice %arg4[%arg0, %add3A_353, %dma_start3A_354] : memref<2x10240x128xf32, #tpu.memory_space<hbm>> -> memref<1x128x128xf32, #tpu.memory_space<hbm>>
      %dma_start3A_356 = tpu.memref_squeeze %dma_start3A_355 : memref<1x128x128xf32, #tpu.memory_space<hbm>> -> memref<128x128xf32, #tpu.memory_space<hbm>>
      %dma_start3A_357 = arith.constant 0 : i32
      %dma_start3A_358 = tpu.memref_slice %arg12[%add3A_353, %dma_start3A_357] : memref<10240x128xf32, #tpu.memory_space<vmem_shared>> -> memref<128x128xf32, #tpu.memory_space<vmem_shared>>
      tpu.enqueue_dma source(%dma_start3A_358 : memref<128x128xf32, #tpu.memory_space<vmem_shared>>) target(%dma_start3A_356 : memref<128x128xf32, #tpu.memory_space<hbm>>) target_semaphore(%run_scoped3A : memref<!tpu.dma_semaphore, #tpu.memory_space<semaphore_mem>>)
      %dma_wait3A_359 = arith.constant 0 : i32
      %dma_wait3A_360 = tpu.memref_slice %arg4[%arg0, %add3A_353, %dma_wait3A_359] : memref<2x10240x128xf32, #tpu.memory_space<hbm>> -> memref<1x128x128xf32, #tpu.memory_space<hbm>>
      %dma_wait3A_361 = tpu.memref_squeeze %dma_wait3A_360 : memref<1x128x128xf32, #tpu.memory_space<hbm>> -> memref<128x128xf32, #tpu.memory_space<hbm>>
      %dma_wait3A_362 = arith.constant 0 : i32
      %dma_wait3A_363 = tpu.memref_slice %arg12[%add3A_353, %dma_wait3A_362] : memref<10240x128xf32, #tpu.memory_space<vmem_shared>> -> memref<128x128xf32, #tpu.memory_space<vmem_shared>>
      tpu.wait_dma2 semaphore(%run_scoped3A : memref<!tpu.dma_semaphore, #tpu.memory_space<semaphore_mem>>) src(%dma_wait3A_363 : memref<128x128xf32, #tpu.memory_space<vmem_shared>>) dst(%dma_wait3A_361 : memref<128x128xf32, #tpu.memory_space<hbm>>)
      tpu.yield
    }) : () -> ()
    return
  }
}

#map = affine_map<(d0, d1) -> (0, 0)>
#map1 = affine_map<(d0, d1) -> (0, 0, 0)>
module attributes {stable_mosaic.version = 14 : i64} {
  func.func @segsum(%arg0: i32, %arg1: i32, %arg2: memref<10000x128xf32, #tpu.memory_space<hbm>>, %arg3: memref<2560x128xi32, #tpu.memory_space<hbm>>, %arg4: memref<2x10240x128xf32, #tpu.memory_space<hbm>>, %arg5: memref<80x128xi32, #tpu.memory_space<vmem>>, %arg6: memref<128xi32, #tpu.memory_space<vmem>>, %arg7: memref<128xi32, #tpu.memory_space<vmem>>, %arg8: memref<128xi32, #tpu.memory_space<vmem>>, %arg9: memref<128xi32, #tpu.memory_space<vmem>>, %arg10: memref<128x128xf32, #tpu.memory_space<vmem>>, %arg11: memref<128x128xf32, #tpu.memory_space<vmem>>, %arg12: memref<10240x128xf32, #tpu.memory_space<vmem_shared>>, %arg13: memref<!tpu.dma_semaphore, #tpu.memory_space<semaphore_mem>>, %arg14: memref<!tpu.dma_semaphore, #tpu.memory_space<semaphore_mem>>) attributes {dimension_semantics = [#tpu.dimension_semantics<core_parallel>, #tpu.dimension_semantics<subcore_parallel>], iteration_bounds = array<i64: 2, 16>, scalar_prefetch = 0 : i64, scratch_operands = 10 : i64, tpu.core_type = #tpu.core_type<sc_vector_subcore>, window_params = [{transform_indices = #map}, {transform_indices = #map}, {transform_indices = #map1}]} {
    %mul3A = arith.constant 16 : i32
    %mul3A_0 = arith.muli %arg0, %mul3A : i32
    %add3A = arith.addi %mul3A_0, %arg1 : i32
    %mul3A_1 = arith.constant 80 : i32
    %mul3A_2 = arith.muli %add3A, %mul3A_1 : i32
    "tpu.region"() ({
      %run_scoped3A = tpu.sem_alloc : memref<!tpu.dma_semaphore, #tpu.memory_space<semaphore_mem>>
      %dma_start3A_354 = arith.constant 0 : i32
      %dma_start3A_355 = tpu.memref_slice %arg3[%mul3A_2, %dma_start3A_354] : memref<2560x128xi32, #tpu.memory_space<hbm>> -> memref<80x128xi32, #tpu.memory_space<hbm>>
      %dma_start3A_356 = arith.constant 0 : i32
      %dma_start3A_357 = tpu.memref_slice %arg3[%mul3A_2, %dma_start3A_356] : memref<2560x128xi32, #tpu.memory_space<hbm>> -> memref<80x128xi32, #tpu.memory_space<hbm>>
      tpu.enqueue_dma source(%dma_start3A_357 : memref<80x128xi32, #tpu.memory_space<hbm>>) target(%arg5 : memref<80x128xi32, #tpu.memory_space<vmem>>) target_semaphore(%run_scoped3A : memref<!tpu.dma_semaphore, #tpu.memory_space<semaphore_mem>>)
      %dma_wait3A_358 = arith.constant 0 : i32
      %dma_wait3A_359 = tpu.memref_slice %arg3[%mul3A_2, %dma_wait3A_358] : memref<2560x128xi32, #tpu.memory_space<hbm>> -> memref<80x128xi32, #tpu.memory_space<hbm>>
      %dma_wait3A_360 = arith.constant 0 : i32
      %dma_wait3A_361 = tpu.memref_slice %arg3[%mul3A_2, %dma_wait3A_360] : memref<2560x128xi32, #tpu.memory_space<hbm>> -> memref<80x128xi32, #tpu.memory_space<hbm>>
      tpu.wait_dma2 semaphore(%run_scoped3A : memref<!tpu.dma_semaphore, #tpu.memory_space<semaphore_mem>>) src(%dma_wait3A_361 : memref<80x128xi32, #tpu.memory_space<hbm>>) dst(%arg5 : memref<80x128xi32, #tpu.memory_space<vmem>>)
      tpu.yield
    }) : () -> ()
    %broadcast_in_dim3A = arith.constant 0.000000e+00 : f32
    %broadcast_in_dim3A_3 = vector.broadcast %broadcast_in_dim3A : f32 to vector<16xf32>
    %scan3A = arith.constant 0 : i32
    %scan3A_4 = arith.constant 0 : i32
    %scan3A_5 = arith.constant 128 : i32
    %scan3A_6 = arith.addi %scan3A_4, %scan3A_5 : i32
    %scan3A_7 = arith.constant 1 : i32
    scf.for %scan3A_354 = %scan3A_4 to %scan3A_6 step %scan3A_7  : i32 {
      %swap3A_355 = arith.index_cast %scan3A_354 : i32 to index
      %swap3A_356 = arith.constant 0 : index
      %swap3A_357 = tpu.vector_load %arg10[%swap3A_355, %swap3A_356] {strides = array<i32>} : memref<128x128xf32, #tpu.memory_space<vmem>>, vector<1x16xf32>,
      %swap3A_358 = vector.shape_cast %swap3A_357 : vector<1x16xf32> to vector<16xf32>
      %swap3A_359 = vector.shape_cast %broadcast_in_dim3A_3 : vector<16xf32> to vector<1x16xf32>
      tpu.vector_store %arg10[%swap3A_355, %swap3A_356], %swap3A_359 {strides = array<i32>} : memref<128x128xf32, #tpu.memory_space<vmem>>, vector<1x16xf32>,
      %swap3A_360 = arith.index_cast %scan3A_354 : i32 to index
      %swap3A_361 = arith.constant 16 : index
      %swap3A_362 = tpu.vector_load %arg10[%swap3A_360, %swap3A_361] {strides = array<i32>} : memref<128x128xf32, #tpu.memory_space<vmem>>, vector<1x16xf32>,
      %swap3A_363 = vector.shape_cast %swap3A_362 : vector<1x16xf32> to vector<16xf32>
      %swap3A_364 = vector.shape_cast %broadcast_in_dim3A_3 : vector<16xf32> to vector<1x16xf32>
      tpu.vector_store %arg10[%swap3A_360, %swap3A_361], %swap3A_364 {strides = array<i32>} : memref<128x128xf32, #tpu.memory_space<vmem>>, vector<1x16xf32>,
      %swap3A_365 = arith.index_cast %scan3A_354 : i32 to index
      %swap3A_366 = arith.constant 32 : index
      %swap3A_367 = tpu.vector_load %arg10[%swap3A_365, %swap3A_366] {strides = array<i32>} : memref<128x128xf32, #tpu.memory_space<vmem>>, vector<1x16xf32>,
      %swap3A_368 = vector.shape_cast %swap3A_367 : vector<1x16xf32> to vector<16xf32>
      %swap3A_369 = vector.shape_cast %broadcast_in_dim3A_3 : vector<16xf32> to vector<1x16xf32>
      tpu.vector_store %arg10[%swap3A_365, %swap3A_366], %swap3A_369 {strides = array<i32>} : memref<128x128xf32, #tpu.memory_space<vmem>>, vector<1x16xf32>,
      %swap3A_370 = arith.index_cast %scan3A_354 : i32 to index
      %swap3A_371 = arith.constant 48 : index
      %swap3A_372 = tpu.vector_load %arg10[%swap3A_370, %swap3A_371] {strides = array<i32>} : memref<128x128xf32, #tpu.memory_space<vmem>>, vector<1x16xf32>,
      %swap3A_373 = vector.shape_cast %swap3A_372 : vector<1x16xf32> to vector<16xf32>
      %swap3A_374 = vector.shape_cast %broadcast_in_dim3A_3 : vector<16xf32> to vector<1x16xf32>
      tpu.vector_store %arg10[%swap3A_370, %swap3A_371], %swap3A_374 {strides = array<i32>} : memref<128x128xf32, #tpu.memory_space<vmem>>, vector<1x16xf32>,
      %swap3A_375 = arith.index_cast %scan3A_354 : i32 to index
      %swap3A_376 = arith.constant 64 : index
      %swap3A_377 = tpu.vector_load %arg10[%swap3A_375, %swap3A_376] {strides = array<i32>} : memref<128x128xf32, #tpu.memory_space<vmem>>, vector<1x16xf32>,
      %swap3A_378 = vector.shape_cast %swap3A_377 : vector<1x16xf32> to vector<16xf32>
      %swap3A_379 = vector.shape_cast %broadcast_in_dim3A_3 : vector<16xf32> to vector<1x16xf32>
      tpu.vector_store %arg10[%swap3A_375, %swap3A_376], %swap3A_379 {strides = array<i32>} : memref<128x128xf32, #tpu.memory_space<vmem>>, vector<1x16xf32>,
      %swap3A_380 = arith.index_cast %scan3A_354 : i32 to index
      %swap3A_381 = arith.constant 80 : index
      %swap3A_382 = tpu.vector_load %arg10[%swap3A_380, %swap3A_381] {strides = array<i32>} : memref<128x128xf32, #tpu.memory_space<vmem>>, vector<1x16xf32>,
      %swap3A_383 = vector.shape_cast %swap3A_382 : vector<1x16xf32> to vector<16xf32>
      %swap3A_384 = vector.shape_cast %broadcast_in_dim3A_3 : vector<16xf32> to vector<1x16xf32>
      tpu.vector_store %arg10[%swap3A_380, %swap3A_381], %swap3A_384 {strides = array<i32>} : memref<128x128xf32, #tpu.memory_space<vmem>>, vector<1x16xf32>,
      %swap3A_385 = arith.index_cast %scan3A_354 : i32 to index
      %swap3A_386 = arith.constant 96 : index
      %swap3A_387 = tpu.vector_load %arg10[%swap3A_385, %swap3A_386] {strides = array<i32>} : memref<128x128xf32, #tpu.memory_space<vmem>>, vector<1x16xf32>,
      %swap3A_388 = vector.shape_cast %swap3A_387 : vector<1x16xf32> to vector<16xf32>
      %swap3A_389 = vector.shape_cast %broadcast_in_dim3A_3 : vector<16xf32> to vector<1x16xf32>
      tpu.vector_store %arg10[%swap3A_385, %swap3A_386], %swap3A_389 {strides = array<i32>} : memref<128x128xf32, #tpu.memory_space<vmem>>, vector<1x16xf32>,
      %swap3A_390 = arith.index_cast %scan3A_354 : i32 to index
      %swap3A_391 = arith.constant 112 : index
      %swap3A_392 = tpu.vector_load %arg10[%swap3A_390, %swap3A_391] {strides = array<i32>} : memref<128x128xf32, #tpu.memory_space<vmem>>, vector<1x16xf32>,
      %swap3A_393 = vector.shape_cast %swap3A_392 : vector<1x16xf32> to vector<16xf32>
      %swap3A_394 = vector.shape_cast %broadcast_in_dim3A_3 : vector<16xf32> to vector<1x16xf32>
      tpu.vector_store %arg10[%swap3A_390, %swap3A_391], %swap3A_394 {strides = array<i32>} : memref<128x128xf32, #tpu.memory_space<vmem>>, vector<1x16xf32>,
    }
    %scan3A_8 = arith.constant 128 : i32
    %mul3A_9 = arith.constant 640 : i32
    %mul3A_10 = arith.muli %arg1, %mul3A_9 : i32
    %add3A_11 = arith.constant 0 : i32
    %add3A_12 = arith.addi %mul3A_10, %add3A_11 : i32
    "tpu.region"() ({
      %run_scoped3A = tpu.sem_alloc : memref<!tpu.dma_semaphore, #tpu.memory_space<semaphore_mem>>
      %dma_start3A_354 = arith.constant 0 : i32
      %dma_start3A_355 = tpu.memref_slice %arg12[%add3A_12, %dma_start3A_354] : memref<10240x128xf32, #tpu.memory_space<vmem_shared>> -> memref<128x128xf32, #tpu.memory_space<vmem_shared>>
      %dma_start3A_356 = arith.constant 0 : i32
      %dma_start3A_357 = tpu.memref_slice %arg12[%add3A_12, %dma_start3A_356] : memref<10240x128xf32, #tpu.memory_space<vmem_shared>> -> memref<128x128xf32, #tpu.memory_space<vmem_shared>>
      tpu.enqueue_dma source(%arg10 : memref<128x128xf32, #tpu.memory_space<vmem>>) target(%dma_start3A_357 : memref<128x128xf32, #tpu.memory_space<vmem_shared>>) target_semaphore(%run_scoped3A : memref<!tpu.dma_semaphore, #tpu.memory_space<semaphore_mem>>)
      %dma_wait3A_358 = arith.constant 0 : i32
      %dma_wait3A_359 = tpu.memref_slice %arg12[%add3A_12, %dma_wait3A_358] : memref<10240x128xf32, #tpu.memory_space<vmem_shared>> -> memref<128x128xf32, #tpu.memory_space<vmem_shared>>
      %dma_wait3A_360 = arith.constant 0 : i32
      %dma_wait3A_361 = tpu.memref_slice %arg12[%add3A_12, %dma_wait3A_360] : memref<10240x128xf32, #tpu.memory_space<vmem_shared>> -> memref<128x128xf32, #tpu.memory_space<vmem_shared>>
      tpu.wait_dma2 semaphore(%run_scoped3A : memref<!tpu.dma_semaphore, #tpu.memory_space<semaphore_mem>>) src(%arg10 : memref<128x128xf32, #tpu.memory_space<vmem>>) dst(%dma_wait3A_361 : memref<128x128xf32, #tpu.memory_space<vmem_shared>>)
      tpu.yield
    }) : () -> ()
    %add3A_13 = arith.constant 128 : i32
    %add3A_14 = arith.addi %mul3A_10, %add3A_13 : i32
    "tpu.region"() ({
      %run_scoped3A = tpu.sem_alloc : memref<!tpu.dma_semaphore, #tpu.memory_space<semaphore_mem>>
      %dma_start3A_354 = arith.constant 0 : i32
      %dma_start3A_355 = tpu.memref_slice %arg12[%add3A_14, %dma_start3A_354] : memref<10240x128xf32, #tpu.memory_space<vmem_shared>> -> memref<128x128xf32, #tpu.memory_space<vmem_shared>>
      %dma_start3A_356 = arith.constant 0 : i32
      %dma_start3A_357 = tpu.memref_slice %arg12[%add3A_14, %dma_start3A_356] : memref<10240x128xf32, #tpu.memory_space<vmem_shared>> -> memref<128x128xf32, #tpu.memory_space<vmem_shared>>
      tpu.enqueue_dma source(%arg10 : memref<128x128xf32, #tpu.memory_space<vmem>>) target(%dma_start3A_357 : memref<128x128xf32, #tpu.memory_space<vmem_shared>>) target_semaphore(%run_scoped3A : memref<!tpu.dma_semaphore, #tpu.memory_space<semaphore_mem>>)
      %dma_wait3A_358 = arith.constant 0 : i32
      %dma_wait3A_359 = tpu.memref_slice %arg12[%add3A_14, %dma_wait3A_358] : memref<10240x128xf32, #tpu.memory_space<vmem_shared>> -> memref<128x128xf32, #tpu.memory_space<vmem_shared>>
      %dma_wait3A_360 = arith.constant 0 : i32
      %dma_wait3A_361 = tpu.memref_slice %arg12[%add3A_14, %dma_wait3A_360] : memref<10240x128xf32, #tpu.memory_space<vmem_shared>> -> memref<128x128xf32, #tpu.memory_space<vmem_shared>>
      tpu.wait_dma2 semaphore(%run_scoped3A : memref<!tpu.dma_semaphore, #tpu.memory_space<semaphore_mem>>) src(%arg10 : memref<128x128xf32, #tpu.memory_space<vmem>>) dst(%dma_wait3A_361 : memref<128x128xf32, #tpu.memory_space<vmem_shared>>)
      tpu.yield
    }) : () -> ()
    %add3A_15 = arith.constant 256 : i32
    %add3A_16 = arith.addi %mul3A_10, %add3A_15 : i32
    "tpu.region"() ({
      %run_scoped3A = tpu.sem_alloc : memref<!tpu.dma_semaphore, #tpu.memory_space<semaphore_mem>>
      %dma_start3A_354 = arith.constant 0 : i32
      %dma_start3A_355 = tpu.memref_slice %arg12[%add3A_16, %dma_start3A_354] : memref<10240x128xf32, #tpu.memory_space<vmem_shared>> -> memref<128x128xf32, #tpu.memory_space<vmem_shared>>
      %dma_start3A_356 = arith.constant 0 : i32
      %dma_start3A_357 = tpu.memref_slice %arg12[%add3A_16, %dma_start3A_356] : memref<10240x128xf32, #tpu.memory_space<vmem_shared>> -> memref<128x128xf32, #tpu.memory_space<vmem_shared>>
      tpu.enqueue_dma source(%arg10 : memref<128x128xf32, #tpu.memory_space<vmem>>) target(%dma_start3A_357 : memref<128x128xf32, #tpu.memory_space<vmem_shared>>) target_semaphore(%run_scoped3A : memref<!tpu.dma_semaphore, #tpu.memory_space<semaphore_mem>>)
      %dma_wait3A_358 = arith.constant 0 : i32
      %dma_wait3A_359 = tpu.memref_slice %arg12[%add3A_16, %dma_wait3A_358] : memref<10240x128xf32, #tpu.memory_space<vmem_shared>> -> memref<128x128xf32, #tpu.memory_space<vmem_shared>>
      %dma_wait3A_360 = arith.constant 0 : i32
      %dma_wait3A_361 = tpu.memref_slice %arg12[%add3A_16, %dma_wait3A_360] : memref<10240x128xf32, #tpu.memory_space<vmem_shared>> -> memref<128x128xf32, #tpu.memory_space<vmem_shared>>
      tpu.wait_dma2 semaphore(%run_scoped3A : memref<!tpu.dma_semaphore, #tpu.memory_space<semaphore_mem>>) src(%arg10 : memref<128x128xf32, #tpu.memory_space<vmem>>) dst(%dma_wait3A_361 : memref<128x128xf32, #tpu.memory_space<vmem_shared>>)
      tpu.yield
    }) : () -> ()
    %add3A_17 = arith.constant 384 : i32
    %add3A_18 = arith.addi %mul3A_10, %add3A_17 : i32
    "tpu.region"() ({
      %run_scoped3A = tpu.sem_alloc : memref<!tpu.dma_semaphore, #tpu.memory_space<semaphore_mem>>
      %dma_start3A_354 = arith.constant 0 : i32
      %dma_start3A_355 = tpu.memref_slice %arg12[%add3A_18, %dma_start3A_354] : memref<10240x128xf32, #tpu.memory_space<vmem_shared>> -> memref<128x128xf32, #tpu.memory_space<vmem_shared>>
      %dma_start3A_356 = arith.constant 0 : i32
      %dma_start3A_357 = tpu.memref_slice %arg12[%add3A_18, %dma_start3A_356] : memref<10240x128xf32, #tpu.memory_space<vmem_shared>> -> memref<128x128xf32, #tpu.memory_space<vmem_shared>>
      tpu.enqueue_dma source(%arg10 : memref<128x128xf32, #tpu.memory_space<vmem>>) target(%dma_start3A_357 : memref<128x128xf32, #tpu.memory_space<vmem_shared>>) target_semaphore(%run_scoped3A : memref<!tpu.dma_semaphore, #tpu.memory_space<semaphore_mem>>)
      %dma_wait3A_358 = arith.constant 0 : i32
      %dma_wait3A_359 = tpu.memref_slice %arg12[%add3A_18, %dma_wait3A_358] : memref<10240x128xf32, #tpu.memory_space<vmem_shared>> -> memref<128x128xf32, #tpu.memory_space<vmem_shared>>
      %dma_wait3A_360 = arith.constant 0 : i32
      %dma_wait3A_361 = tpu.memref_slice %arg12[%add3A_18, %dma_wait3A_360] : memref<10240x128xf32, #tpu.memory_space<vmem_shared>> -> memref<128x128xf32, #tpu.memory_space<vmem_shared>>
      tpu.wait_dma2 semaphore(%run_scoped3A : memref<!tpu.dma_semaphore, #tpu.memory_space<semaphore_mem>>) src(%arg10 : memref<128x128xf32, #tpu.memory_space<vmem>>) dst(%dma_wait3A_361 : memref<128x128xf32, #tpu.memory_space<vmem_shared>>)
      tpu.yield
    }) : () -> ()
    %add3A_19 = arith.constant 512 : i32
    %add3A_20 = arith.addi %mul3A_10, %add3A_19 : i32
    "tpu.region"() ({
      %run_scoped3A = tpu.sem_alloc : memref<!tpu.dma_semaphore, #tpu.memory_space<semaphore_mem>>
      %dma_start3A_354 = arith.constant 0 : i32
      %dma_start3A_355 = tpu.memref_slice %arg12[%add3A_20, %dma_start3A_354] : memref<10240x128xf32, #tpu.memory_space<vmem_shared>> -> memref<128x128xf32, #tpu.memory_space<vmem_shared>>
      %dma_start3A_356 = arith.constant 0 : i32
      %dma_start3A_357 = tpu.memref_slice %arg12[%add3A_20, %dma_start3A_356] : memref<10240x128xf32, #tpu.memory_space<vmem_shared>> -> memref<128x128xf32, #tpu.memory_space<vmem_shared>>
      tpu.enqueue_dma source(%arg10 : memref<128x128xf32, #tpu.memory_space<vmem>>) target(%dma_start3A_357 : memref<128x128xf32, #tpu.memory_space<vmem_shared>>) target_semaphore(%run_scoped3A : memref<!tpu.dma_semaphore, #tpu.memory_space<semaphore_mem>>)
      %dma_wait3A_358 = arith.constant 0 : i32
      %dma_wait3A_359 = tpu.memref_slice %arg12[%add3A_20, %dma_wait3A_358] : memref<10240x128xf32, #tpu.memory_space<vmem_shared>> -> memref<128x128xf32, #tpu.memory_space<vmem_shared>>
      %dma_wait3A_360 = arith.constant 0 : i32
      %dma_wait3A_361 = tpu.memref_slice %arg12[%add3A_20, %dma_wait3A_360] : memref<10240x128xf32, #tpu.memory_space<vmem_shared>> -> memref<128x128xf32, #tpu.memory_space<vmem_shared>>
      tpu.wait_dma2 semaphore(%run_scoped3A : memref<!tpu.dma_semaphore, #tpu.memory_space<semaphore_mem>>) src(%arg10 : memref<128x128xf32, #tpu.memory_space<vmem>>) dst(%dma_wait3A_361 : memref<128x128xf32, #tpu.memory_space<vmem_shared>>)
      tpu.yield
    }) : () -> ()
    %barrier3A = arith.constant 0 : index
    tpu.barrier barrier_id(%barrier3A)
    %get3A = arith.constant 0 : i32
    %get3A_21 = arith.index_cast %get3A : i32 to index
    %get3A_22 = arith.constant 0 : index
    %get3A_23 = tpu.vector_load %arg5[%get3A_21, %get3A_22] {strides = array<i32>} : memref<80x128xi32, #tpu.memory_space<vmem>>, vector<1x16xi32>,
    %get3A_24 = vector.shape_cast %get3A_23 : vector<1x16xi32> to vector<16xi32>
    %shift_right_arithmetic3A = arith.constant 14 : i32
    %shift_right_arithmetic3A_25 = vector.broadcast %shift_right_arithmetic3A : i32 to vector<16xi32>
    %shift_right_arithmetic3A_26 = arith.shrsi %get3A_24, %shift_right_arithmetic3A_25 : vector<16xi32>
    %swap3A = arith.constant 0 : index
    %swap3A_27 = tpu.vector_load %arg6[%swap3A] {strides = array<i32>} : memref<128xi32, #tpu.memory_space<vmem>>, vector<16xi32>,
    %swap3A_28 = vector.shape_cast %swap3A_27 : vector<16xi32> to vector<16xi32>
    %swap3A_29 = vector.shape_cast %shift_right_arithmetic3A_26 : vector<16xi32> to vector<16xi32>
    tpu.vector_store %arg6[%swap3A], %swap3A_29 {strides = array<i32>} : memref<128xi32, #tpu.memory_space<vmem>>, vector<16xi32>,
    %and3A = arith.constant 16383 : i32
    %and3A_30 = vector.broadcast %and3A : i32 to vector<16xi32>
    %and3A_31 = arith.andi %get3A_24, %and3A_30 : vector<16xi32>
    %swap3A_32 = arith.constant 0 : index
    %swap3A_33 = tpu.vector_load %arg8[%swap3A_32] {strides = array<i32>} : memref<128xi32, #tpu.memory_space<vmem>>, vector<16xi32>,
    %swap3A_34 = vector.shape_cast %swap3A_33 : vector<16xi32> to vector<16xi32>
    %swap3A_35 = vector.shape_cast %and3A_31 : vector<16xi32> to vector<16xi32>
    tpu.vector_store %arg8[%swap3A_32], %swap3A_35 {strides = array<i32>} : memref<128xi32, #tpu.memory_space<vmem>>, vector<16xi32>,
    %get3A_36 = arith.constant 0 : i32
    %get3A_37 = arith.index_cast %get3A_36 : i32 to index
    %get3A_38 = arith.constant 16 : index
    %get3A_39 = tpu.vector_load %arg5[%get3A_37, %get3A_38] {strides = array<i32>} : memref<80x128xi32, #tpu.memory_space<vmem>>, vector<1x16xi32>,
    %get3A_40 = vector.shape_cast %get3A_39 : vector<1x16xi32> to vector<16xi32>
    %shift_right_arithmetic3A_41 = arith.constant 14 : i32
    %shift_right_arithmetic3A_42 = vector.broadcast %shift_right_arithmetic3A_41 : i32 to vector<16xi32>
    %shift_right_arithmetic3A_43 = arith.shrsi %get3A_40, %shift_right_arithmetic3A_42 : vector<16xi32>
    %swap3A_44 = arith.constant 16 : index
    %swap3A_45 = tpu.vector_load %arg6[%swap3A_44] {strides = array<i32>} : memref<128xi32, #tpu.memory_space<vmem>>, vector<16xi32>,
    %swap3A_46 = vector.shape_cast %swap3A_45 : vector<16xi32> to vector<16xi32>
    %swap3A_47 = vector.shape_cast %shift_right_arithmetic3A_43 : vector<16xi32> to vector<16xi32>
    tpu.vector_store %arg6[%swap3A_44], %swap3A_47 {strides = array<i32>} : memref<128xi32, #tpu.memory_space<vmem>>, vector<16xi32>,
    %and3A_48 = arith.constant 16383 : i32
    %and3A_49 = vector.broadcast %and3A_48 : i32 to vector<16xi32>
    %and3A_50 = arith.andi %get3A_40, %and3A_49 : vector<16xi32>
    %swap3A_51 = arith.constant 16 : index
    %swap3A_52 = tpu.vector_load %arg8[%swap3A_51] {strides = array<i32>} : memref<128xi32, #tpu.memory_space<vmem>>, vector<16xi32>,
    %swap3A_53 = vector.shape_cast %swap3A_52 : vector<16xi32> to vector<16xi32>
    %swap3A_54 = vector.shape_cast %and3A_50 : vector<16xi32> to vector<16xi32>
    tpu.vector_store %arg8[%swap3A_51], %swap3A_54 {strides = array<i32>} : memref<128xi32, #tpu.memory_space<vmem>>, vector<16xi32>,
    %get3A_55 = arith.constant 0 : i32
    %get3A_56 = arith.index_cast %get3A_55 : i32 to index
    %get3A_57 = arith.constant 32 : index
    %get3A_58 = tpu.vector_load %arg5[%get3A_56, %get3A_57] {strides = array<i32>} : memref<80x128xi32, #tpu.memory_space<vmem>>, vector<1x16xi32>,
    %get3A_59 = vector.shape_cast %get3A_58 : vector<1x16xi32> to vector<16xi32>
    %shift_right_arithmetic3A_60 = arith.constant 14 : i32
    %shift_right_arithmetic3A_61 = vector.broadcast %shift_right_arithmetic3A_60 : i32 to vector<16xi32>
    %shift_right_arithmetic3A_62 = arith.shrsi %get3A_59, %shift_right_arithmetic3A_61 : vector<16xi32>
    %swap3A_63 = arith.constant 32 : index
    %swap3A_64 = tpu.vector_load %arg6[%swap3A_63] {strides = array<i32>} : memref<128xi32, #tpu.memory_space<vmem>>, vector<16xi32>,
    %swap3A_65 = vector.shape_cast %swap3A_64 : vector<16xi32> to vector<16xi32>
    %swap3A_66 = vector.shape_cast %shift_right_arithmetic3A_62 : vector<16xi32> to vector<16xi32>
    tpu.vector_store %arg6[%swap3A_63], %swap3A_66 {strides = array<i32>} : memref<128xi32, #tpu.memory_space<vmem>>, vector<16xi32>,
    %and3A_67 = arith.constant 16383 : i32
    %and3A_68 = vector.broadcast %and3A_67 : i32 to vector<16xi32>
    %and3A_69 = arith.andi %get3A_59, %and3A_68 : vector<16xi32>
    %swap3A_70 = arith.constant 32 : index
    %swap3A_71 = tpu.vector_load %arg8[%swap3A_70] {strides = array<i32>} : memref<128xi32, #tpu.memory_space<vmem>>, vector<16xi32>,
    %swap3A_72 = vector.shape_cast %swap3A_71 : vector<16xi32> to vector<16xi32>
    %swap3A_73 = vector.shape_cast %and3A_69 : vector<16xi32> to vector<16xi32>
    tpu.vector_store %arg8[%swap3A_70], %swap3A_73 {strides = array<i32>} : memref<128xi32, #tpu.memory_space<vmem>>, vector<16xi32>,
    %get3A_74 = arith.constant 0 : i32
    %get3A_75 = arith.index_cast %get3A_74 : i32 to index
    %get3A_76 = arith.constant 48 : index
    %get3A_77 = tpu.vector_load %arg5[%get3A_75, %get3A_76] {strides = array<i32>} : memref<80x128xi32, #tpu.memory_space<vmem>>, vector<1x16xi32>,
    %get3A_78 = vector.shape_cast %get3A_77 : vector<1x16xi32> to vector<16xi32>
    %shift_right_arithmetic3A_79 = arith.constant 14 : i32
    %shift_right_arithmetic3A_80 = vector.broadcast %shift_right_arithmetic3A_79 : i32 to vector<16xi32>
    %shift_right_arithmetic3A_81 = arith.shrsi %get3A_78, %shift_right_arithmetic3A_80 : vector<16xi32>
    %swap3A_82 = arith.constant 48 : index
    %swap3A_83 = tpu.vector_load %arg6[%swap3A_82] {strides = array<i32>} : memref<128xi32, #tpu.memory_space<vmem>>, vector<16xi32>,
    %swap3A_84 = vector.shape_cast %swap3A_83 : vector<16xi32> to vector<16xi32>
    %swap3A_85 = vector.shape_cast %shift_right_arithmetic3A_81 : vector<16xi32> to vector<16xi32>
    tpu.vector_store %arg6[%swap3A_82], %swap3A_85 {strides = array<i32>} : memref<128xi32, #tpu.memory_space<vmem>>, vector<16xi32>,
    %and3A_86 = arith.constant 16383 : i32
    %and3A_87 = vector.broadcast %and3A_86 : i32 to vector<16xi32>
    %and3A_88 = arith.andi %get3A_78, %and3A_87 : vector<16xi32>
    %swap3A_89 = arith.constant 48 : index
    %swap3A_90 = tpu.vector_load %arg8[%swap3A_89] {strides = array<i32>} : memref<128xi32, #tpu.memory_space<vmem>>, vector<16xi32>,
    %swap3A_91 = vector.shape_cast %swap3A_90 : vector<16xi32> to vector<16xi32>
    %swap3A_92 = vector.shape_cast %and3A_88 : vector<16xi32> to vector<16xi32>
    tpu.vector_store %arg8[%swap3A_89], %swap3A_92 {strides = array<i32>} : memref<128xi32, #tpu.memory_space<vmem>>, vector<16xi32>,
    %get3A_93 = arith.constant 0 : i32
    %get3A_94 = arith.index_cast %get3A_93 : i32 to index
    %get3A_95 = arith.constant 64 : index
    %get3A_96 = tpu.vector_load %arg5[%get3A_94, %get3A_95] {strides = array<i32>} : memref<80x128xi32, #tpu.memory_space<vmem>>, vector<1x16xi32>,
    %get3A_97 = vector.shape_cast %get3A_96 : vector<1x16xi32> to vector<16xi32>
    %shift_right_arithmetic3A_98 = arith.constant 14 : i32
    %shift_right_arithmetic3A_99 = vector.broadcast %shift_right_arithmetic3A_98 : i32 to vector<16xi32>
    %shift_right_arithmetic3A_100 = arith.shrsi %get3A_97, %shift_right_arithmetic3A_99 : vector<16xi32>
    %swap3A_101 = arith.constant 64 : index
    %swap3A_102 = tpu.vector_load %arg6[%swap3A_101] {strides = array<i32>} : memref<128xi32, #tpu.memory_space<vmem>>, vector<16xi32>,
    %swap3A_103 = vector.shape_cast %swap3A_102 : vector<16xi32> to vector<16xi32>
    %swap3A_104 = vector.shape_cast %shift_right_arithmetic3A_100 : vector<16xi32> to vector<16xi32>
    tpu.vector_store %arg6[%swap3A_101], %swap3A_104 {strides = array<i32>} : memref<128xi32, #tpu.memory_space<vmem>>, vector<16xi32>,
    %and3A_105 = arith.constant 16383 : i32
    %and3A_106 = vector.broadcast %and3A_105 : i32 to vector<16xi32>
    %and3A_107 = arith.andi %get3A_97, %and3A_106 : vector<16xi32>
    %swap3A_108 = arith.constant 64 : index
    %swap3A_109 = tpu.vector_load %arg8[%swap3A_108] {strides = array<i32>} : memref<128xi32, #tpu.memory_space<vmem>>, vector<16xi32>,
    %swap3A_110 = vector.shape_cast %swap3A_109 : vector<16xi32> to vector<16xi32>
    %swap3A_111 = vector.shape_cast %and3A_107 : vector<16xi32> to vector<16xi32>
    tpu.vector_store %arg8[%swap3A_108], %swap3A_111 {strides = array<i32>} : memref<128xi32, #tpu.memory_space<vmem>>, vector<16xi32>,
    %get3A_112 = arith.constant 0 : i32
    %get3A_113 = arith.index_cast %get3A_112 : i32 to index
    %get3A_114 = arith.constant 80 : index
    %get3A_115 = tpu.vector_load %arg5[%get3A_113, %get3A_114] {strides = array<i32>} : memref<80x128xi32, #tpu.memory_space<vmem>>, vector<1x16xi32>,
    %get3A_116 = vector.shape_cast %get3A_115 : vector<1x16xi32> to vector<16xi32>
    %shift_right_arithmetic3A_117 = arith.constant 14 : i32
    %shift_right_arithmetic3A_118 = vector.broadcast %shift_right_arithmetic3A_117 : i32 to vector<16xi32>
    %shift_right_arithmetic3A_119 = arith.shrsi %get3A_116, %shift_right_arithmetic3A_118 : vector<16xi32>
    %swap3A_120 = arith.constant 80 : index
    %swap3A_121 = tpu.vector_load %arg6[%swap3A_120] {strides = array<i32>} : memref<128xi32, #tpu.memory_space<vmem>>, vector<16xi32>,
    %swap3A_122 = vector.shape_cast %swap3A_121 : vector<16xi32> to vector<16xi32>
    %swap3A_123 = vector.shape_cast %shift_right_arithmetic3A_119 : vector<16xi32> to vector<16xi32>
    tpu.vector_store %arg6[%swap3A_120], %swap3A_123 {strides = array<i32>} : memref<128xi32, #tpu.memory_space<vmem>>, vector<16xi32>,
    %and3A_124 = arith.constant 16383 : i32
    %and3A_125 = vector.broadcast %and3A_124 : i32 to vector<16xi32>
    %and3A_126 = arith.andi %get3A_116, %and3A_125 : vector<16xi32>
    %swap3A_127 = arith.constant 80 : index
    %swap3A_128 = tpu.vector_load %arg8[%swap3A_127] {strides = array<i32>} : memref<128xi32, #tpu.memory_space<vmem>>, vector<16xi32>,
    %swap3A_129 = vector.shape_cast %swap3A_128 : vector<16xi32> to vector<16xi32>
    %swap3A_130 = vector.shape_cast %and3A_126 : vector<16xi32> to vector<16xi32>
    tpu.vector_store %arg8[%swap3A_127], %swap3A_130 {strides = array<i32>} : memref<128xi32, #tpu.memory_space<vmem>>, vector<16xi32>,
    %get3A_131 = arith.constant 0 : i32
    %get3A_132 = arith.index_cast %get3A_131 : i32 to index
    %get3A_133 = arith.constant 96 : index
    %get3A_134 = tpu.vector_load %arg5[%get3A_132, %get3A_133] {strides = array<i32>} : memref<80x128xi32, #tpu.memory_space<vmem>>, vector<1x16xi32>,
    %get3A_135 = vector.shape_cast %get3A_134 : vector<1x16xi32> to vector<16xi32>
    %shift_right_arithmetic3A_136 = arith.constant 14 : i32
    %shift_right_arithmetic3A_137 = vector.broadcast %shift_right_arithmetic3A_136 : i32 to vector<16xi32>
    %shift_right_arithmetic3A_138 = arith.shrsi %get3A_135, %shift_right_arithmetic3A_137 : vector<16xi32>
    %swap3A_139 = arith.constant 96 : index
    %swap3A_140 = tpu.vector_load %arg6[%swap3A_139] {strides = array<i32>} : memref<128xi32, #tpu.memory_space<vmem>>, vector<16xi32>,
    %swap3A_141 = vector.shape_cast %swap3A_140 : vector<16xi32> to vector<16xi32>
    %swap3A_142 = vector.shape_cast %shift_right_arithmetic3A_138 : vector<16xi32> to vector<16xi32>
    tpu.vector_store %arg6[%swap3A_139], %swap3A_142 {strides = array<i32>} : memref<128xi32, #tpu.memory_space<vmem>>, vector<16xi32>,
    %and3A_143 = arith.constant 16383 : i32
    %and3A_144 = vector.broadcast %and3A_143 : i32 to vector<16xi32>
    %and3A_145 = arith.andi %get3A_135, %and3A_144 : vector<16xi32>
    %swap3A_146 = arith.constant 96 : index
    %swap3A_147 = tpu.vector_load %arg8[%swap3A_146] {strides = array<i32>} : memref<128xi32, #tpu.memory_space<vmem>>, vector<16xi32>,
    %swap3A_148 = vector.shape_cast %swap3A_147 : vector<16xi32> to vector<16xi32>
    %swap3A_149 = vector.shape_cast %and3A_145 : vector<16xi32> to vector<16xi32>
    tpu.vector_store %arg8[%swap3A_146], %swap3A_149 {strides = array<i32>} : memref<128xi32, #tpu.memory_space<vmem>>, vector<16xi32>,
    %get3A_150 = arith.constant 0 : i32
    %get3A_151 = arith.index_cast %get3A_150 : i32 to index
    %get3A_152 = arith.constant 112 : index
    %get3A_153 = tpu.vector_load %arg5[%get3A_151, %get3A_152] {strides = array<i32>} : memref<80x128xi32, #tpu.memory_space<vmem>>, vector<1x16xi32>,
    %get3A_154 = vector.shape_cast %get3A_153 : vector<1x16xi32> to vector<16xi32>
    %shift_right_arithmetic3A_155 = arith.constant 14 : i32
    %shift_right_arithmetic3A_156 = vector.broadcast %shift_right_arithmetic3A_155 : i32 to vector<16xi32>
    %shift_right_arithmetic3A_157 = arith.shrsi %get3A_154, %shift_right_arithmetic3A_156 : vector<16xi32>
    %swap3A_158 = arith.constant 112 : index
    %swap3A_159 = tpu.vector_load %arg6[%swap3A_158] {strides = array<i32>} : memref<128xi32, #tpu.memory_space<vmem>>, vector<16xi32>,
    %swap3A_160 = vector.shape_cast %swap3A_159 : vector<16xi32> to vector<16xi32>
    %swap3A_161 = vector.shape_cast %shift_right_arithmetic3A_157 : vector<16xi32> to vector<16xi32>
    tpu.vector_store %arg6[%swap3A_158], %swap3A_161 {strides = array<i32>} : memref<128xi32, #tpu.memory_space<vmem>>, vector<16xi32>,
    %and3A_162 = arith.constant 16383 : i32
    %and3A_163 = vector.broadcast %and3A_162 : i32 to vector<16xi32>
    %and3A_164 = arith.andi %get3A_154, %and3A_163 : vector<16xi32>
    %swap3A_165 = arith.constant 112 : index
    %swap3A_166 = tpu.vector_load %arg8[%swap3A_165] {strides = array<i32>} : memref<128xi32, #tpu.memory_space<vmem>>, vector<16xi32>,
    %swap3A_167 = vector.shape_cast %swap3A_166 : vector<16xi32> to vector<16xi32>
    %swap3A_168 = vector.shape_cast %and3A_164 : vector<16xi32> to vector<16xi32>
    tpu.vector_store %arg8[%swap3A_165], %swap3A_168 {strides = array<i32>} : memref<128xi32, #tpu.memory_space<vmem>>, vector<16xi32>,
    %dma_start3A = arith.constant 0 : i32
    %dma_start3A_169 = arith.constant 0 : i32
    %dma_start3A_170 = tpu.memref_slice %arg2[%dma_start3A, %dma_start3A_169] : memref<10000x128xf32, #tpu.memory_space<hbm>> -> memref<10000x128xf32, #tpu.memory_space<hbm>>
    tpu.enqueue_indirect_dma source(%dma_start3A_170 : memref<10000x128xf32, #tpu.memory_space<hbm>>) target(%arg10 : memref<128x128xf32, #tpu.memory_space<vmem>>) offsets(%arg6 : memref<128xi32, #tpu.memory_space<vmem>>) semaphore(%arg13 : memref<!tpu.dma_semaphore, #tpu.memory_space<semaphore_mem>>)
    %get3A_171 = arith.constant 1 : i32
    %get3A_172 = arith.index_cast %get3A_171 : i32 to index
    %get3A_173 = arith.constant 0 : index
    %get3A_174 = tpu.vector_load %arg5[%get3A_172, %get3A_173] {strides = array<i32>} : memref<80x128xi32, #tpu.memory_space<vmem>>, vector<1x16xi32>,
    %get3A_175 = vector.shape_cast %get3A_174 : vector<1x16xi32> to vector<16xi32>
    %shift_right_arithmetic3A_176 = arith.constant 14 : i32
    %shift_right_arithmetic3A_177 = vector.broadcast %shift_right_arithmetic3A_176 : i32 to vector<16xi32>
    %shift_right_arithmetic3A_178 = arith.shrsi %get3A_175, %shift_right_arithmetic3A_177 : vector<16xi32>
    %swap3A_179 = arith.constant 0 : index
    %swap3A_180 = tpu.vector_load %arg7[%swap3A_179] {strides = array<i32>} : memref<128xi32, #tpu.memory_space<vmem>>, vector<16xi32>,
    %swap3A_181 = vector.shape_cast %swap3A_180 : vector<16xi32> to vector<16xi32>
    %swap3A_182 = vector.shape_cast %shift_right_arithmetic3A_178 : vector<16xi32> to vector<16xi32>
    tpu.vector_store %arg7[%swap3A_179], %swap3A_182 {strides = array<i32>} : memref<128xi32, #tpu.memory_space<vmem>>, vector<16xi32>,
    %and3A_183 = arith.constant 16383 : i32
    %and3A_184 = vector.broadcast %and3A_183 : i32 to vector<16xi32>
    %and3A_185 = arith.andi %get3A_175, %and3A_184 : vector<16xi32>
    %swap3A_186 = arith.constant 0 : index
    %swap3A_187 = tpu.vector_load %arg9[%swap3A_186] {strides = array<i32>} : memref<128xi32, #tpu.memory_space<vmem>>, vector<16xi32>,
    %swap3A_188 = vector.shape_cast %swap3A_187 : vector<16xi32> to vector<16xi32>
    %swap3A_189 = vector.shape_cast %and3A_185 : vector<16xi32> to vector<16xi32>
    tpu.vector_store %arg9[%swap3A_186], %swap3A_189 {strides = array<i32>} : memref<128xi32, #tpu.memory_space<vmem>>, vector<16xi32>,
    %get3A_190 = arith.constant 1 : i32
    %get3A_191 = arith.index_cast %get3A_190 : i32 to index
    %get3A_192 = arith.constant 16 : index
    %get3A_193 = tpu.vector_load %arg5[%get3A_191, %get3A_192] {strides = array<i32>} : memref<80x128xi32, #tpu.memory_space<vmem>>, vector<1x16xi32>,
    %get3A_194 = vector.shape_cast %get3A_193 : vector<1x16xi32> to vector<16xi32>
    %shift_right_arithmetic3A_195 = arith.constant 14 : i32
    %shift_right_arithmetic3A_196 = vector.broadcast %shift_right_arithmetic3A_195 : i32 to vector<16xi32>
    %shift_right_arithmetic3A_197 = arith.shrsi %get3A_194, %shift_right_arithmetic3A_196 : vector<16xi32>
    %swap3A_198 = arith.constant 16 : index
    %swap3A_199 = tpu.vector_load %arg7[%swap3A_198] {strides = array<i32>} : memref<128xi32, #tpu.memory_space<vmem>>, vector<16xi32>,
    %swap3A_200 = vector.shape_cast %swap3A_199 : vector<16xi32> to vector<16xi32>
    %swap3A_201 = vector.shape_cast %shift_right_arithmetic3A_197 : vector<16xi32> to vector<16xi32>
    tpu.vector_store %arg7[%swap3A_198], %swap3A_201 {strides = array<i32>} : memref<128xi32, #tpu.memory_space<vmem>>, vector<16xi32>,
    %and3A_202 = arith.constant 16383 : i32
    %and3A_203 = vector.broadcast %and3A_202 : i32 to vector<16xi32>
    %and3A_204 = arith.andi %get3A_194, %and3A_203 : vector<16xi32>
    %swap3A_205 = arith.constant 16 : index
    %swap3A_206 = tpu.vector_load %arg9[%swap3A_205] {strides = array<i32>} : memref<128xi32, #tpu.memory_space<vmem>>, vector<16xi32>,
    %swap3A_207 = vector.shape_cast %swap3A_206 : vector<16xi32> to vector<16xi32>
    %swap3A_208 = vector.shape_cast %and3A_204 : vector<16xi32> to vector<16xi32>
    tpu.vector_store %arg9[%swap3A_205], %swap3A_208 {strides = array<i32>} : memref<128xi32, #tpu.memory_space<vmem>>, vector<16xi32>,
    %get3A_209 = arith.constant 1 : i32
    %get3A_210 = arith.index_cast %get3A_209 : i32 to index
    %get3A_211 = arith.constant 32 : index
    %get3A_212 = tpu.vector_load %arg5[%get3A_210, %get3A_211] {strides = array<i32>} : memref<80x128xi32, #tpu.memory_space<vmem>>, vector<1x16xi32>,
    %get3A_213 = vector.shape_cast %get3A_212 : vector<1x16xi32> to vector<16xi32>
    %shift_right_arithmetic3A_214 = arith.constant 14 : i32
    %shift_right_arithmetic3A_215 = vector.broadcast %shift_right_arithmetic3A_214 : i32 to vector<16xi32>
    %shift_right_arithmetic3A_216 = arith.shrsi %get3A_213, %shift_right_arithmetic3A_215 : vector<16xi32>
    %swap3A_217 = arith.constant 32 : index
    %swap3A_218 = tpu.vector_load %arg7[%swap3A_217] {strides = array<i32>} : memref<128xi32, #tpu.memory_space<vmem>>, vector<16xi32>,
    %swap3A_219 = vector.shape_cast %swap3A_218 : vector<16xi32> to vector<16xi32>
    %swap3A_220 = vector.shape_cast %shift_right_arithmetic3A_216 : vector<16xi32> to vector<16xi32>
    tpu.vector_store %arg7[%swap3A_217], %swap3A_220 {strides = array<i32>} : memref<128xi32, #tpu.memory_space<vmem>>, vector<16xi32>,
    %and3A_221 = arith.constant 16383 : i32
    %and3A_222 = vector.broadcast %and3A_221 : i32 to vector<16xi32>
    %and3A_223 = arith.andi %get3A_213, %and3A_222 : vector<16xi32>
    %swap3A_224 = arith.constant 32 : index
    %swap3A_225 = tpu.vector_load %arg9[%swap3A_224] {strides = array<i32>} : memref<128xi32, #tpu.memory_space<vmem>>, vector<16xi32>,
    %swap3A_226 = vector.shape_cast %swap3A_225 : vector<16xi32> to vector<16xi32>
    %swap3A_227 = vector.shape_cast %and3A_223 : vector<16xi32> to vector<16xi32>
    tpu.vector_store %arg9[%swap3A_224], %swap3A_227 {strides = array<i32>} : memref<128xi32, #tpu.memory_space<vmem>>, vector<16xi32>,
    %get3A_228 = arith.constant 1 : i32
    %get3A_229 = arith.index_cast %get3A_228 : i32 to index
    %get3A_230 = arith.constant 48 : index
    %get3A_231 = tpu.vector_load %arg5[%get3A_229, %get3A_230] {strides = array<i32>} : memref<80x128xi32, #tpu.memory_space<vmem>>, vector<1x16xi32>,
    %get3A_232 = vector.shape_cast %get3A_231 : vector<1x16xi32> to vector<16xi32>
    %shift_right_arithmetic3A_233 = arith.constant 14 : i32
    %shift_right_arithmetic3A_234 = vector.broadcast %shift_right_arithmetic3A_233 : i32 to vector<16xi32>
    %shift_right_arithmetic3A_235 = arith.shrsi %get3A_232, %shift_right_arithmetic3A_234 : vector<16xi32>
    %swap3A_236 = arith.constant 48 : index
    %swap3A_237 = tpu.vector_load %arg7[%swap3A_236] {strides = array<i32>} : memref<128xi32, #tpu.memory_space<vmem>>, vector<16xi32>,
    %swap3A_238 = vector.shape_cast %swap3A_237 : vector<16xi32> to vector<16xi32>
    %swap3A_239 = vector.shape_cast %shift_right_arithmetic3A_235 : vector<16xi32> to vector<16xi32>
    tpu.vector_store %arg7[%swap3A_236], %swap3A_239 {strides = array<i32>} : memref<128xi32, #tpu.memory_space<vmem>>, vector<16xi32>,
    %and3A_240 = arith.constant 16383 : i32
    %and3A_241 = vector.broadcast %and3A_240 : i32 to vector<16xi32>
    %and3A_242 = arith.andi %get3A_232, %and3A_241 : vector<16xi32>
    %swap3A_243 = arith.constant 48 : index
    %swap3A_244 = tpu.vector_load %arg9[%swap3A_243] {strides = array<i32>} : memref<128xi32, #tpu.memory_space<vmem>>, vector<16xi32>,
    %swap3A_245 = vector.shape_cast %swap3A_244 : vector<16xi32> to vector<16xi32>
    %swap3A_246 = vector.shape_cast %and3A_242 : vector<16xi32> to vector<16xi32>
    tpu.vector_store %arg9[%swap3A_243], %swap3A_246 {strides = array<i32>} : memref<128xi32, #tpu.memory_space<vmem>>, vector<16xi32>,
    %get3A_247 = arith.constant 1 : i32
    %get3A_248 = arith.index_cast %get3A_247 : i32 to index
    %get3A_249 = arith.constant 64 : index
    %get3A_250 = tpu.vector_load %arg5[%get3A_248, %get3A_249] {strides = array<i32>} : memref<80x128xi32, #tpu.memory_space<vmem>>, vector<1x16xi32>,
    %get3A_251 = vector.shape_cast %get3A_250 : vector<1x16xi32> to vector<16xi32>
    %shift_right_arithmetic3A_252 = arith.constant 14 : i32
    %shift_right_arithmetic3A_253 = vector.broadcast %shift_right_arithmetic3A_252 : i32 to vector<16xi32>
    %shift_right_arithmetic3A_254 = arith.shrsi %get3A_251, %shift_right_arithmetic3A_253 : vector<16xi32>
    %swap3A_255 = arith.constant 64 : index
    %swap3A_256 = tpu.vector_load %arg7[%swap3A_255] {strides = array<i32>} : memref<128xi32, #tpu.memory_space<vmem>>, vector<16xi32>,
    %swap3A_257 = vector.shape_cast %swap3A_256 : vector<16xi32> to vector<16xi32>
    %swap3A_258 = vector.shape_cast %shift_right_arithmetic3A_254 : vector<16xi32> to vector<16xi32>
    tpu.vector_store %arg7[%swap3A_255], %swap3A_258 {strides = array<i32>} : memref<128xi32, #tpu.memory_space<vmem>>, vector<16xi32>,
    %and3A_259 = arith.constant 16383 : i32
    %and3A_260 = vector.broadcast %and3A_259 : i32 to vector<16xi32>
    %and3A_261 = arith.andi %get3A_251, %and3A_260 : vector<16xi32>
    %swap3A_262 = arith.constant 64 : index
    %swap3A_263 = tpu.vector_load %arg9[%swap3A_262] {strides = array<i32>} : memref<128xi32, #tpu.memory_space<vmem>>, vector<16xi32>,
    %swap3A_264 = vector.shape_cast %swap3A_263 : vector<16xi32> to vector<16xi32>
    %swap3A_265 = vector.shape_cast %and3A_261 : vector<16xi32> to vector<16xi32>
    tpu.vector_store %arg9[%swap3A_262], %swap3A_265 {strides = array<i32>} : memref<128xi32, #tpu.memory_space<vmem>>, vector<16xi32>,
    %get3A_266 = arith.constant 1 : i32
    %get3A_267 = arith.index_cast %get3A_266 : i32 to index
    %get3A_268 = arith.constant 80 : index
    %get3A_269 = tpu.vector_load %arg5[%get3A_267, %get3A_268] {strides = array<i32>} : memref<80x128xi32, #tpu.memory_space<vmem>>, vector<1x16xi32>,
    %get3A_270 = vector.shape_cast %get3A_269 : vector<1x16xi32> to vector<16xi32>
    %shift_right_arithmetic3A_271 = arith.constant 14 : i32
    %shift_right_arithmetic3A_272 = vector.broadcast %shift_right_arithmetic3A_271 : i32 to vector<16xi32>
    %shift_right_arithmetic3A_273 = arith.shrsi %get3A_270, %shift_right_arithmetic3A_272 : vector<16xi32>
    %swap3A_274 = arith.constant 80 : index
    %swap3A_275 = tpu.vector_load %arg7[%swap3A_274] {strides = array<i32>} : memref<128xi32, #tpu.memory_space<vmem>>, vector<16xi32>,
    %swap3A_276 = vector.shape_cast %swap3A_275 : vector<16xi32> to vector<16xi32>
    %swap3A_277 = vector.shape_cast %shift_right_arithmetic3A_273 : vector<16xi32> to vector<16xi32>
    tpu.vector_store %arg7[%swap3A_274], %swap3A_277 {strides = array<i32>} : memref<128xi32, #tpu.memory_space<vmem>>, vector<16xi32>,
    %and3A_278 = arith.constant 16383 : i32
    %and3A_279 = vector.broadcast %and3A_278 : i32 to vector<16xi32>
    %and3A_280 = arith.andi %get3A_270, %and3A_279 : vector<16xi32>
    %swap3A_281 = arith.constant 80 : index
    %swap3A_282 = tpu.vector_load %arg9[%swap3A_281] {strides = array<i32>} : memref<128xi32, #tpu.memory_space<vmem>>, vector<16xi32>,
    %swap3A_283 = vector.shape_cast %swap3A_282 : vector<16xi32> to vector<16xi32>
    %swap3A_284 = vector.shape_cast %and3A_280 : vector<16xi32> to vector<16xi32>
    tpu.vector_store %arg9[%swap3A_281], %swap3A_284 {strides = array<i32>} : memref<128xi32, #tpu.memory_space<vmem>>, vector<16xi32>,
    %get3A_285 = arith.constant 1 : i32
    %get3A_286 = arith.index_cast %get3A_285 : i32 to index
    %get3A_287 = arith.constant 96 : index
    %get3A_288 = tpu.vector_load %arg5[%get3A_286, %get3A_287] {strides = array<i32>} : memref<80x128xi32, #tpu.memory_space<vmem>>, vector<1x16xi32>,
    %get3A_289 = vector.shape_cast %get3A_288 : vector<1x16xi32> to vector<16xi32>
    %shift_right_arithmetic3A_290 = arith.constant 14 : i32
    %shift_right_arithmetic3A_291 = vector.broadcast %shift_right_arithmetic3A_290 : i32 to vector<16xi32>
    %shift_right_arithmetic3A_292 = arith.shrsi %get3A_289, %shift_right_arithmetic3A_291 : vector<16xi32>
    %swap3A_293 = arith.constant 96 : index
    %swap3A_294 = tpu.vector_load %arg7[%swap3A_293] {strides = array<i32>} : memref<128xi32, #tpu.memory_space<vmem>>, vector<16xi32>,
    %swap3A_295 = vector.shape_cast %swap3A_294 : vector<16xi32> to vector<16xi32>
    %swap3A_296 = vector.shape_cast %shift_right_arithmetic3A_292 : vector<16xi32> to vector<16xi32>
    tpu.vector_store %arg7[%swap3A_293], %swap3A_296 {strides = array<i32>} : memref<128xi32, #tpu.memory_space<vmem>>, vector<16xi32>,
    %and3A_297 = arith.constant 16383 : i32
    %and3A_298 = vector.broadcast %and3A_297 : i32 to vector<16xi32>
    %and3A_299 = arith.andi %get3A_289, %and3A_298 : vector<16xi32>
    %swap3A_300 = arith.constant 96 : index
    %swap3A_301 = tpu.vector_load %arg9[%swap3A_300] {strides = array<i32>} : memref<128xi32, #tpu.memory_space<vmem>>, vector<16xi32>,
    %swap3A_302 = vector.shape_cast %swap3A_301 : vector<16xi32> to vector<16xi32>
    %swap3A_303 = vector.shape_cast %and3A_299 : vector<16xi32> to vector<16xi32>
    tpu.vector_store %arg9[%swap3A_300], %swap3A_303 {strides = array<i32>} : memref<128xi32, #tpu.memory_space<vmem>>, vector<16xi32>,
    %get3A_304 = arith.constant 1 : i32
    %get3A_305 = arith.index_cast %get3A_304 : i32 to index
    %get3A_306 = arith.constant 112 : index
    %get3A_307 = tpu.vector_load %arg5[%get3A_305, %get3A_306] {strides = array<i32>} : memref<80x128xi32, #tpu.memory_space<vmem>>, vector<1x16xi32>,
    %get3A_308 = vector.shape_cast %get3A_307 : vector<1x16xi32> to vector<16xi32>
    %shift_right_arithmetic3A_309 = arith.constant 14 : i32
    %shift_right_arithmetic3A_310 = vector.broadcast %shift_right_arithmetic3A_309 : i32 to vector<16xi32>
    %shift_right_arithmetic3A_311 = arith.shrsi %get3A_308, %shift_right_arithmetic3A_310 : vector<16xi32>
    %swap3A_312 = arith.constant 112 : index
    %swap3A_313 = tpu.vector_load %arg7[%swap3A_312] {strides = array<i32>} : memref<128xi32, #tpu.memory_space<vmem>>, vector<16xi32>,
    %swap3A_314 = vector.shape_cast %swap3A_313 : vector<16xi32> to vector<16xi32>
    %swap3A_315 = vector.shape_cast %shift_right_arithmetic3A_311 : vector<16xi32> to vector<16xi32>
    tpu.vector_store %arg7[%swap3A_312], %swap3A_315 {strides = array<i32>} : memref<128xi32, #tpu.memory_space<vmem>>, vector<16xi32>,
    %and3A_316 = arith.constant 16383 : i32
    %and3A_317 = vector.broadcast %and3A_316 : i32 to vector<16xi32>
    %and3A_318 = arith.andi %get3A_308, %and3A_317 : vector<16xi32>
    %swap3A_319 = arith.constant 112 : index
    %swap3A_320 = tpu.vector_load %arg9[%swap3A_319] {strides = array<i32>} : memref<128xi32, #tpu.memory_space<vmem>>, vector<16xi32>,
    %swap3A_321 = vector.shape_cast %swap3A_320 : vector<16xi32> to vector<16xi32>
    %swap3A_322 = vector.shape_cast %and3A_318 : vector<16xi32> to vector<16xi32>
    tpu.vector_store %arg9[%swap3A_319], %swap3A_322 {strides = array<i32>} : memref<128xi32, #tpu.memory_space<vmem>>, vector<16xi32>,
    %dma_start3A_323 = arith.constant 0 : i32
    %dma_start3A_324 = arith.constant 0 : i32
    %dma_start3A_325 = tpu.memref_slice %arg2[%dma_start3A_323, %dma_start3A_324] : memref<10000x128xf32, #tpu.memory_space<hbm>> -> memref<10000x128xf32, #tpu.memory_space<hbm>>
    tpu.enqueue_indirect_dma source(%dma_start3A_325 : memref<10000x128xf32, #tpu.memory_space<hbm>>) target(%arg11 : memref<128x128xf32, #tpu.memory_space<vmem>>) offsets(%arg7 : memref<128xi32, #tpu.memory_space<vmem>>) semaphore(%arg14 : memref<!tpu.dma_semaphore, #tpu.memory_space<semaphore_mem>>)
    %scan3A_326 = arith.constant 0 : i32
    %scan3A_327 = arith.constant 0 : i32
    %scan3A_328 = arith.constant 39 : i32
    %scan3A_329 = arith.addi %scan3A_327, %scan3A_328 : i32
    %scan3A_330 = arith.constant 1 : i32
    scf.for %scan3A_354 = %scan3A_327 to %scan3A_329 step %scan3A_330  : i32 {
      %mul3A_355 = arith.constant 2 : i32
      %mul3A_356 = arith.muli %scan3A_354, %mul3A_355 : i32
      %dma_wait3A_357 = arith.constant 0 : i32
      %dma_wait3A_358 = arith.constant 0 : i32
      %dma_wait3A_359 = tpu.memref_slice %arg2[%dma_wait3A_357, %dma_wait3A_358] : memref<10000x128xf32, #tpu.memory_space<hbm>> -> memref<128x128xf32, #tpu.memory_space<hbm>>
      %dma_wait3A_360 = arith.constant 0 : i32
      %dma_wait3A_361 = arith.constant 0 : i32
      %dma_wait3A_362 = tpu.memref_slice %arg2[%dma_wait3A_360, %dma_wait3A_361] : memref<10000x128xf32, #tpu.memory_space<hbm>> -> memref<128x128xf32, #tpu.memory_space<hbm>>
      tpu.wait_dma2 semaphore(%arg13 : memref<!tpu.dma_semaphore, #tpu.memory_space<semaphore_mem>>) src(%dma_wait3A_362 : memref<128x128xf32, #tpu.memory_space<hbm>>) dst(%arg10 : memref<128x128xf32, #tpu.memory_space<vmem>>)
      "tpu.region"() ({
        %run_scoped3A = tpu.sem_alloc : memref<!tpu.dma_semaphore, #tpu.memory_space<semaphore_mem>>
        %dma_start3A_667 = arith.constant 0 : i32
        %dma_start3A_668 = arith.constant 0 : i32
        %dma_start3A_669 = tpu.memref_slice %arg12[%dma_start3A_667, %dma_start3A_668] : memref<10240x128xf32, #tpu.memory_space<vmem_shared>> -> memref<10240x128xf32, #tpu.memory_space<vmem_shared>>
        tpu.enqueue_indirect_dma source(%arg10 : memref<128x128xf32, #tpu.memory_space<vmem>>) target(%dma_start3A_669 : memref<10240x128xf32, #tpu.memory_space<vmem_shared>>) offsets(%arg8 : memref<128xi32, #tpu.memory_space<vmem>>) semaphore(%run_scoped3A : memref<!tpu.dma_semaphore, #tpu.memory_space<semaphore_mem>>) {add = true}
        %dma_wait3A_670 = arith.constant 0 : i32
        %dma_wait3A_671 = arith.constant 0 : i32
        %dma_wait3A_672 = tpu.memref_slice %arg12[%dma_wait3A_670, %dma_wait3A_671] : memref<10240x128xf32, #tpu.memory_space<vmem_shared>> -> memref<10240x128xf32, #tpu.memory_space<vmem_shared>>
        tpu.wait_indirect_dma semaphore(%run_scoped3A : memref<!tpu.dma_semaphore, #tpu.memory_space<semaphore_mem>>) src(%arg10 : memref<128x128xf32, #tpu.memory_space<vmem>>) dst(%dma_wait3A_672 : memref<10240x128xf32, #tpu.memory_space<vmem_shared>>)
        tpu.yield
      }) : () -> ()
      %add3A_363 = arith.constant 2 : i32
      %add3A_364 = arith.addi %mul3A_356, %add3A_363 : i32
      %get3A_365 = arith.index_cast %add3A_364 : i32 to index
      %get3A_366 = arith.constant 0 : index
      %get3A_367 = tpu.vector_load %arg5[%get3A_365, %get3A_366] {strides = array<i32>} : memref<80x128xi32, #tpu.memory_space<vmem>>, vector<1x16xi32>,
      %get3A_368 = vector.shape_cast %get3A_367 : vector<1x16xi32> to vector<16xi32>
      %shift_right_arithmetic3A_369 = arith.constant 14 : i32
      %shift_right_arithmetic3A_370 = vector.broadcast %shift_right_arithmetic3A_369 : i32 to vector<16xi32>
      %shift_right_arithmetic3A_371 = arith.shrsi %get3A_368, %shift_right_arithmetic3A_370 : vector<16xi32>
      %swap3A_372 = arith.constant 0 : index
      %swap3A_373 = tpu.vector_load %arg6[%swap3A_372] {strides = array<i32>} : memref<128xi32, #tpu.memory_space<vmem>>, vector<16xi32>,
      %swap3A_374 = vector.shape_cast %swap3A_373 : vector<16xi32> to vector<16xi32>
      %swap3A_375 = vector.shape_cast %shift_right_arithmetic3A_371 : vector<16xi32> to vector<16xi32>
      tpu.vector_store %arg6[%swap3A_372], %swap3A_375 {strides = array<i32>} : memref<128xi32, #tpu.memory_space<vmem>>, vector<16xi32>,
      %and3A_376 = arith.constant 16383 : i32
      %and3A_377 = vector.broadcast %and3A_376 : i32 to vector<16xi32>
      %and3A_378 = arith.andi %get3A_368, %and3A_377 : vector<16xi32>
      %swap3A_379 = arith.constant 0 : index
      %swap3A_380 = tpu.vector_load %arg8[%swap3A_379] {strides = array<i32>} : memref<128xi32, #tpu.memory_space<vmem>>, vector<16xi32>,
      %swap3A_381 = vector.shape_cast %swap3A_380 : vector<16xi32> to vector<16xi32>
      %swap3A_382 = vector.shape_cast %and3A_378 : vector<16xi32> to vector<16xi32>
      tpu.vector_store %arg8[%swap3A_379], %swap3A_382 {strides = array<i32>} : memref<128xi32, #tpu.memory_space<vmem>>, vector<16xi32>,
      %get3A_383 = arith.index_cast %add3A_364 : i32 to index
      %get3A_384 = arith.constant 16 : index
      %get3A_385 = tpu.vector_load %arg5[%get3A_383, %get3A_384] {strides = array<i32>} : memref<80x128xi32, #tpu.memory_space<vmem>>, vector<1x16xi32>,
      %get3A_386 = vector.shape_cast %get3A_385 : vector<1x16xi32> to vector<16xi32>
      %shift_right_arithmetic3A_387 = arith.constant 14 : i32
      %shift_right_arithmetic3A_388 = vector.broadcast %shift_right_arithmetic3A_387 : i32 to vector<16xi32>
      %shift_right_arithmetic3A_389 = arith.shrsi %get3A_386, %shift_right_arithmetic3A_388 : vector<16xi32>
      %swap3A_390 = arith.constant 16 : index
      %swap3A_391 = tpu.vector_load %arg6[%swap3A_390] {strides = array<i32>} : memref<128xi32, #tpu.memory_space<vmem>>, vector<16xi32>,
      %swap3A_392 = vector.shape_cast %swap3A_391 : vector<16xi32> to vector<16xi32>
      %swap3A_393 = vector.shape_cast %shift_right_arithmetic3A_389 : vector<16xi32> to vector<16xi32>
      tpu.vector_store %arg6[%swap3A_390], %swap3A_393 {strides = array<i32>} : memref<128xi32, #tpu.memory_space<vmem>>, vector<16xi32>,
      %and3A_394 = arith.constant 16383 : i32
      %and3A_395 = vector.broadcast %and3A_394 : i32 to vector<16xi32>
      %and3A_396 = arith.andi %get3A_386, %and3A_395 : vector<16xi32>
      %swap3A_397 = arith.constant 16 : index
      %swap3A_398 = tpu.vector_load %arg8[%swap3A_397] {strides = array<i32>} : memref<128xi32, #tpu.memory_space<vmem>>, vector<16xi32>,
      %swap3A_399 = vector.shape_cast %swap3A_398 : vector<16xi32> to vector<16xi32>
      %swap3A_400 = vector.shape_cast %and3A_396 : vector<16xi32> to vector<16xi32>
      tpu.vector_store %arg8[%swap3A_397], %swap3A_400 {strides = array<i32>} : memref<128xi32, #tpu.memory_space<vmem>>, vector<16xi32>,
      %get3A_401 = arith.index_cast %add3A_364 : i32 to index
      %get3A_402 = arith.constant 32 : index
      %get3A_403 = tpu.vector_load %arg5[%get3A_401, %get3A_402] {strides = array<i32>} : memref<80x128xi32, #tpu.memory_space<vmem>>, vector<1x16xi32>,
      %get3A_404 = vector.shape_cast %get3A_403 : vector<1x16xi32> to vector<16xi32>
      %shift_right_arithmetic3A_405 = arith.constant 14 : i32
      %shift_right_arithmetic3A_406 = vector.broadcast %shift_right_arithmetic3A_405 : i32 to vector<16xi32>
      %shift_right_arithmetic3A_407 = arith.shrsi %get3A_404, %shift_right_arithmetic3A_406 : vector<16xi32>
      %swap3A_408 = arith.constant 32 : index
      %swap3A_409 = tpu.vector_load %arg6[%swap3A_408] {strides = array<i32>} : memref<128xi32, #tpu.memory_space<vmem>>, vector<16xi32>,
      %swap3A_410 = vector.shape_cast %swap3A_409 : vector<16xi32> to vector<16xi32>
      %swap3A_411 = vector.shape_cast %shift_right_arithmetic3A_407 : vector<16xi32> to vector<16xi32>
      tpu.vector_store %arg6[%swap3A_408], %swap3A_411 {strides = array<i32>} : memref<128xi32, #tpu.memory_space<vmem>>, vector<16xi32>,
      %and3A_412 = arith.constant 16383 : i32
      %and3A_413 = vector.broadcast %and3A_412 : i32 to vector<16xi32>
      %and3A_414 = arith.andi %get3A_404, %and3A_413 : vector<16xi32>
      %swap3A_415 = arith.constant 32 : index
      %swap3A_416 = tpu.vector_load %arg8[%swap3A_415] {strides = array<i32>} : memref<128xi32, #tpu.memory_space<vmem>>, vector<16xi32>,
      %swap3A_417 = vector.shape_cast %swap3A_416 : vector<16xi32> to vector<16xi32>
      %swap3A_418 = vector.shape_cast %and3A_414 : vector<16xi32> to vector<16xi32>
      tpu.vector_store %arg8[%swap3A_415], %swap3A_418 {strides = array<i32>} : memref<128xi32, #tpu.memory_space<vmem>>, vector<16xi32>,
      %get3A_419 = arith.index_cast %add3A_364 : i32 to index
      %get3A_420 = arith.constant 48 : index
      %get3A_421 = tpu.vector_load %arg5[%get3A_419, %get3A_420] {strides = array<i32>} : memref<80x128xi32, #tpu.memory_space<vmem>>, vector<1x16xi32>,
      %get3A_422 = vector.shape_cast %get3A_421 : vector<1x16xi32> to vector<16xi32>
      %shift_right_arithmetic3A_423 = arith.constant 14 : i32
      %shift_right_arithmetic3A_424 = vector.broadcast %shift_right_arithmetic3A_423 : i32 to vector<16xi32>
      %shift_right_arithmetic3A_425 = arith.shrsi %get3A_422, %shift_right_arithmetic3A_424 : vector<16xi32>
      %swap3A_426 = arith.constant 48 : index
      %swap3A_427 = tpu.vector_load %arg6[%swap3A_426] {strides = array<i32>} : memref<128xi32, #tpu.memory_space<vmem>>, vector<16xi32>,
      %swap3A_428 = vector.shape_cast %swap3A_427 : vector<16xi32> to vector<16xi32>
      %swap3A_429 = vector.shape_cast %shift_right_arithmetic3A_425 : vector<16xi32> to vector<16xi32>
      tpu.vector_store %arg6[%swap3A_426], %swap3A_429 {strides = array<i32>} : memref<128xi32, #tpu.memory_space<vmem>>, vector<16xi32>,
      %and3A_430 = arith.constant 16383 : i32
      %and3A_431 = vector.broadcast %and3A_430 : i32 to vector<16xi32>
      %and3A_432 = arith.andi %get3A_422, %and3A_431 : vector<16xi32>
      %swap3A_433 = arith.constant 48 : index
      %swap3A_434 = tpu.vector_load %arg8[%swap3A_433] {strides = array<i32>} : memref<128xi32, #tpu.memory_space<vmem>>, vector<16xi32>,
      %swap3A_435 = vector.shape_cast %swap3A_434 : vector<16xi32> to vector<16xi32>
      %swap3A_436 = vector.shape_cast %and3A_432 : vector<16xi32> to vector<16xi32>
      tpu.vector_store %arg8[%swap3A_433], %swap3A_436 {strides = array<i32>} : memref<128xi32, #tpu.memory_space<vmem>>, vector<16xi32>,
      %get3A_437 = arith.index_cast %add3A_364 : i32 to index
      %get3A_438 = arith.constant 64 : index
      %get3A_439 = tpu.vector_load %arg5[%get3A_437, %get3A_438] {strides = array<i32>} : memref<80x128xi32, #tpu.memory_space<vmem>>, vector<1x16xi32>,
      %get3A_440 = vector.shape_cast %get3A_439 : vector<1x16xi32> to vector<16xi32>
      %shift_right_arithmetic3A_441 = arith.constant 14 : i32
      %shift_right_arithmetic3A_442 = vector.broadcast %shift_right_arithmetic3A_441 : i32 to vector<16xi32>
      %shift_right_arithmetic3A_443 = arith.shrsi %get3A_440, %shift_right_arithmetic3A_442 : vector<16xi32>
      %swap3A_444 = arith.constant 64 : index
      %swap3A_445 = tpu.vector_load %arg6[%swap3A_444] {strides = array<i32>} : memref<128xi32, #tpu.memory_space<vmem>>, vector<16xi32>,
      %swap3A_446 = vector.shape_cast %swap3A_445 : vector<16xi32> to vector<16xi32>
      %swap3A_447 = vector.shape_cast %shift_right_arithmetic3A_443 : vector<16xi32> to vector<16xi32>
      tpu.vector_store %arg6[%swap3A_444], %swap3A_447 {strides = array<i32>} : memref<128xi32, #tpu.memory_space<vmem>>, vector<16xi32>,
      %and3A_448 = arith.constant 16383 : i32
      %and3A_449 = vector.broadcast %and3A_448 : i32 to vector<16xi32>
      %and3A_450 = arith.andi %get3A_440, %and3A_449 : vector<16xi32>
      %swap3A_451 = arith.constant 64 : index
      %swap3A_452 = tpu.vector_load %arg8[%swap3A_451] {strides = array<i32>} : memref<128xi32, #tpu.memory_space<vmem>>, vector<16xi32>,
      %swap3A_453 = vector.shape_cast %swap3A_452 : vector<16xi32> to vector<16xi32>
      %swap3A_454 = vector.shape_cast %and3A_450 : vector<16xi32> to vector<16xi32>
      tpu.vector_store %arg8[%swap3A_451], %swap3A_454 {strides = array<i32>} : memref<128xi32, #tpu.memory_space<vmem>>, vector<16xi32>,
      %get3A_455 = arith.index_cast %add3A_364 : i32 to index
      %get3A_456 = arith.constant 80 : index
      %get3A_457 = tpu.vector_load %arg5[%get3A_455, %get3A_456] {strides = array<i32>} : memref<80x128xi32, #tpu.memory_space<vmem>>, vector<1x16xi32>,
      %get3A_458 = vector.shape_cast %get3A_457 : vector<1x16xi32> to vector<16xi32>
      %shift_right_arithmetic3A_459 = arith.constant 14 : i32
      %shift_right_arithmetic3A_460 = vector.broadcast %shift_right_arithmetic3A_459 : i32 to vector<16xi32>
      %shift_right_arithmetic3A_461 = arith.shrsi %get3A_458, %shift_right_arithmetic3A_460 : vector<16xi32>
      %swap3A_462 = arith.constant 80 : index
      %swap3A_463 = tpu.vector_load %arg6[%swap3A_462] {strides = array<i32>} : memref<128xi32, #tpu.memory_space<vmem>>, vector<16xi32>,
      %swap3A_464 = vector.shape_cast %swap3A_463 : vector<16xi32> to vector<16xi32>
      %swap3A_465 = vector.shape_cast %shift_right_arithmetic3A_461 : vector<16xi32> to vector<16xi32>
      tpu.vector_store %arg6[%swap3A_462], %swap3A_465 {strides = array<i32>} : memref<128xi32, #tpu.memory_space<vmem>>, vector<16xi32>,
      %and3A_466 = arith.constant 16383 : i32
      %and3A_467 = vector.broadcast %and3A_466 : i32 to vector<16xi32>
      %and3A_468 = arith.andi %get3A_458, %and3A_467 : vector<16xi32>
      %swap3A_469 = arith.constant 80 : index
      %swap3A_470 = tpu.vector_load %arg8[%swap3A_469] {strides = array<i32>} : memref<128xi32, #tpu.memory_space<vmem>>, vector<16xi32>,
      %swap3A_471 = vector.shape_cast %swap3A_470 : vector<16xi32> to vector<16xi32>
      %swap3A_472 = vector.shape_cast %and3A_468 : vector<16xi32> to vector<16xi32>
      tpu.vector_store %arg8[%swap3A_469], %swap3A_472 {strides = array<i32>} : memref<128xi32, #tpu.memory_space<vmem>>, vector<16xi32>,
      %get3A_473 = arith.index_cast %add3A_364 : i32 to index
      %get3A_474 = arith.constant 96 : index
      %get3A_475 = tpu.vector_load %arg5[%get3A_473, %get3A_474] {strides = array<i32>} : memref<80x128xi32, #tpu.memory_space<vmem>>, vector<1x16xi32>,
      %get3A_476 = vector.shape_cast %get3A_475 : vector<1x16xi32> to vector<16xi32>
      %shift_right_arithmetic3A_477 = arith.constant 14 : i32
      %shift_right_arithmetic3A_478 = vector.broadcast %shift_right_arithmetic3A_477 : i32 to vector<16xi32>
      %shift_right_arithmetic3A_479 = arith.shrsi %get3A_476, %shift_right_arithmetic3A_478 : vector<16xi32>
      %swap3A_480 = arith.constant 96 : index
      %swap3A_481 = tpu.vector_load %arg6[%swap3A_480] {strides = array<i32>} : memref<128xi32, #tpu.memory_space<vmem>>, vector<16xi32>,
      %swap3A_482 = vector.shape_cast %swap3A_481 : vector<16xi32> to vector<16xi32>
      %swap3A_483 = vector.shape_cast %shift_right_arithmetic3A_479 : vector<16xi32> to vector<16xi32>
      tpu.vector_store %arg6[%swap3A_480], %swap3A_483 {strides = array<i32>} : memref<128xi32, #tpu.memory_space<vmem>>, vector<16xi32>,
      %and3A_484 = arith.constant 16383 : i32
      %and3A_485 = vector.broadcast %and3A_484 : i32 to vector<16xi32>
      %and3A_486 = arith.andi %get3A_476, %and3A_485 : vector<16xi32>
      %swap3A_487 = arith.constant 96 : index
      %swap3A_488 = tpu.vector_load %arg8[%swap3A_487] {strides = array<i32>} : memref<128xi32, #tpu.memory_space<vmem>>, vector<16xi32>,
      %swap3A_489 = vector.shape_cast %swap3A_488 : vector<16xi32> to vector<16xi32>
      %swap3A_490 = vector.shape_cast %and3A_486 : vector<16xi32> to vector<16xi32>
      tpu.vector_store %arg8[%swap3A_487], %swap3A_490 {strides = array<i32>} : memref<128xi32, #tpu.memory_space<vmem>>, vector<16xi32>,
      %get3A_491 = arith.index_cast %add3A_364 : i32 to index
      %get3A_492 = arith.constant 112 : index
      %get3A_493 = tpu.vector_load %arg5[%get3A_491, %get3A_492] {strides = array<i32>} : memref<80x128xi32, #tpu.memory_space<vmem>>, vector<1x16xi32>,
      %get3A_494 = vector.shape_cast %get3A_493 : vector<1x16xi32> to vector<16xi32>
      %shift_right_arithmetic3A_495 = arith.constant 14 : i32
      %shift_right_arithmetic3A_496 = vector.broadcast %shift_right_arithmetic3A_495 : i32 to vector<16xi32>
      %shift_right_arithmetic3A_497 = arith.shrsi %get3A_494, %shift_right_arithmetic3A_496 : vector<16xi32>
      %swap3A_498 = arith.constant 112 : index
      %swap3A_499 = tpu.vector_load %arg6[%swap3A_498] {strides = array<i32>} : memref<128xi32, #tpu.memory_space<vmem>>, vector<16xi32>,
      %swap3A_500 = vector.shape_cast %swap3A_499 : vector<16xi32> to vector<16xi32>
      %swap3A_501 = vector.shape_cast %shift_right_arithmetic3A_497 : vector<16xi32> to vector<16xi32>
      tpu.vector_store %arg6[%swap3A_498], %swap3A_501 {strides = array<i32>} : memref<128xi32, #tpu.memory_space<vmem>>, vector<16xi32>,
      %and3A_502 = arith.constant 16383 : i32
      %and3A_503 = vector.broadcast %and3A_502 : i32 to vector<16xi32>
      %and3A_504 = arith.andi %get3A_494, %and3A_503 : vector<16xi32>
      %swap3A_505 = arith.constant 112 : index
      %swap3A_506 = tpu.vector_load %arg8[%swap3A_505] {strides = array<i32>} : memref<128xi32, #tpu.memory_space<vmem>>, vector<16xi32>,
      %swap3A_507 = vector.shape_cast %swap3A_506 : vector<16xi32> to vector<16xi32>
      %swap3A_508 = vector.shape_cast %and3A_504 : vector<16xi32> to vector<16xi32>
      tpu.vector_store %arg8[%swap3A_505], %swap3A_508 {strides = array<i32>} : memref<128xi32, #tpu.memory_space<vmem>>, vector<16xi32>,
      %dma_start3A_509 = arith.constant 0 : i32
      %dma_start3A_510 = arith.constant 0 : i32
      %dma_start3A_511 = tpu.memref_slice %arg2[%dma_start3A_509, %dma_start3A_510] : memref<10000x128xf32, #tpu.memory_space<hbm>> -> memref<10000x128xf32, #tpu.memory_space<hbm>>
      tpu.enqueue_indirect_dma source(%dma_start3A_511 : memref<10000x128xf32, #tpu.memory_space<hbm>>) target(%arg10 : memref<128x128xf32, #tpu.memory_space<vmem>>) offsets(%arg6 : memref<128xi32, #tpu.memory_space<vmem>>) semaphore(%arg13 : memref<!tpu.dma_semaphore, #tpu.memory_space<semaphore_mem>>)
      %dma_wait3A_512 = arith.constant 0 : i32
      %dma_wait3A_513 = arith.constant 0 : i32
      %dma_wait3A_514 = tpu.memref_slice %arg2[%dma_wait3A_512, %dma_wait3A_513] : memref<10000x128xf32, #tpu.memory_space<hbm>> -> memref<128x128xf32, #tpu.memory_space<hbm>>
      %dma_wait3A_515 = arith.constant 0 : i32
      %dma_wait3A_516 = arith.constant 0 : i32
      %dma_wait3A_517 = tpu.memref_slice %arg2[%dma_wait3A_515, %dma_wait3A_516] : memref<10000x128xf32, #tpu.memory_space<hbm>> -> memref<128x128xf32, #tpu.memory_space<hbm>>
      tpu.wait_dma2 semaphore(%arg14 : memref<!tpu.dma_semaphore, #tpu.memory_space<semaphore_mem>>) src(%dma_wait3A_517 : memref<128x128xf32, #tpu.memory_space<hbm>>) dst(%arg11 : memref<128x128xf32, #tpu.memory_space<vmem>>)
      "tpu.region"() ({
        %run_scoped3A = tpu.sem_alloc : memref<!tpu.dma_semaphore, #tpu.memory_space<semaphore_mem>>
        %dma_start3A_667 = arith.constant 0 : i32
        %dma_start3A_668 = arith.constant 0 : i32
        %dma_start3A_669 = tpu.memref_slice %arg12[%dma_start3A_667, %dma_start3A_668] : memref<10240x128xf32, #tpu.memory_space<vmem_shared>> -> memref<10240x128xf32, #tpu.memory_space<vmem_shared>>
        tpu.enqueue_indirect_dma source(%arg11 : memref<128x128xf32, #tpu.memory_space<vmem>>) target(%dma_start3A_669 : memref<10240x128xf32, #tpu.memory_space<vmem_shared>>) offsets(%arg9 : memref<128xi32, #tpu.memory_space<vmem>>) semaphore(%run_scoped3A : memref<!tpu.dma_semaphore, #tpu.memory_space<semaphore_mem>>) {add = true}
        %dma_wait3A_670 = arith.constant 0 : i32
        %dma_wait3A_671 = arith.constant 0 : i32
        %dma_wait3A_672 = tpu.memref_slice %arg12[%dma_wait3A_670, %dma_wait3A_671] : memref<10240x128xf32, #tpu.memory_space<vmem_shared>> -> memref<10240x128xf32, #tpu.memory_space<vmem_shared>>
        tpu.wait_indirect_dma semaphore(%run_scoped3A : memref<!tpu.dma_semaphore, #tpu.memory_space<semaphore_mem>>) src(%arg11 : memref<128x128xf32, #tpu.memory_space<vmem>>) dst(%dma_wait3A_672 : memref<10240x128xf32, #tpu.memory_space<vmem_shared>>)
        tpu.yield
      }) : () -> ()
      %add3A_518 = arith.constant 3 : i32
      %add3A_519 = arith.addi %mul3A_356, %add3A_518 : i32
      %get3A_520 = arith.index_cast %add3A_519 : i32 to index
      %get3A_521 = arith.constant 0 : index
      %get3A_522 = tpu.vector_load %arg5[%get3A_520, %get3A_521] {strides = array<i32>} : memref<80x128xi32, #tpu.memory_space<vmem>>, vector<1x16xi32>,
      %get3A_523 = vector.shape_cast %get3A_522 : vector<1x16xi32> to vector<16xi32>
      %shift_right_arithmetic3A_524 = arith.constant 14 : i32
      %shift_right_arithmetic3A_525 = vector.broadcast %shift_right_arithmetic3A_524 : i32 to vector<16xi32>
      %shift_right_arithmetic3A_526 = arith.shrsi %get3A_523, %shift_right_arithmetic3A_525 : vector<16xi32>
      %swap3A_527 = arith.constant 0 : index
      %swap3A_528 = tpu.vector_load %arg7[%swap3A_527] {strides = array<i32>} : memref<128xi32, #tpu.memory_space<vmem>>, vector<16xi32>,
      %swap3A_529 = vector.shape_cast %swap3A_528 : vector<16xi32> to vector<16xi32>
      %swap3A_530 = vector.shape_cast %shift_right_arithmetic3A_526 : vector<16xi32> to vector<16xi32>
      tpu.vector_store %arg7[%swap3A_527], %swap3A_530 {strides = array<i32>} : memref<128xi32, #tpu.memory_space<vmem>>, vector<16xi32>,
      %and3A_531 = arith.constant 16383 : i32
      %and3A_532 = vector.broadcast %and3A_531 : i32 to vector<16xi32>
      %and3A_533 = arith.andi %get3A_523, %and3A_532 : vector<16xi32>
      %swap3A_534 = arith.constant 0 : index
      %swap3A_535 = tpu.vector_load %arg9[%swap3A_534] {strides = array<i32>} : memref<128xi32, #tpu.memory_space<vmem>>, vector<16xi32>,
      %swap3A_536 = vector.shape_cast %swap3A_535 : vector<16xi32> to vector<16xi32>
      %swap3A_537 = vector.shape_cast %and3A_533 : vector<16xi32> to vector<16xi32>
      tpu.vector_store %arg9[%swap3A_534], %swap3A_537 {strides = array<i32>} : memref<128xi32, #tpu.memory_space<vmem>>, vector<16xi32>,
      %get3A_538 = arith.index_cast %add3A_519 : i32 to index
      %get3A_539 = arith.constant 16 : index
      %get3A_540 = tpu.vector_load %arg5[%get3A_538, %get3A_539] {strides = array<i32>} : memref<80x128xi32, #tpu.memory_space<vmem>>, vector<1x16xi32>,
      %get3A_541 = vector.shape_cast %get3A_540 : vector<1x16xi32> to vector<16xi32>
      %shift_right_arithmetic3A_542 = arith.constant 14 : i32
      %shift_right_arithmetic3A_543 = vector.broadcast %shift_right_arithmetic3A_542 : i32 to vector<16xi32>
      %shift_right_arithmetic3A_544 = arith.shrsi %get3A_541, %shift_right_arithmetic3A_543 : vector<16xi32>
      %swap3A_545 = arith.constant 16 : index
      %swap3A_546 = tpu.vector_load %arg7[%swap3A_545] {strides = array<i32>} : memref<128xi32, #tpu.memory_space<vmem>>, vector<16xi32>,
      %swap3A_547 = vector.shape_cast %swap3A_546 : vector<16xi32> to vector<16xi32>
      %swap3A_548 = vector.shape_cast %shift_right_arithmetic3A_544 : vector<16xi32> to vector<16xi32>
      tpu.vector_store %arg7[%swap3A_545], %swap3A_548 {strides = array<i32>} : memref<128xi32, #tpu.memory_space<vmem>>, vector<16xi32>,
      %and3A_549 = arith.constant 16383 : i32
      %and3A_550 = vector.broadcast %and3A_549 : i32 to vector<16xi32>
      %and3A_551 = arith.andi %get3A_541, %and3A_550 : vector<16xi32>
      %swap3A_552 = arith.constant 16 : index
      %swap3A_553 = tpu.vector_load %arg9[%swap3A_552] {strides = array<i32>} : memref<128xi32, #tpu.memory_space<vmem>>, vector<16xi32>,
      %swap3A_554 = vector.shape_cast %swap3A_553 : vector<16xi32> to vector<16xi32>
      %swap3A_555 = vector.shape_cast %and3A_551 : vector<16xi32> to vector<16xi32>
      tpu.vector_store %arg9[%swap3A_552], %swap3A_555 {strides = array<i32>} : memref<128xi32, #tpu.memory_space<vmem>>, vector<16xi32>,
      %get3A_556 = arith.index_cast %add3A_519 : i32 to index
      %get3A_557 = arith.constant 32 : index
      %get3A_558 = tpu.vector_load %arg5[%get3A_556, %get3A_557] {strides = array<i32>} : memref<80x128xi32, #tpu.memory_space<vmem>>, vector<1x16xi32>,
      %get3A_559 = vector.shape_cast %get3A_558 : vector<1x16xi32> to vector<16xi32>
      %shift_right_arithmetic3A_560 = arith.constant 14 : i32
      %shift_right_arithmetic3A_561 = vector.broadcast %shift_right_arithmetic3A_560 : i32 to vector<16xi32>
      %shift_right_arithmetic3A_562 = arith.shrsi %get3A_559, %shift_right_arithmetic3A_561 : vector<16xi32>
      %swap3A_563 = arith.constant 32 : index
      %swap3A_564 = tpu.vector_load %arg7[%swap3A_563] {strides = array<i32>} : memref<128xi32, #tpu.memory_space<vmem>>, vector<16xi32>,
      %swap3A_565 = vector.shape_cast %swap3A_564 : vector<16xi32> to vector<16xi32>
      %swap3A_566 = vector.shape_cast %shift_right_arithmetic3A_562 : vector<16xi32> to vector<16xi32>
      tpu.vector_store %arg7[%swap3A_563], %swap3A_566 {strides = array<i32>} : memref<128xi32, #tpu.memory_space<vmem>>, vector<16xi32>,
      %and3A_567 = arith.constant 16383 : i32
      %and3A_568 = vector.broadcast %and3A_567 : i32 to vector<16xi32>
      %and3A_569 = arith.andi %get3A_559, %and3A_568 : vector<16xi32>
      %swap3A_570 = arith.constant 32 : index
      %swap3A_571 = tpu.vector_load %arg9[%swap3A_570] {strides = array<i32>} : memref<128xi32, #tpu.memory_space<vmem>>, vector<16xi32>,
      %swap3A_572 = vector.shape_cast %swap3A_571 : vector<16xi32> to vector<16xi32>
      %swap3A_573 = vector.shape_cast %and3A_569 : vector<16xi32> to vector<16xi32>
      tpu.vector_store %arg9[%swap3A_570], %swap3A_573 {strides = array<i32>} : memref<128xi32, #tpu.memory_space<vmem>>, vector<16xi32>,
      %get3A_574 = arith.index_cast %add3A_519 : i32 to index
      %get3A_575 = arith.constant 48 : index
      %get3A_576 = tpu.vector_load %arg5[%get3A_574, %get3A_575] {strides = array<i32>} : memref<80x128xi32, #tpu.memory_space<vmem>>, vector<1x16xi32>,
      %get3A_577 = vector.shape_cast %get3A_576 : vector<1x16xi32> to vector<16xi32>
      %shift_right_arithmetic3A_578 = arith.constant 14 : i32
      %shift_right_arithmetic3A_579 = vector.broadcast %shift_right_arithmetic3A_578 : i32 to vector<16xi32>
      %shift_right_arithmetic3A_580 = arith.shrsi %get3A_577, %shift_right_arithmetic3A_579 : vector<16xi32>
      %swap3A_581 = arith.constant 48 : index
      %swap3A_582 = tpu.vector_load %arg7[%swap3A_581] {strides = array<i32>} : memref<128xi32, #tpu.memory_space<vmem>>, vector<16xi32>,
      %swap3A_583 = vector.shape_cast %swap3A_582 : vector<16xi32> to vector<16xi32>
      %swap3A_584 = vector.shape_cast %shift_right_arithmetic3A_580 : vector<16xi32> to vector<16xi32>
      tpu.vector_store %arg7[%swap3A_581], %swap3A_584 {strides = array<i32>} : memref<128xi32, #tpu.memory_space<vmem>>, vector<16xi32>,
      %and3A_585 = arith.constant 16383 : i32
      %and3A_586 = vector.broadcast %and3A_585 : i32 to vector<16xi32>
      %and3A_587 = arith.andi %get3A_577, %and3A_586 : vector<16xi32>
      %swap3A_588 = arith.constant 48 : index
      %swap3A_589 = tpu.vector_load %arg9[%swap3A_588] {strides = array<i32>} : memref<128xi32, #tpu.memory_space<vmem>>, vector<16xi32>,
      %swap3A_590 = vector.shape_cast %swap3A_589 : vector<16xi32> to vector<16xi32>
      %swap3A_591 = vector.shape_cast %and3A_587 : vector<16xi32> to vector<16xi32>
      tpu.vector_store %arg9[%swap3A_588], %swap3A_591 {strides = array<i32>} : memref<128xi32, #tpu.memory_space<vmem>>, vector<16xi32>,
      %get3A_592 = arith.index_cast %add3A_519 : i32 to index
      %get3A_593 = arith.constant 64 : index
      %get3A_594 = tpu.vector_load %arg5[%get3A_592, %get3A_593] {strides = array<i32>} : memref<80x128xi32, #tpu.memory_space<vmem>>, vector<1x16xi32>,
      %get3A_595 = vector.shape_cast %get3A_594 : vector<1x16xi32> to vector<16xi32>
      %shift_right_arithmetic3A_596 = arith.constant 14 : i32
      %shift_right_arithmetic3A_597 = vector.broadcast %shift_right_arithmetic3A_596 : i32 to vector<16xi32>
      %shift_right_arithmetic3A_598 = arith.shrsi %get3A_595, %shift_right_arithmetic3A_597 : vector<16xi32>
      %swap3A_599 = arith.constant 64 : index
      %swap3A_600 = tpu.vector_load %arg7[%swap3A_599] {strides = array<i32>} : memref<128xi32, #tpu.memory_space<vmem>>, vector<16xi32>,
      %swap3A_601 = vector.shape_cast %swap3A_600 : vector<16xi32> to vector<16xi32>
      %swap3A_602 = vector.shape_cast %shift_right_arithmetic3A_598 : vector<16xi32> to vector<16xi32>
      tpu.vector_store %arg7[%swap3A_599], %swap3A_602 {strides = array<i32>} : memref<128xi32, #tpu.memory_space<vmem>>, vector<16xi32>,
      %and3A_603 = arith.constant 16383 : i32
      %and3A_604 = vector.broadcast %and3A_603 : i32 to vector<16xi32>
      %and3A_605 = arith.andi %get3A_595, %and3A_604 : vector<16xi32>
      %swap3A_606 = arith.constant 64 : index
      %swap3A_607 = tpu.vector_load %arg9[%swap3A_606] {strides = array<i32>} : memref<128xi32, #tpu.memory_space<vmem>>, vector<16xi32>,
      %swap3A_608 = vector.shape_cast %swap3A_607 : vector<16xi32> to vector<16xi32>
      %swap3A_609 = vector.shape_cast %and3A_605 : vector<16xi32> to vector<16xi32>
      tpu.vector_store %arg9[%swap3A_606], %swap3A_609 {strides = array<i32>} : memref<128xi32, #tpu.memory_space<vmem>>, vector<16xi32>,
      %get3A_610 = arith.index_cast %add3A_519 : i32 to index
      %get3A_611 = arith.constant 80 : index
      %get3A_612 = tpu.vector_load %arg5[%get3A_610, %get3A_611] {strides = array<i32>} : memref<80x128xi32, #tpu.memory_space<vmem>>, vector<1x16xi32>,
      %get3A_613 = vector.shape_cast %get3A_612 : vector<1x16xi32> to vector<16xi32>
      %shift_right_arithmetic3A_614 = arith.constant 14 : i32
      %shift_right_arithmetic3A_615 = vector.broadcast %shift_right_arithmetic3A_614 : i32 to vector<16xi32>
      %shift_right_arithmetic3A_616 = arith.shrsi %get3A_613, %shift_right_arithmetic3A_615 : vector<16xi32>
      %swap3A_617 = arith.constant 80 : index
      %swap3A_618 = tpu.vector_load %arg7[%swap3A_617] {strides = array<i32>} : memref<128xi32, #tpu.memory_space<vmem>>, vector<16xi32>,
      %swap3A_619 = vector.shape_cast %swap3A_618 : vector<16xi32> to vector<16xi32>
      %swap3A_620 = vector.shape_cast %shift_right_arithmetic3A_616 : vector<16xi32> to vector<16xi32>
      tpu.vector_store %arg7[%swap3A_617], %swap3A_620 {strides = array<i32>} : memref<128xi32, #tpu.memory_space<vmem>>, vector<16xi32>,
      %and3A_621 = arith.constant 16383 : i32
      %and3A_622 = vector.broadcast %and3A_621 : i32 to vector<16xi32>
      %and3A_623 = arith.andi %get3A_613, %and3A_622 : vector<16xi32>
      %swap3A_624 = arith.constant 80 : index
      %swap3A_625 = tpu.vector_load %arg9[%swap3A_624] {strides = array<i32>} : memref<128xi32, #tpu.memory_space<vmem>>, vector<16xi32>,
      %swap3A_626 = vector.shape_cast %swap3A_625 : vector<16xi32> to vector<16xi32>
      %swap3A_627 = vector.shape_cast %and3A_623 : vector<16xi32> to vector<16xi32>
      tpu.vector_store %arg9[%swap3A_624], %swap3A_627 {strides = array<i32>} : memref<128xi32, #tpu.memory_space<vmem>>, vector<16xi32>,
      %get3A_628 = arith.index_cast %add3A_519 : i32 to index
      %get3A_629 = arith.constant 96 : index
      %get3A_630 = tpu.vector_load %arg5[%get3A_628, %get3A_629] {strides = array<i32>} : memref<80x128xi32, #tpu.memory_space<vmem>>, vector<1x16xi32>,
      %get3A_631 = vector.shape_cast %get3A_630 : vector<1x16xi32> to vector<16xi32>
      %shift_right_arithmetic3A_632 = arith.constant 14 : i32
      %shift_right_arithmetic3A_633 = vector.broadcast %shift_right_arithmetic3A_632 : i32 to vector<16xi32>
      %shift_right_arithmetic3A_634 = arith.shrsi %get3A_631, %shift_right_arithmetic3A_633 : vector<16xi32>
      %swap3A_635 = arith.constant 96 : index
      %swap3A_636 = tpu.vector_load %arg7[%swap3A_635] {strides = array<i32>} : memref<128xi32, #tpu.memory_space<vmem>>, vector<16xi32>,
      %swap3A_637 = vector.shape_cast %swap3A_636 : vector<16xi32> to vector<16xi32>
      %swap3A_638 = vector.shape_cast %shift_right_arithmetic3A_634 : vector<16xi32> to vector<16xi32>
      tpu.vector_store %arg7[%swap3A_635], %swap3A_638 {strides = array<i32>} : memref<128xi32, #tpu.memory_space<vmem>>, vector<16xi32>,
      %and3A_639 = arith.constant 16383 : i32
      %and3A_640 = vector.broadcast %and3A_639 : i32 to vector<16xi32>
      %and3A_641 = arith.andi %get3A_631, %and3A_640 : vector<16xi32>
      %swap3A_642 = arith.constant 96 : index
      %swap3A_643 = tpu.vector_load %arg9[%swap3A_642] {strides = array<i32>} : memref<128xi32, #tpu.memory_space<vmem>>, vector<16xi32>,
      %swap3A_644 = vector.shape_cast %swap3A_643 : vector<16xi32> to vector<16xi32>
      %swap3A_645 = vector.shape_cast %and3A_641 : vector<16xi32> to vector<16xi32>
      tpu.vector_store %arg9[%swap3A_642], %swap3A_645 {strides = array<i32>} : memref<128xi32, #tpu.memory_space<vmem>>, vector<16xi32>,
      %get3A_646 = arith.index_cast %add3A_519 : i32 to index
      %get3A_647 = arith.constant 112 : index
      %get3A_648 = tpu.vector_load %arg5[%get3A_646, %get3A_647] {strides = array<i32>} : memref<80x128xi32, #tpu.memory_space<vmem>>, vector<1x16xi32>,
      %get3A_649 = vector.shape_cast %get3A_648 : vector<1x16xi32> to vector<16xi32>
      %shift_right_arithmetic3A_650 = arith.constant 14 : i32
      %shift_right_arithmetic3A_651 = vector.broadcast %shift_right_arithmetic3A_650 : i32 to vector<16xi32>
      %shift_right_arithmetic3A_652 = arith.shrsi %get3A_649, %shift_right_arithmetic3A_651 : vector<16xi32>
      %swap3A_653 = arith.constant 112 : index
      %swap3A_654 = tpu.vector_load %arg7[%swap3A_653] {strides = array<i32>} : memref<128xi32, #tpu.memory_space<vmem>>, vector<16xi32>,
      %swap3A_655 = vector.shape_cast %swap3A_654 : vector<16xi32> to vector<16xi32>
      %swap3A_656 = vector.shape_cast %shift_right_arithmetic3A_652 : vector<16xi32> to vector<16xi32>
      tpu.vector_store %arg7[%swap3A_653], %swap3A_656 {strides = array<i32>} : memref<128xi32, #tpu.memory_space<vmem>>, vector<16xi32>,
      %and3A_657 = arith.constant 16383 : i32
      %and3A_658 = vector.broadcast %and3A_657 : i32 to vector<16xi32>
      %and3A_659 = arith.andi %get3A_649, %and3A_658 : vector<16xi32>
      %swap3A_660 = arith.constant 112 : index
      %swap3A_661 = tpu.vector_load %arg9[%swap3A_660] {strides = array<i32>} : memref<128xi32, #tpu.memory_space<vmem>>, vector<16xi32>,
      %swap3A_662 = vector.shape_cast %swap3A_661 : vector<16xi32> to vector<16xi32>
      %swap3A_663 = vector.shape_cast %and3A_659 : vector<16xi32> to vector<16xi32>
      tpu.vector_store %arg9[%swap3A_660], %swap3A_663 {strides = array<i32>} : memref<128xi32, #tpu.memory_space<vmem>>, vector<16xi32>,
      %dma_start3A_664 = arith.constant 0 : i32
      %dma_start3A_665 = arith.constant 0 : i32
      %dma_start3A_666 = tpu.memref_slice %arg2[%dma_start3A_664, %dma_start3A_665] : memref<10000x128xf32, #tpu.memory_space<hbm>> -> memref<10000x128xf32, #tpu.memory_space<hbm>>
      tpu.enqueue_indirect_dma source(%dma_start3A_666 : memref<10000x128xf32, #tpu.memory_space<hbm>>) target(%arg11 : memref<128x128xf32, #tpu.memory_space<vmem>>) offsets(%arg7 : memref<128xi32, #tpu.memory_space<vmem>>) semaphore(%arg14 : memref<!tpu.dma_semaphore, #tpu.memory_space<semaphore_mem>>)
    }
    %scan3A_331 = arith.constant 39 : i32
    %dma_wait3A = arith.constant 0 : i32
    %dma_wait3A_332 = arith.constant 0 : i32
    %dma_wait3A_333 = tpu.memref_slice %arg2[%dma_wait3A, %dma_wait3A_332] : memref<10000x128xf32, #tpu.memory_space<hbm>> -> memref<128x128xf32, #tpu.memory_space<hbm>>
    %dma_wait3A_334 = arith.constant 0 : i32
    %dma_wait3A_335 = arith.constant 0 : i32
    %dma_wait3A_336 = tpu.memref_slice %arg2[%dma_wait3A_334, %dma_wait3A_335] : memref<10000x128xf32, #tpu.memory_space<hbm>> -> memref<128x128xf32, #tpu.memory_space<hbm>>
    tpu.wait_dma2 semaphore(%arg13 : memref<!tpu.dma_semaphore, #tpu.memory_space<semaphore_mem>>) src(%dma_wait3A_336 : memref<128x128xf32, #tpu.memory_space<hbm>>) dst(%arg10 : memref<128x128xf32, #tpu.memory_space<vmem>>)
    "tpu.region"() ({
      %run_scoped3A = tpu.sem_alloc : memref<!tpu.dma_semaphore, #tpu.memory_space<semaphore_mem>>
      %dma_start3A_354 = arith.constant 0 : i32
      %dma_start3A_355 = arith.constant 0 : i32
      %dma_start3A_356 = tpu.memref_slice %arg12[%dma_start3A_354, %dma_start3A_355] : memref<10240x128xf32, #tpu.memory_space<vmem_shared>> -> memref<10240x128xf32, #tpu.memory_space<vmem_shared>>
      tpu.enqueue_indirect_dma source(%arg10 : memref<128x128xf32, #tpu.memory_space<vmem>>) target(%dma_start3A_356 : memref<10240x128xf32, #tpu.memory_space<vmem_shared>>) offsets(%arg8 : memref<128xi32, #tpu.memory_space<vmem>>) semaphore(%run_scoped3A : memref<!tpu.dma_semaphore, #tpu.memory_space<semaphore_mem>>) {add = true}
      %dma_wait3A_357 = arith.constant 0 : i32
      %dma_wait3A_358 = arith.constant 0 : i32
      %dma_wait3A_359 = tpu.memref_slice %arg12[%dma_wait3A_357, %dma_wait3A_358] : memref<10240x128xf32, #tpu.memory_space<vmem_shared>> -> memref<10240x128xf32, #tpu.memory_space<vmem_shared>>
      tpu.wait_indirect_dma semaphore(%run_scoped3A : memref<!tpu.dma_semaphore, #tpu.memory_space<semaphore_mem>>) src(%arg10 : memref<128x128xf32, #tpu.memory_space<vmem>>) dst(%dma_wait3A_359 : memref<10240x128xf32, #tpu.memory_space<vmem_shared>>)
      tpu.yield
    }) : () -> ()
    %dma_wait3A_337 = arith.constant 0 : i32
    %dma_wait3A_338 = arith.constant 0 : i32
    %dma_wait3A_339 = tpu.memref_slice %arg2[%dma_wait3A_337, %dma_wait3A_338] : memref<10000x128xf32, #tpu.memory_space<hbm>> -> memref<128x128xf32, #tpu.memory_space<hbm>>
    %dma_wait3A_340 = arith.constant 0 : i32
    %dma_wait3A_341 = arith.constant 0 : i32
    %dma_wait3A_342 = tpu.memref_slice %arg2[%dma_wait3A_340, %dma_wait3A_341] : memref<10000x128xf32, #tpu.memory_space<hbm>> -> memref<128x128xf32, #tpu.memory_space<hbm>>
    tpu.wait_dma2 semaphore(%arg14 : memref<!tpu.dma_semaphore, #tpu.memory_space<semaphore_mem>>) src(%dma_wait3A_342 : memref<128x128xf32, #tpu.memory_space<hbm>>) dst(%arg11 : memref<128x128xf32, #tpu.memory_space<vmem>>)
    "tpu.region"() ({
      %run_scoped3A = tpu.sem_alloc : memref<!tpu.dma_semaphore, #tpu.memory_space<semaphore_mem>>
      %dma_start3A_354 = arith.constant 0 : i32
      %dma_start3A_355 = arith.constant 0 : i32
      %dma_start3A_356 = tpu.memref_slice %arg12[%dma_start3A_354, %dma_start3A_355] : memref<10240x128xf32, #tpu.memory_space<vmem_shared>> -> memref<10240x128xf32, #tpu.memory_space<vmem_shared>>
      tpu.enqueue_indirect_dma source(%arg11 : memref<128x128xf32, #tpu.memory_space<vmem>>) target(%dma_start3A_356 : memref<10240x128xf32, #tpu.memory_space<vmem_shared>>) offsets(%arg9 : memref<128xi32, #tpu.memory_space<vmem>>) semaphore(%run_scoped3A : memref<!tpu.dma_semaphore, #tpu.memory_space<semaphore_mem>>) {add = true}
      %dma_wait3A_357 = arith.constant 0 : i32
      %dma_wait3A_358 = arith.constant 0 : i32
      %dma_wait3A_359 = tpu.memref_slice %arg12[%dma_wait3A_357, %dma_wait3A_358] : memref<10240x128xf32, #tpu.memory_space<vmem_shared>> -> memref<10240x128xf32, #tpu.memory_space<vmem_shared>>
      tpu.wait_indirect_dma semaphore(%run_scoped3A : memref<!tpu.dma_semaphore, #tpu.memory_space<semaphore_mem>>) src(%arg11 : memref<128x128xf32, #tpu.memory_space<vmem>>) dst(%dma_wait3A_359 : memref<10240x128xf32, #tpu.memory_space<vmem_shared>>)
      tpu.yield
    }) : () -> ()
    %barrier3A_343 = arith.constant 0 : index
    tpu.barrier barrier_id(%barrier3A_343)
    %add3A_344 = arith.constant 0 : i32
    %add3A_345 = arith.addi %mul3A_10, %add3A_344 : i32
    "tpu.region"() ({
      %run_scoped3A = tpu.sem_alloc : memref<!tpu.dma_semaphore, #tpu.memory_space<semaphore_mem>>
      %dma_start3A_354 = arith.constant 0 : i32
      %dma_start3A_355 = tpu.memref_slice %arg4[%arg0, %add3A_345, %dma_start3A_354] : memref<2x10240x128xf32, #tpu.memory_space<hbm>> -> memref<1x128x128xf32, #tpu.memory_space<hbm>>
      %dma_start3A_356 = tpu.memref_squeeze %dma_start3A_355 : memref<1x128x128xf32, #tpu.memory_space<hbm>> -> memref<128x128xf32, #tpu.memory_space<hbm>>
      %dma_start3A_357 = arith.constant 0 : i32
      %dma_start3A_358 = tpu.memref_slice %arg12[%add3A_345, %dma_start3A_357] : memref<10240x128xf32, #tpu.memory_space<vmem_shared>> -> memref<128x128xf32, #tpu.memory_space<vmem_shared>>
      tpu.enqueue_dma source(%dma_start3A_358 : memref<128x128xf32, #tpu.memory_space<vmem_shared>>) target(%dma_start3A_356 : memref<128x128xf32, #tpu.memory_space<hbm>>) target_semaphore(%run_scoped3A : memref<!tpu.dma_semaphore, #tpu.memory_space<semaphore_mem>>)
      %dma_wait3A_359 = arith.constant 0 : i32
      %dma_wait3A_360 = tpu.memref_slice %arg4[%arg0, %add3A_345, %dma_wait3A_359] : memref<2x10240x128xf32, #tpu.memory_space<hbm>> -> memref<1x128x128xf32, #tpu.memory_space<hbm>>
      %dma_wait3A_361 = tpu.memref_squeeze %dma_wait3A_360 : memref<1x128x128xf32, #tpu.memory_space<hbm>> -> memref<128x128xf32, #tpu.memory_space<hbm>>
      %dma_wait3A_362 = arith.constant 0 : i32
      %dma_wait3A_363 = tpu.memref_slice %arg12[%add3A_345, %dma_wait3A_362] : memref<10240x128xf32, #tpu.memory_space<vmem_shared>> -> memref<128x128xf32, #tpu.memory_space<vmem_shared>>
      tpu.wait_dma2 semaphore(%run_scoped3A : memref<!tpu.dma_semaphore, #tpu.memory_space<semaphore_mem>>) src(%dma_wait3A_363 : memref<128x128xf32, #tpu.memory_space<vmem_shared>>) dst(%dma_wait3A_361 : memref<128x128xf32, #tpu.memory_space<hbm>>)
      tpu.yield
    }) : () -> ()
    %add3A_346 = arith.constant 128 : i32
    %add3A_347 = arith.addi %mul3A_10, %add3A_346 : i32
    "tpu.region"() ({
      %run_scoped3A = tpu.sem_alloc : memref<!tpu.dma_semaphore, #tpu.memory_space<semaphore_mem>>
      %dma_start3A_354 = arith.constant 0 : i32
      %dma_start3A_355 = tpu.memref_slice %arg4[%arg0, %add3A_347, %dma_start3A_354] : memref<2x10240x128xf32, #tpu.memory_space<hbm>> -> memref<1x128x128xf32, #tpu.memory_space<hbm>>
      %dma_start3A_356 = tpu.memref_squeeze %dma_start3A_355 : memref<1x128x128xf32, #tpu.memory_space<hbm>> -> memref<128x128xf32, #tpu.memory_space<hbm>>
      %dma_start3A_357 = arith.constant 0 : i32
      %dma_start3A_358 = tpu.memref_slice %arg12[%add3A_347, %dma_start3A_357] : memref<10240x128xf32, #tpu.memory_space<vmem_shared>> -> memref<128x128xf32, #tpu.memory_space<vmem_shared>>
      tpu.enqueue_dma source(%dma_start3A_358 : memref<128x128xf32, #tpu.memory_space<vmem_shared>>) target(%dma_start3A_356 : memref<128x128xf32, #tpu.memory_space<hbm>>) target_semaphore(%run_scoped3A : memref<!tpu.dma_semaphore, #tpu.memory_space<semaphore_mem>>)
      %dma_wait3A_359 = arith.constant 0 : i32
      %dma_wait3A_360 = tpu.memref_slice %arg4[%arg0, %add3A_347, %dma_wait3A_359] : memref<2x10240x128xf32, #tpu.memory_space<hbm>> -> memref<1x128x128xf32, #tpu.memory_space<hbm>>
      %dma_wait3A_361 = tpu.memref_squeeze %dma_wait3A_360 : memref<1x128x128xf32, #tpu.memory_space<hbm>> -> memref<128x128xf32, #tpu.memory_space<hbm>>
      %dma_wait3A_362 = arith.constant 0 : i32
      %dma_wait3A_363 = tpu.memref_slice %arg12[%add3A_347, %dma_wait3A_362] : memref<10240x128xf32, #tpu.memory_space<vmem_shared>> -> memref<128x128xf32, #tpu.memory_space<vmem_shared>>
      tpu.wait_dma2 semaphore(%run_scoped3A : memref<!tpu.dma_semaphore, #tpu.memory_space<semaphore_mem>>) src(%dma_wait3A_363 : memref<128x128xf32, #tpu.memory_space<vmem_shared>>) dst(%dma_wait3A_361 : memref<128x128xf32, #tpu.memory_space<hbm>>)
      tpu.yield
    }) : () -> ()
    %add3A_348 = arith.constant 256 : i32
    %add3A_349 = arith.addi %mul3A_10, %add3A_348 : i32
    "tpu.region"() ({
      %run_scoped3A = tpu.sem_alloc : memref<!tpu.dma_semaphore, #tpu.memory_space<semaphore_mem>>
      %dma_start3A_354 = arith.constant 0 : i32
      %dma_start3A_355 = tpu.memref_slice %arg4[%arg0, %add3A_349, %dma_start3A_354] : memref<2x10240x128xf32, #tpu.memory_space<hbm>> -> memref<1x128x128xf32, #tpu.memory_space<hbm>>
      %dma_start3A_356 = tpu.memref_squeeze %dma_start3A_355 : memref<1x128x128xf32, #tpu.memory_space<hbm>> -> memref<128x128xf32, #tpu.memory_space<hbm>>
      %dma_start3A_357 = arith.constant 0 : i32
      %dma_start3A_358 = tpu.memref_slice %arg12[%add3A_349, %dma_start3A_357] : memref<10240x128xf32, #tpu.memory_space<vmem_shared>> -> memref<128x128xf32, #tpu.memory_space<vmem_shared>>
      tpu.enqueue_dma source(%dma_start3A_358 : memref<128x128xf32, #tpu.memory_space<vmem_shared>>) target(%dma_start3A_356 : memref<128x128xf32, #tpu.memory_space<hbm>>) target_semaphore(%run_scoped3A : memref<!tpu.dma_semaphore, #tpu.memory_space<semaphore_mem>>)
      %dma_wait3A_359 = arith.constant 0 : i32
      %dma_wait3A_360 = tpu.memref_slice %arg4[%arg0, %add3A_349, %dma_wait3A_359] : memref<2x10240x128xf32, #tpu.memory_space<hbm>> -> memref<1x128x128xf32, #tpu.memory_space<hbm>>
      %dma_wait3A_361 = tpu.memref_squeeze %dma_wait3A_360 : memref<1x128x128xf32, #tpu.memory_space<hbm>> -> memref<128x128xf32, #tpu.memory_space<hbm>>
      %dma_wait3A_362 = arith.constant 0 : i32
      %dma_wait3A_363 = tpu.memref_slice %arg12[%add3A_349, %dma_wait3A_362] : memref<10240x128xf32, #tpu.memory_space<vmem_shared>> -> memref<128x128xf32, #tpu.memory_space<vmem_shared>>
      tpu.wait_dma2 semaphore(%run_scoped3A : memref<!tpu.dma_semaphore, #tpu.memory_space<semaphore_mem>>) src(%dma_wait3A_363 : memref<128x128xf32, #tpu.memory_space<vmem_shared>>) dst(%dma_wait3A_361 : memref<128x128xf32, #tpu.memory_space<hbm>>)
      tpu.yield
    }) : () -> ()
    %add3A_350 = arith.constant 384 : i32
    %add3A_351 = arith.addi %mul3A_10, %add3A_350 : i32
    "tpu.region"() ({
      %run_scoped3A = tpu.sem_alloc : memref<!tpu.dma_semaphore, #tpu.memory_space<semaphore_mem>>
      %dma_start3A_354 = arith.constant 0 : i32
      %dma_start3A_355 = tpu.memref_slice %arg4[%arg0, %add3A_351, %dma_start3A_354] : memref<2x10240x128xf32, #tpu.memory_space<hbm>> -> memref<1x128x128xf32, #tpu.memory_space<hbm>>
      %dma_start3A_356 = tpu.memref_squeeze %dma_start3A_355 : memref<1x128x128xf32, #tpu.memory_space<hbm>> -> memref<128x128xf32, #tpu.memory_space<hbm>>
      %dma_start3A_357 = arith.constant 0 : i32
      %dma_start3A_358 = tpu.memref_slice %arg12[%add3A_351, %dma_start3A_357] : memref<10240x128xf32, #tpu.memory_space<vmem_shared>> -> memref<128x128xf32, #tpu.memory_space<vmem_shared>>
      tpu.enqueue_dma source(%dma_start3A_358 : memref<128x128xf32, #tpu.memory_space<vmem_shared>>) target(%dma_start3A_356 : memref<128x128xf32, #tpu.memory_space<hbm>>) target_semaphore(%run_scoped3A : memref<!tpu.dma_semaphore, #tpu.memory_space<semaphore_mem>>)
      %dma_wait3A_359 = arith.constant 0 : i32
      %dma_wait3A_360 = tpu.memref_slice %arg4[%arg0, %add3A_351, %dma_wait3A_359] : memref<2x10240x128xf32, #tpu.memory_space<hbm>> -> memref<1x128x128xf32, #tpu.memory_space<hbm>>
      %dma_wait3A_361 = tpu.memref_squeeze %dma_wait3A_360 : memref<1x128x128xf32, #tpu.memory_space<hbm>> -> memref<128x128xf32, #tpu.memory_space<hbm>>
      %dma_wait3A_362 = arith.constant 0 : i32
      %dma_wait3A_363 = tpu.memref_slice %arg12[%add3A_351, %dma_wait3A_362] : memref<10240x128xf32, #tpu.memory_space<vmem_shared>> -> memref<128x128xf32, #tpu.memory_space<vmem_shared>>
      tpu.wait_dma2 semaphore(%run_scoped3A : memref<!tpu.dma_semaphore, #tpu.memory_space<semaphore_mem>>) src(%dma_wait3A_363 : memref<128x128xf32, #tpu.memory_space<vmem_shared>>) dst(%dma_wait3A_361 : memref<128x128xf32, #tpu.memory_space<hbm>>)
      tpu.yield
    }) : () -> ()
    %add3A_352 = arith.constant 512 : i32
    %add3A_353 = arith.addi %mul3A_10, %add3A_352 : i32
    "tpu.region"() ({
      %run_scoped3A = tpu.sem_alloc : memref<!tpu.dma_semaphore, #tpu.memory_space<semaphore_mem>>
      %dma_start3A_354 = arith.constant 0 : i32
      %dma_start3A_355 = tpu.memref_slice %arg4[%arg0, %add3A_353, %dma_start3A_354] : memref<2x10240x128xf32, #tpu.memory_space<hbm>> -> memref<1x128x128xf32, #tpu.memory_space<hbm>>
      %dma_start3A_356 = tpu.memref_squeeze %dma_start3A_355 : memref<1x128x128xf32, #tpu.memory_space<hbm>> -> memref<128x128xf32, #tpu.memory_space<hbm>>
      %dma_start3A_357 = arith.constant 0 : i32
      %dma_start3A_358 = tpu.memref_slice %arg12[%add3A_353, %dma_start3A_357] : memref<10240x128xf32, #tpu.memory_space<vmem_shared>> -> memref<128x128xf32, #tpu.memory_space<vmem_shared>>
      tpu.enqueue_dma source(%dma_start3A_358 : memref<128x128xf32, #tpu.memory_space<vmem_shared>>) target(%dma_start3A_356 : memref<128x128xf32, #tpu.memory_space<hbm>>) target_semaphore(%run_scoped3A : memref<!tpu.dma_semaphore, #tpu.memory_space<semaphore_mem>>)
      %dma_wait3A_359 = arith.constant 0 : i32
      %dma_wait3A_360 = tpu.memref_slice %arg4[%arg0, %add3A_353, %dma_wait3A_359] : memref<2x10240x128xf32, #tpu.memory_space<hbm>> -> memref<1x128x128xf32, #tpu.memory_space<hbm>>
      %dma_wait3A_361 = tpu.memref_squeeze %dma_wait3A_360 : memref<1x128x128xf32, #tpu.memory_space<hbm>> -> memref<128x128xf32, #tpu.memory_space<hbm>>
      %dma_wait3A_362 = arith.constant 0 : i32
      %dma_wait3A_363 = tpu.memref_slice %arg12[%add3A_353, %dma_wait3A_362] : memref<10240x128xf32, #tpu.memory_space<vmem_shared>> -> memref<128x128xf32, #tpu.memory_space<vmem_shared>>
      tpu.wait_dma2 semaphore(%run_scoped3A : memref<!tpu.dma_semaphore, #tpu.memory_space<semaphore_mem>>) src(%dma_wait3A_363 : memref<128x128xf32, #tpu.memory_space<vmem_shared>>) dst(%dma_wait3A_361 : memref<128x128xf32, #tpu.memory_space<hbm>>)
      tpu.yield
    }) : () -> ()
    return
  }
}

module attributes {stable_mosaic.version = 14 : i64} {
  func.func @_dense_last_body(%arg0: memref<10000x128xf32, #tpu.memory_space<vmem>>, %arg1: memref<2x10240x128xf32, #tpu.memory_space<vmem>>, %arg2: memref<128x128xf32, #tpu.memory_space<vmem>>, %arg3: memref<1x128xf32, #tpu.memory_space<vmem>>, %arg4: memref<1x128xf32, #tpu.memory_space<vmem>>, %arg5: memref<1x128xf32, #tpu.memory_space<vmem>>, %arg6: memref<1x128xf32, #tpu.memory_space<vmem>>, %arg7: memref<128x128xf32, #tpu.memory_space<vmem>>, %arg8: memref<1x128xf32, #tpu.memory_space<vmem>>, %arg9: memref<1x128xf32, #tpu.memory_space<vmem>>, %arg10: memref<1x128xf32, #tpu.memory_space<vmem>>, %arg11: memref<1x128xf32, #tpu.memory_space<vmem>>, %arg12: memref<128x128xf32, #tpu.memory_space<vmem>>, %arg13: memref<1x128xf32, #tpu.memory_space<vmem>>, %arg14: memref<1x128xf32, #tpu.memory_space<vmem>>) attributes {dimension_semantics = [], scalar_prefetch = 0 : i64, scratch_operands = 0 : i64, tpu.core_type = #tpu.core_type<tc>} {
    %get3A = arith.constant 0 : index
    %get3A_0 = arith.constant 0 : index
    %get3A_1 = vector.load %arg0[%get3A, %get3A_0] : memref<10000x128xf32, #tpu.memory_space<vmem>>, vector<10000x128xf32>
    %get3A_2 = arith.constant 0 : index
    %get3A_3 = arith.constant 0 : index
    %get3A_4 = arith.constant 0 : index
    %get3A_5 = vector.load %arg1[%get3A_2, %get3A_3, %get3A_4] : memref<2x10240x128xf32, #tpu.memory_space<vmem>>, vector<1x10000x128xf32>
    %get3A_6 = vector.shape_cast %get3A_5 : vector<1x10000x128xf32> to vector<10000x128xf32>
    %get3A_7 = arith.constant 1 : index
    %get3A_8 = arith.constant 0 : index
    %get3A_9 = arith.constant 0 : index
    %get3A_10 = vector.load %arg1[%get3A_7, %get3A_8, %get3A_9] : memref<2x10240x128xf32, #tpu.memory_space<vmem>>, vector<1x10000x128xf32>
    %get3A_11 = vector.shape_cast %get3A_10 : vector<1x10000x128xf32> to vector<10000x128xf32>
    %add3A = arith.addf %get3A_6, %get3A_11 : vector<10000x128xf32>
    %add3A_12 = arith.addf %get3A_1, %add3A : vector<10000x128xf32>
    %broadcast_in_dim3A = arith.constant 9.99999974E-5 : f32
    %broadcast_in_dim3A_13 = vector.broadcast %broadcast_in_dim3A : f32 to vector<1x10000xf32>
    %get3A_14 = arith.constant 0 : index
    %get3A_15 = arith.constant 0 : index
    %get3A_16 = vector.load %arg2[%get3A_14, %get3A_15] : memref<128x128xf32, #tpu.memory_space<vmem>>, vector<128x128xf32>
    %dot_general3A = arith.constant dense<0.000000e+00> : vector<10000x128xf32>
    %dot_general3A_17 = tpu.matmul %add3A_12, %get3A_16, %dot_general3A {dimension_numbers = #tpu.dot_dimension_numbers<[1], [0], [0], [1], [0, 0, 1, 1], [], []>, transpose_lhs_hint = false} : vector<10000x128xf32>, vector<128x128xf32>, vector<10000x128xf32> -> vector<10000x128xf32>
    %get3A_18 = arith.constant 0 : index
    %get3A_19 = arith.constant 0 : index
    %get3A_20 = vector.load %arg3[%get3A_18, %get3A_19] : memref<1x128xf32, #tpu.memory_space<vmem>>, vector<1x128xf32>
    %add3A_21 = vector.broadcast %get3A_20 : vector<1x128xf32> to vector<10000x128xf32>
    %add3A_22 = arith.addf %dot_general3A_17, %add3A_21 : vector<10000x128xf32>
    %dot_general3A_23 = arith.constant dense<0.000000e+00> : vector<1x128xf32>
    %dot_general3A_24 = tpu.matmul %broadcast_in_dim3A_13, %add3A_22, %dot_general3A_23 {dimension_numbers = #tpu.dot_dimension_numbers<[1], [0], [0], [1], [0, 0, 1, 1], [], []>, transpose_lhs_hint = false} : vector<1x10000xf32>, vector<10000x128xf32>, vector<1x128xf32> -> vector<1x128xf32>
    %get3A_25 = arith.constant 0 : index
    %get3A_26 = arith.constant 0 : index
    %get3A_27 = vector.load %arg6[%get3A_25, %get3A_26] : memref<1x128xf32, #tpu.memory_space<vmem>>, vector<1x128xf32>
    %mul3A = arith.mulf %dot_general3A_24, %get3A_27 : vector<1x128xf32>
    %sub3A = vector.broadcast %mul3A : vector<1x128xf32> to vector<10000x128xf32>
    %sub3A_28 = arith.subf %add3A_22, %sub3A : vector<10000x128xf32>
    %mul3A_29 = arith.mulf %sub3A_28, %sub3A_28 : vector<10000x128xf32>
    %dot_general3A_30 = arith.constant dense<0.000000e+00> : vector<1x128xf32>
    %dot_general3A_31 = tpu.matmul %broadcast_in_dim3A_13, %mul3A_29, %dot_general3A_30 {dimension_numbers = #tpu.dot_dimension_numbers<[1], [0], [0], [1], [0, 0, 1, 1], [], []>, transpose_lhs_hint = false} : vector<1x10000xf32>, vector<10000x128xf32>, vector<1x128xf32> -> vector<1x128xf32>
    %add3A_32 = arith.constant 9.99999997E-7 : f32
    %add3A_33 = vector.broadcast %add3A_32 : f32 to vector<1x128xf32>
    %add3A_34 = arith.addf %dot_general3A_31, %add3A_33 : vector<1x128xf32>
    %rsqrt3A = math.rsqrt %add3A_34 : vector<1x128xf32>
    %get3A_35 = arith.constant 0 : index
    %get3A_36 = arith.constant 0 : index
    %get3A_37 = vector.load %arg4[%get3A_35, %get3A_36] : memref<1x128xf32, #tpu.memory_space<vmem>>, vector<1x128xf32>
    %mul3A_38 = vector.broadcast %get3A_37 : vector<1x128xf32> to vector<10000x128xf32>
    %mul3A_39 = arith.mulf %mul3A_38, %sub3A_28 : vector<10000x128xf32>
    %mul3A_40 = vector.broadcast %rsqrt3A : vector<1x128xf32> to vector<10000x128xf32>
    %mul3A_41 = arith.mulf %mul3A_39, %mul3A_40 : vector<10000x128xf32>
    %get3A_42 = arith.constant 0 : index
    %get3A_43 = arith.constant 0 : index
    %get3A_44 = vector.load %arg5[%get3A_42, %get3A_43] : memref<1x128xf32, #tpu.memory_space<vmem>>, vector<1x128xf32>
    %add3A_45 = vector.broadcast %get3A_44 : vector<1x128xf32> to vector<10000x128xf32>
    %add3A_46 = arith.addf %mul3A_41, %add3A_45 : vector<10000x128xf32>
    %max3A = arith.constant 0.000000e+00 : f32
    %max3A_47 = vector.broadcast %max3A : f32 to vector<10000x128xf32>
    %max3A_48 = arith.maximumf %add3A_46, %max3A_47 : vector<10000x128xf32>
    %get3A_49 = arith.constant 0 : index
    %get3A_50 = arith.constant 0 : index
    %get3A_51 = vector.load %arg7[%get3A_49, %get3A_50] : memref<128x128xf32, #tpu.memory_space<vmem>>, vector<128x128xf32>
    %dot_general3A_52 = arith.constant dense<0.000000e+00> : vector<10000x128xf32>
    %dot_general3A_53 = tpu.matmul %max3A_48, %get3A_51, %dot_general3A_52 {dimension_numbers = #tpu.dot_dimension_numbers<[1], [0], [0], [1], [0, 0, 1, 1], [], []>, transpose_lhs_hint = false} : vector<10000x128xf32>, vector<128x128xf32>, vector<10000x128xf32> -> vector<10000x128xf32>
    %get3A_54 = arith.constant 0 : index
    %get3A_55 = arith.constant 0 : index
    %get3A_56 = vector.load %arg8[%get3A_54, %get3A_55] : memref<1x128xf32, #tpu.memory_space<vmem>>, vector<1x128xf32>
    %add3A_57 = vector.broadcast %get3A_56 : vector<1x128xf32> to vector<10000x128xf32>
    %add3A_58 = arith.addf %dot_general3A_53, %add3A_57 : vector<10000x128xf32>
    %dot_general3A_59 = arith.constant dense<0.000000e+00> : vector<1x128xf32>
    %dot_general3A_60 = tpu.matmul %broadcast_in_dim3A_13, %add3A_58, %dot_general3A_59 {dimension_numbers = #tpu.dot_dimension_numbers<[1], [0], [0], [1], [0, 0, 1, 1], [], []>, transpose_lhs_hint = false} : vector<1x10000xf32>, vector<10000x128xf32>, vector<1x128xf32> -> vector<1x128xf32>
    %get3A_61 = arith.constant 0 : index
    %get3A_62 = arith.constant 0 : index
    %get3A_63 = vector.load %arg11[%get3A_61, %get3A_62] : memref<1x128xf32, #tpu.memory_space<vmem>>, vector<1x128xf32>
    %mul3A_64 = arith.mulf %dot_general3A_60, %get3A_63 : vector<1x128xf32>
    %sub3A_65 = vector.broadcast %mul3A_64 : vector<1x128xf32> to vector<10000x128xf32>
    %sub3A_66 = arith.subf %add3A_58, %sub3A_65 : vector<10000x128xf32>
    %mul3A_67 = arith.mulf %sub3A_66, %sub3A_66 : vector<10000x128xf32>
    %dot_general3A_68 = arith.constant dense<0.000000e+00> : vector<1x128xf32>
    %dot_general3A_69 = tpu.matmul %broadcast_in_dim3A_13, %mul3A_67, %dot_general3A_68 {dimension_numbers = #tpu.dot_dimension_numbers<[1], [0], [0], [1], [0, 0, 1, 1], [], []>, transpose_lhs_hint = false} : vector<1x10000xf32>, vector<10000x128xf32>, vector<1x128xf32> -> vector<1x128xf32>
    %add3A_70 = arith.constant 9.99999997E-7 : f32
    %add3A_71 = vector.broadcast %add3A_70 : f32 to vector<1x128xf32>
    %add3A_72 = arith.addf %dot_general3A_69, %add3A_71 : vector<1x128xf32>
    %rsqrt3A_73 = math.rsqrt %add3A_72 : vector<1x128xf32>
    %get3A_74 = arith.constant 0 : index
    %get3A_75 = arith.constant 0 : index
    %get3A_76 = vector.load %arg9[%get3A_74, %get3A_75] : memref<1x128xf32, #tpu.memory_space<vmem>>, vector<1x128xf32>
    %mul3A_77 = vector.broadcast %get3A_76 : vector<1x128xf32> to vector<10000x128xf32>
    %mul3A_78 = arith.mulf %mul3A_77, %sub3A_66 : vector<10000x128xf32>
    %mul3A_79 = vector.broadcast %rsqrt3A_73 : vector<1x128xf32> to vector<10000x128xf32>
    %mul3A_80 = arith.mulf %mul3A_78, %mul3A_79 : vector<10000x128xf32>
    %get3A_81 = arith.constant 0 : index
    %get3A_82 = arith.constant 0 : index
    %get3A_83 = vector.load %arg10[%get3A_81, %get3A_82] : memref<1x128xf32, #tpu.memory_space<vmem>>, vector<1x128xf32>
    %add3A_84 = vector.broadcast %get3A_83 : vector<1x128xf32> to vector<10000x128xf32>
    %add3A_85 = arith.addf %mul3A_80, %add3A_84 : vector<10000x128xf32>
    %max3A_86 = arith.constant 0.000000e+00 : f32
    %max3A_87 = vector.broadcast %max3A_86 : f32 to vector<10000x128xf32>
    %max3A_88 = arith.maximumf %add3A_85, %max3A_87 : vector<10000x128xf32>
    %add3A_89 = arith.addf %max3A_88, %get3A_1 : vector<10000x128xf32>
    %broadcast_in_dim3A_90 = arith.constant 1.000000e+00 : f32
    %broadcast_in_dim3A_91 = vector.broadcast %broadcast_in_dim3A_90 : f32 to vector<1x10000xf32>
    %dot_general3A_92 = arith.constant dense<0.000000e+00> : vector<1x128xf32>
    %dot_general3A_93 = tpu.matmul %broadcast_in_dim3A_91, %add3A_89, %dot_general3A_92 {dimension_numbers = #tpu.dot_dimension_numbers<[1], [0], [0], [1], [0, 0, 1, 1], [], []>, transpose_lhs_hint = false} : vector<1x10000xf32>, vector<10000x128xf32>, vector<1x128xf32> -> vector<1x128xf32>
    %get3A_94 = arith.constant 0 : index
    %get3A_95 = arith.constant 0 : index
    %get3A_96 = vector.load %arg12[%get3A_94, %get3A_95] : memref<128x128xf32, #tpu.memory_space<vmem>>, vector<128x128xf32>
    %dot_general3A_97 = arith.constant dense<0.000000e+00> : vector<1x128xf32>
    %dot_general3A_98 = tpu.matmul %dot_general3A_93, %get3A_96, %dot_general3A_97 {dimension_numbers = #tpu.dot_dimension_numbers<[1], [0], [0], [1], [0, 0, 1, 1], [], []>, transpose_lhs_hint = false} : vector<1x128xf32>, vector<128x128xf32>, vector<1x128xf32> -> vector<1x128xf32>
    %get3A_99 = arith.constant 0 : index
    %get3A_100 = arith.constant 0 : index
    %get3A_101 = vector.load %arg13[%get3A_99, %get3A_100] : memref<1x128xf32, #tpu.memory_space<vmem>>, vector<1x128xf32>
    %add3A_102 = arith.addf %dot_general3A_98, %get3A_101 : vector<1x128xf32>
    %swap3A = arith.constant 0 : index
    %swap3A_103 = arith.constant 0 : index
    %swap3A_104 = vector.load %arg14[%swap3A, %swap3A_103] : memref<1x128xf32, #tpu.memory_space<vmem>>, vector<1x128xf32>
    tpu.vector_store %arg14[%swap3A, %swap3A_103], %add3A_102 {strides = array<i32>} : memref<1x128xf32, #tpu.memory_space<vmem>>, vector<1x128xf32>,
    return
  }
}

module attributes {stable_mosaic.version = 14 : i64} {
  func.func @_dense_mid_body(%arg0: memref<10000x128xf32, #tpu.memory_space<vmem>>, %arg1: memref<2x10240x128xf32, #tpu.memory_space<vmem>>, %arg2: memref<128x128xf32, #tpu.memory_space<vmem>>, %arg3: memref<1x128xf32, #tpu.memory_space<vmem>>, %arg4: memref<1x128xf32, #tpu.memory_space<vmem>>, %arg5: memref<1x128xf32, #tpu.memory_space<vmem>>, %arg6: memref<1x128xf32, #tpu.memory_space<vmem>>, %arg7: memref<128x128xf32, #tpu.memory_space<vmem>>, %arg8: memref<1x128xf32, #tpu.memory_space<vmem>>, %arg9: memref<1x128xf32, #tpu.memory_space<vmem>>, %arg10: memref<1x128xf32, #tpu.memory_space<vmem>>, %arg11: memref<1x128xf32, #tpu.memory_space<vmem>>, %arg12: memref<10000x128xf32, #tpu.memory_space<vmem>>) attributes {dimension_semantics = [], scalar_prefetch = 0 : i64, scratch_operands = 0 : i64, tpu.core_type = #tpu.core_type<tc>} {
    %get3A = arith.constant 0 : index
    %get3A_0 = arith.constant 0 : index
    %get3A_1 = vector.load %arg0[%get3A, %get3A_0] : memref<10000x128xf32, #tpu.memory_space<vmem>>, vector<10000x128xf32>
    %get3A_2 = arith.constant 0 : index
    %get3A_3 = arith.constant 0 : index
    %get3A_4 = arith.constant 0 : index
    %get3A_5 = vector.load %arg1[%get3A_2, %get3A_3, %get3A_4] : memref<2x10240x128xf32, #tpu.memory_space<vmem>>, vector<1x10000x128xf32>
    %get3A_6 = vector.shape_cast %get3A_5 : vector<1x10000x128xf32> to vector<10000x128xf32>
    %get3A_7 = arith.constant 1 : index
    %get3A_8 = arith.constant 0 : index
    %get3A_9 = arith.constant 0 : index
    %get3A_10 = vector.load %arg1[%get3A_7, %get3A_8, %get3A_9] : memref<2x10240x128xf32, #tpu.memory_space<vmem>>, vector<1x10000x128xf32>
    %get3A_11 = vector.shape_cast %get3A_10 : vector<1x10000x128xf32> to vector<10000x128xf32>
    %add3A = arith.addf %get3A_6, %get3A_11 : vector<10000x128xf32>
    %add3A_12 = arith.addf %get3A_1, %add3A : vector<10000x128xf32>
    %broadcast_in_dim3A = arith.constant 9.99999974E-5 : f32
    %broadcast_in_dim3A_13 = vector.broadcast %broadcast_in_dim3A : f32 to vector<1x10000xf32>
    %get3A_14 = arith.constant 0 : index
    %get3A_15 = arith.constant 0 : index
    %get3A_16 = vector.load %arg2[%get3A_14, %get3A_15] : memref<128x128xf32, #tpu.memory_space<vmem>>, vector<128x128xf32>
    %dot_general3A = arith.constant dense<0.000000e+00> : vector<10000x128xf32>
    %dot_general3A_17 = tpu.matmul %add3A_12, %get3A_16, %dot_general3A {dimension_numbers = #tpu.dot_dimension_numbers<[1], [0], [0], [1], [0, 0, 1, 1], [], []>, transpose_lhs_hint = false} : vector<10000x128xf32>, vector<128x128xf32>, vector<10000x128xf32> -> vector<10000x128xf32>
    %get3A_18 = arith.constant 0 : index
    %get3A_19 = arith.constant 0 : index
    %get3A_20 = vector.load %arg3[%get3A_18, %get3A_19] : memref<1x128xf32, #tpu.memory_space<vmem>>, vector<1x128xf32>
    %add3A_21 = vector.broadcast %get3A_20 : vector<1x128xf32> to vector<10000x128xf32>
    %add3A_22 = arith.addf %dot_general3A_17, %add3A_21 : vector<10000x128xf32>
    %dot_general3A_23 = arith.constant dense<0.000000e+00> : vector<1x128xf32>
    %dot_general3A_24 = tpu.matmul %broadcast_in_dim3A_13, %add3A_22, %dot_general3A_23 {dimension_numbers = #tpu.dot_dimension_numbers<[1], [0], [0], [1], [0, 0, 1, 1], [], []>, transpose_lhs_hint = false} : vector<1x10000xf32>, vector<10000x128xf32>, vector<1x128xf32> -> vector<1x128xf32>
    %get3A_25 = arith.constant 0 : index
    %get3A_26 = arith.constant 0 : index
    %get3A_27 = vector.load %arg6[%get3A_25, %get3A_26] : memref<1x128xf32, #tpu.memory_space<vmem>>, vector<1x128xf32>
    %mul3A = arith.mulf %dot_general3A_24, %get3A_27 : vector<1x128xf32>
    %sub3A = vector.broadcast %mul3A : vector<1x128xf32> to vector<10000x128xf32>
    %sub3A_28 = arith.subf %add3A_22, %sub3A : vector<10000x128xf32>
    %mul3A_29 = arith.mulf %sub3A_28, %sub3A_28 : vector<10000x128xf32>
    %dot_general3A_30 = arith.constant dense<0.000000e+00> : vector<1x128xf32>
    %dot_general3A_31 = tpu.matmul %broadcast_in_dim3A_13, %mul3A_29, %dot_general3A_30 {dimension_numbers = #tpu.dot_dimension_numbers<[1], [0], [0], [1], [0, 0, 1, 1], [], []>, transpose_lhs_hint = false} : vector<1x10000xf32>, vector<10000x128xf32>, vector<1x128xf32> -> vector<1x128xf32>
    %add3A_32 = arith.constant 9.99999997E-7 : f32
    %add3A_33 = vector.broadcast %add3A_32 : f32 to vector<1x128xf32>
    %add3A_34 = arith.addf %dot_general3A_31, %add3A_33 : vector<1x128xf32>
    %rsqrt3A = math.rsqrt %add3A_34 : vector<1x128xf32>
    %get3A_35 = arith.constant 0 : index
    %get3A_36 = arith.constant 0 : index
    %get3A_37 = vector.load %arg4[%get3A_35, %get3A_36] : memref<1x128xf32, #tpu.memory_space<vmem>>, vector<1x128xf32>
    %mul3A_38 = vector.broadcast %get3A_37 : vector<1x128xf32> to vector<10000x128xf32>
    %mul3A_39 = arith.mulf %mul3A_38, %sub3A_28 : vector<10000x128xf32>
    %mul3A_40 = vector.broadcast %rsqrt3A : vector<1x128xf32> to vector<10000x128xf32>
    %mul3A_41 = arith.mulf %mul3A_39, %mul3A_40 : vector<10000x128xf32>
    %get3A_42 = arith.constant 0 : index
    %get3A_43 = arith.constant 0 : index
    %get3A_44 = vector.load %arg5[%get3A_42, %get3A_43] : memref<1x128xf32, #tpu.memory_space<vmem>>, vector<1x128xf32>
    %add3A_45 = vector.broadcast %get3A_44 : vector<1x128xf32> to vector<10000x128xf32>
    %add3A_46 = arith.addf %mul3A_41, %add3A_45 : vector<10000x128xf32>
    %max3A = arith.constant 0.000000e+00 : f32
    %max3A_47 = vector.broadcast %max3A : f32 to vector<10000x128xf32>
    %max3A_48 = arith.maximumf %add3A_46, %max3A_47 : vector<10000x128xf32>
    %get3A_49 = arith.constant 0 : index
    %get3A_50 = arith.constant 0 : index
    %get3A_51 = vector.load %arg7[%get3A_49, %get3A_50] : memref<128x128xf32, #tpu.memory_space<vmem>>, vector<128x128xf32>
    %dot_general3A_52 = arith.constant dense<0.000000e+00> : vector<10000x128xf32>
    %dot_general3A_53 = tpu.matmul %max3A_48, %get3A_51, %dot_general3A_52 {dimension_numbers = #tpu.dot_dimension_numbers<[1], [0], [0], [1], [0, 0, 1, 1], [], []>, transpose_lhs_hint = false} : vector<10000x128xf32>, vector<128x128xf32>, vector<10000x128xf32> -> vector<10000x128xf32>
    %get3A_54 = arith.constant 0 : index
    %get3A_55 = arith.constant 0 : index
    %get3A_56 = vector.load %arg8[%get3A_54, %get3A_55] : memref<1x128xf32, #tpu.memory_space<vmem>>, vector<1x128xf32>
    %add3A_57 = vector.broadcast %get3A_56 : vector<1x128xf32> to vector<10000x128xf32>
    %add3A_58 = arith.addf %dot_general3A_53, %add3A_57 : vector<10000x128xf32>
    %dot_general3A_59 = arith.constant dense<0.000000e+00> : vector<1x128xf32>
    %dot_general3A_60 = tpu.matmul %broadcast_in_dim3A_13, %add3A_58, %dot_general3A_59 {dimension_numbers = #tpu.dot_dimension_numbers<[1], [0], [0], [1], [0, 0, 1, 1], [], []>, transpose_lhs_hint = false} : vector<1x10000xf32>, vector<10000x128xf32>, vector<1x128xf32> -> vector<1x128xf32>
    %get3A_61 = arith.constant 0 : index
    %get3A_62 = arith.constant 0 : index
    %get3A_63 = vector.load %arg11[%get3A_61, %get3A_62] : memref<1x128xf32, #tpu.memory_space<vmem>>, vector<1x128xf32>
    %mul3A_64 = arith.mulf %dot_general3A_60, %get3A_63 : vector<1x128xf32>
    %sub3A_65 = vector.broadcast %mul3A_64 : vector<1x128xf32> to vector<10000x128xf32>
    %sub3A_66 = arith.subf %add3A_58, %sub3A_65 : vector<10000x128xf32>
    %mul3A_67 = arith.mulf %sub3A_66, %sub3A_66 : vector<10000x128xf32>
    %dot_general3A_68 = arith.constant dense<0.000000e+00> : vector<1x128xf32>
    %dot_general3A_69 = tpu.matmul %broadcast_in_dim3A_13, %mul3A_67, %dot_general3A_68 {dimension_numbers = #tpu.dot_dimension_numbers<[1], [0], [0], [1], [0, 0, 1, 1], [], []>, transpose_lhs_hint = false} : vector<1x10000xf32>, vector<10000x128xf32>, vector<1x128xf32> -> vector<1x128xf32>
    %add3A_70 = arith.constant 9.99999997E-7 : f32
    %add3A_71 = vector.broadcast %add3A_70 : f32 to vector<1x128xf32>
    %add3A_72 = arith.addf %dot_general3A_69, %add3A_71 : vector<1x128xf32>
    %rsqrt3A_73 = math.rsqrt %add3A_72 : vector<1x128xf32>
    %get3A_74 = arith.constant 0 : index
    %get3A_75 = arith.constant 0 : index
    %get3A_76 = vector.load %arg9[%get3A_74, %get3A_75] : memref<1x128xf32, #tpu.memory_space<vmem>>, vector<1x128xf32>
    %mul3A_77 = vector.broadcast %get3A_76 : vector<1x128xf32> to vector<10000x128xf32>
    %mul3A_78 = arith.mulf %mul3A_77, %sub3A_66 : vector<10000x128xf32>
    %mul3A_79 = vector.broadcast %rsqrt3A_73 : vector<1x128xf32> to vector<10000x128xf32>
    %mul3A_80 = arith.mulf %mul3A_78, %mul3A_79 : vector<10000x128xf32>
    %get3A_81 = arith.constant 0 : index
    %get3A_82 = arith.constant 0 : index
    %get3A_83 = vector.load %arg10[%get3A_81, %get3A_82] : memref<1x128xf32, #tpu.memory_space<vmem>>, vector<1x128xf32>
    %add3A_84 = vector.broadcast %get3A_83 : vector<1x128xf32> to vector<10000x128xf32>
    %add3A_85 = arith.addf %mul3A_80, %add3A_84 : vector<10000x128xf32>
    %max3A_86 = arith.constant 0.000000e+00 : f32
    %max3A_87 = vector.broadcast %max3A_86 : f32 to vector<10000x128xf32>
    %max3A_88 = arith.maximumf %add3A_85, %max3A_87 : vector<10000x128xf32>
    %swap3A = arith.constant 0 : index
    %swap3A_89 = arith.constant 0 : index
    %swap3A_90 = vector.load %arg12[%swap3A, %swap3A_89] : memref<10000x128xf32, #tpu.memory_space<vmem>>, vector<10000x128xf32>
    tpu.vector_store %arg12[%swap3A, %swap3A_89], %max3A_88 {strides = array<i32>} : memref<10000x128xf32, #tpu.memory_space<vmem>>, vector<10000x128xf32>,
    return
  }
}

</mosaic_0001>

<sc_bundles>
// kernel: kernel.6.cloned.1.call-start
scs
__scs_entry_jumppad:
0x0: {  	(pc) =	sbr.rel $0x88, $3  }
0x1: {  	(tag) =	ssettag $0x0;
	lr =	simm.s32 $0x1  }
0x2: {  	[smem:$0x3F89] =	sst lr;
	_ =	strace $0xD0000000  }
0x3: {  	_ = 	snop  }
0x4: {  	_ = 	snop  }
0x5: {  	_ = 	snop  }
0x6: {  	_ = 	snop  }
0x7: {  	_ = 	snop  }
__scs_overlays_trampoline_lowered:
0x8: {  	[smem:$0x3F98] =	sst s0  }
0x9: {  	[smem:$0x3F99] =	sst s1  }
0xa: {  	[smem:$0x3F9A] =	sst s2  }
0xb: {  	[smem:$0x3F9B] =	sst s3  }
0xc: {  	[smem:$0x3F9C] =	sst s4  }
0xd: {  	[smem:$0x3F9D] =	sst s5  }
0xe: {  	[smem:$0x3F9E] =	sst s6  }
0xf: {  	[smem:$0x3F9F] =	sst s7  }
0x10: {  	[smem:$0x3FA0] =	sst s8  }
0x11: {  	[smem:$0x3FA1] =	sst s9;
	s0 =	simm.s32 @!p0 $0x0  }
0x12: {  	s1 =	sld [smem:$0x3F87];
	s0 =	simm.s32 @p0 $0x1  }
0x13: {  	[smem:$0x3FA2] =	sst s0;
	s0 =	simm.s32 @!p1 $0x0  }
0x14: {  	s2 =	sld [smem:$0x3F86];
	s0 =	simm.s32 @p1 $0x1  }
0x15: {  	[smem:$0x3FA3] =	sst s0;
	s0 =	simm.s32 @!p2 $0x0  }
0x16: {  	s3 =	sld [smem:$0x3FDB];
	s0 =	simm.s32 @p2 $0x1  }
0x17: {  	s4 =	simm.s32 $0x1BF5;
	[smem:$0x3FA5] =	sst s0  }
0x18: {  	s0 =	sld [smem:$0x3F88];
	_ =	swait.ge [sflag:s4], $0x0  }
0x19: {  	s7 =	sld [smem:$0x3F89]  }
0x1a: {  	s8 =	sadd.s32 $0xFFFFE003, lr  }
0x1b: {  	s9 =	sadd.s32 $0xFFFFFEF7, lr;
	s5 =	simm.s32 $0xFFFFFFFF;
	p2 =	slt.u32 s8, $0xFFFFF086  }
0x1c: {  	p1 =	slt.u32 s9, $0xF7A;
	s5 =	simm.s32 @!p2 $0x0  }
0x1d: {  	s5 =	simm.s32 @p1 $0x1;
	p0 =	seq.s32 s7, s2  }
0x1e: {  	s7 =	smul.u32 @!p0 $0xF7A, s2;
	p2 =	seq.s32 @!p0 s5, $0x0  }
0x1f: {  	s9 =	smul.u32 $0xF7A, s1;
	s8 =	simm.s32 @!p0 $0x1BF5;
	p2 =	por !p2, p0  }
0x20: {  	[sflag:s8] =	ssyncset.s32 @!p0 $0xFFFFF086;
	s6 =	sadd.s32 @!p0 s3, s7;
	s7 =	simm.s32 @!p0 $0x108  }
0x21: {  	s3 =	sadd.s32 s3, s9;
	s6 =	sadd.s32 @!p0 $0x88, s6;
	s7 =	simm.s32 @p2 $0x1082  }
0x22: {  	[simem:s7], [sflag:s8] =	dma.local @!p0 [hbm:s6], $0xF7A  }
0x23: {  	s9 =	sor.u32 $0xD0000000, s2;
	s6 =	simm.s32 $0x108;
	_ =	swait.ge @!p0 [sflag:s8], $0x0  }
0x24: {  	s3 =	sadd.s32 $0x88, s3;
	s6 =	simm.s32 @!p1 $0x1082;
	[sflag:s4] =	ssyncset.s32 $0xFFFFF086  }
0x25: {  	[simem:s6], [sflag:s4] =	dma.local [hbm:s3], $0xF7A  }
0x26: {  	[smem:$0x3F89] =	sst s1;
	(tag) =	ssettag s2;
	_ =	strace s9  }
0x27: {  	s1 =	sld [smem:$0x3F99]  }
0x28: {  	s2 =	sld [smem:$0x3F9A]  }
0x29: {  	s4 =	sld [smem:$0x3F9C]  }
0x2a: {  	p0 =	seq.s32 s5, $0x0;
	s5 =	sld [smem:$0x3F9D]  }
0x2b: {  	s6 =	sld [smem:$0x3F9E]  }
0x2c: {  	s7 =	sld [smem:$0x3F9F]  }
0x2d: {  	s3 =	simm.s32 $0x108;
	s8 =	sld [smem:$0x3FA0]  }
0x2e: {  	s3 =	simm.s32 @!p0 $0x1082;
	s9 =	sld [smem:$0x3FA1]  }
0x2f: {  	lr =	sadd.s32 s0, s3;
	s0 =	sld [smem:$0x3F98]  }
0x30: {  	s3 =	sld [smem:$0x3F9B]  }
0x31: {  	[smem:$0x3FA4] =	sst s10  }
0x32: {  	s10 =	sld [smem:$0x3FA2];
	_ =	sdelay $0x3  }
0x33: {  	p0 =	seq.s32 s10, $0x1;
	s10 =	sld [smem:$0x3FA4];
	_ =	sdelay $0x3  }
0x34: {  	[smem:$0x3FA4] =	sst s10  }
0x35: {  	s10 =	sld [smem:$0x3FA3];
	_ =	sdelay $0x3  }
0x36: {  	p1 =	seq.s32 s10, $0x1;
	s10 =	sld [smem:$0x3FA4];
	_ =	sdelay $0x3  }
0x37: {  	[smem:$0x3FA4] =	sst s10  }
0x38: {  	s10 =	sld [smem:$0x3FA5]  }
0x39: {  	_ = 	snop;
	(pc) =	sbr.ind lr, $3  }
0x3a: {  	_ = 	snop  }
0x3b: {  	_ = 	snop  }
0x3c: {  	p2 =	seq.s32 s10, $0x1;
	s10 =	sld [smem:$0x3FA4]  }
0x3d: {  	_ =	shalt  }
0x3e: {  	_ =	shalt  }
0x3f: {  	_ =	shalt  }
0x40: {  	_ =	shalt  }
0x41: {  	_ =	shalt  }
0x42: {  	_ =	shalt  }
0x43: {  	_ =	shalt  }
0x44: {  	_ =	shalt  }
0x45: {  	_ =	shalt  }
0x46: {  	_ =	shalt  }
0x47: {  	_ =	shalt  }
0x48: {  	_ =	shalt  }
0x49: {  	_ =	shalt  }
0x4a: {  	_ =	shalt  }
0x4b: {  	_ =	shalt  }
0x4c: {  	_ =	shalt  }
0x4d: {  	_ =	shalt  }
0x4e: {  	_ =	shalt  }
0x4f: {  	_ =	shalt  }
0x50: {  	_ =	shalt  }
0x51: {  	_ =	shalt  }
0x52: {  	_ =	shalt  }
0x53: {  	_ =	shalt  }
0x54: {  	_ =	shalt  }
0x55: {  	_ =	shalt  }
0x56: {  	_ =	shalt  }
0x57: {  	_ =	shalt  }
0x58: {  	_ =	shalt  }
0x59: {  	_ =	shalt  }
0x5a: {  	_ =	shalt  }
0x5b: {  	_ =	shalt  }
0x5c: {  	_ =	shalt  }
0x5d: {  	_ =	shalt  }
0x5e: {  	_ =	shalt  }
0x5f: {  	_ =	shalt  }
0x60: {  	_ =	shalt  }
0x61: {  	_ =	shalt  }
0x62: {  	_ =	shalt  }
0x63: {  	_ =	shalt  }
0x64: {  	_ =	shalt  }
0x65: {  	_ =	shalt  }
0x66: {  	_ =	shalt  }
0x67: {  	_ =	shalt  }
0x68: {  	_ =	shalt  }
0x69: {  	_ =	shalt  }
0x6a: {  	_ =	shalt  }
0x6b: {  	_ =	shalt  }
0x6c: {  	_ =	shalt  }
0x6d: {  	_ =	shalt  }
0x6e: {  	_ =	shalt  }
0x6f: {  	_ =	shalt  }
0x70: {  	_ =	shalt  }
0x71: {  	_ =	shalt  }
0x72: {  	_ =	shalt  }
0x73: {  	_ =	shalt  }
0x74: {  	_ =	shalt  }
0x75: {  	_ =	shalt  }
0x76: {  	_ =	shalt  }
0x77: {  	_ =	shalt  }
0x78: {  	_ =	shalt  }
0x79: {  	_ =	shalt  }
0x7a: {  	_ =	shalt  }
0x7b: {  	_ =	shalt  }
0x7c: {  	_ =	shalt  }
0x7d: {  	_ =	shalt  }
0x7e: {  	_ =	shalt  }
0x7f: {  	_ =	shalt  }
0x80: {  	_ =	shalt  }
0x81: {  	_ =	shalt  }
0x82: {  	_ =	shalt  }
0x83: {  	_ =	shalt  }
0x84: {  	_ =	shalt  }
0x85: {  	_ =	shalt  }
0x86: {  	_ =	shalt  }
0x87: {  	_ =	shalt  }
.Lfunc_end0:
.L_simem_size_0:
called_computation_lowered:
.L_overlay_start_0:
0x88: {  	s2 =	sld [smem:$0x3FD9]  }
0x89: {  	s3 =	sld [smem:$0x3FFE];
	_ =	sdelay $0x1  }
0x8a: {  	s1 =	srdreg.scid  }
0x8b: {  	s0 =	sand.u32 $0x1, s1  }
0x8c: {  	s17 =	sshll.u32 s0, $0xA;
	s2 =	sadd.s32 s3, s2  }
0x8d: {  	s2 =	sadd.s32 s2, s17  }
0x8e: {  	[smem:$0x3FB0] =	sst s2  }
0x8f: {  	_ = 	snop  }
0x90: {  	s2 =	sld [smem:$0x3FC9];
	(tm) =	ssettm $0x1  }
0x91: {  	s18 =	sld [smem:$0x3FFB];
	_ =	sdelay $0x3  }
0x92: {  	_ =	strace s18  }
0x93: {  	s3 =	sld [smem:$0x3FFC];
	_ =	sdelay $0x3  }
0x94: {  	_ =	strace s3  }
0x95: {  	s3 =	sld [smem:$0x3FFD];
	_ =	sdelay $0x3  }
0x96: {  	_ =	strace s3  }
0x97: {  	_ =	strace $0x8FFFFFFF  }
0x98: {  	s19 =	sld [smem:$0x3FDB];
	_ =	sdelay $0x1  }
0x99: {  	s4 =	simm.s32 $_scs_section_size  }
0x9a: {  	s5 =	simm.s32 $_size__tile_overlayer_lowered;
	s6 =	simm.s32 $_tile_overlayer_lowered  }
0x9b: {  	s22 =	simm.s32 $0x1BFF;
	s21 =	sshll.u32 s6, $0x1;
	s3 =	sadd.s32 s4, s19  }
0x9c: {  	s7 =	simm.s32 $0x0;
	s20 =	sshll.u32 s5, $0x1;
	s5 =	sadd.s32 s21, s3  }
0x9d: {  	[timem:s7], [sflag:s22] =	dma.local [hbm:s5], s20  }
0x9e: {  	_ =	swait.ge [sflag:s22], s20  }
0x9f: {  	s4 =	ssub.s32 $0x0, s20;
	[sflag:s22] =	ssyncset.done $0x0  }
0xa0: {  	[sflag:s22] =	ssyncadd.s32 s4;
	_ =	sdelay $0x1  }
0xa1: {  	s23 =	simm.s32 $0x1B8B  }
0xa2: {  	_ =	swait.ge [sflag:s23], $0x1  }
0xa3: {  	[sflag:s23] =	ssyncset.done $0x0  }
0xa4: {  	s25 =	simm.s32 $0x1B8E;
	s24 =	sld [smem:$0x3FFE];
	[sflag:s23] =	ssyncadd.s32 $0xFFFFFFFF  }
0xa5: {  	s26 =	simm.s32 $execute0_lowered;
	[smem:$0x3FD2] =	sst s25  }
0xa6: {  	s5 =	sshll.u32 s26, $0x1;
	_ =	strace $0x80000046;
	[dreg:$0x1] =	wrdreg $0xFFFFFFFF  }
0xa7: {  	s28 =	simm.s32 $_size_execute0_lowered;
	s3 =	sadd.s32 s3, s5;
	[dreg:$0x0] =	wrdreg $0x0  }
0xa8: {  	s5 =	sshll.u32 s28, $0x1;
	[dreg:$0x2] =	wrdreg s3  }
0xa9: {  	[dreg:$0x3] =	wrdreg s5  }
0xaa: {  	[dreg:$0x4] =	wrdreg $0xC0  }
0xab: {  	_ =	task [dreg:s7], $0x5FFFF  }
0xac: {  	[dreg:$0x1] =	wrdreg $0xFFFFFFFF  }
0xad: {  	[dreg:$0x0] =	wrdreg $0x60  }
0xae: {  	[dreg:$0x2] =	wrdreg s2  }
0xaf: {  	[dreg:$0x3] =	wrdreg s24  }
0xb0: {  	[dreg:$0x4] =	wrdreg $0xAA000  }
0xb1: {  	[dreg:$0x5] =	wrdreg $0x9  }
0xb2: {  	_ =	task.clear_ibuf [dreg:s7], $0x6FFFF;
	_ =	strace $0x90000046  }
0xb3: {  	s29 =	simm.s32 $0x9;
	_ =	strace $0x80000048  }
0xb4: {  	_ =	swait.ge [sflag:s29], $0x1  }
0xb5: {  	[sflag:s29] =	ssyncadd.s32 $0xFFFFFFFF  }
0xb6: {  	_ =	strace $0x90000048  }
0xb7: {  	_ =	sfence  }
0xb8: {  	s30 =	sld [smem:$0x0];
	_ =	sdelay $0x2  }
0xb9: {  	s31 =	sshll.u32 s1, $0xD;
	s1 =	sshrl.u32 s1, $0x2  }
0xba: {  	s3 =	sand.u32 $0x4000, s31;
	s1 =	sadd.s32 s1, s30  }
0xbb: {  	s0 =	sor.u32 s3, s0;
	s1 =	sshll.u32 s1, $0x11  }
0xbc: {  	s0 =	sor.u32 s1, s0  }
0xbd: {  	s0 =	sadd.s32 $0x8F2B, s0  }
0xbe: {  	[sflag:s0] =	ssyncadd.remote.s32 $0x1  }
0xbf: {  	_ =	sfence.sel $0xFFFF  }
0xc0: {  	[dreg:$0x0] =	wrdreg $0xFFFFFFFF;
	(pc) =	sbr.abs _section_cstart, $3  }
0xc1: {  	[dreg:$0x1] =	wrdreg $0xFFFFFFFF  }
0xc2: {  	_ =	task.clear_ibuf [dreg:s7], $0x2FFFF;
	_ =	strace $0x9FFFFFFF  }
0xc3: {  	(tm) =	ssettm $0x7FFFFFFF  }
tec
execute0_lowered:
.L_overlay_start_1:
0x0: {  	(tag) =	ssettag $0x1  }
0x1: {  	s0 =	rddreg [dreg:$0x0]  }
0x2: {  	s1 =	srdreg.scid;
	s5 =	rddreg [dreg:$0x1]  }
0x3: {  	s3 =	rddreg [dreg:$0x2];
	s2 =	stileid.u32  }
0x4: {  	s4 =	simm.s32 $0x0;
	s20 =	simm.s32 $0x2800;
	s21 =	simm.s32 $0x2880  }
0x5: {  	s22 =	simm.s32 $0x6A00;
	s23 =	simm.s32 $0x1;
	s24 =	simm.s32 $0x2900  }
0x6: {  	s25 =	simm.s32 $0x2;
	s26 =	simm.s32 $0x2980;
	s28 =	simm.s32 $0x0  }
0x7: {  	s7 =	sand.u32 $0x1, s1;
	s1 =	rddreg [dreg:$0x3];
	s8 =	smul.u32 $0x50000, s2  }
0x8: {  	[smem:$0x7FF] =	sst s4;
	s15 =	sadd.s32 $0xDC00, s5;
	s10 =	smul.u32 $0x14000, s2  }
0x9: {  	s6 =	sshll.u32 s7, $0x4;
	_ =	strace $0x80000047;
	s31 =	ssub.s32 $0x2, s7  }
0xa: {  	s14 =	smul.u32 $0x140000, s7;
	s6 =	sor.u32 s2, s6;
	s9 =	sshrl.u32 s31, $0x1  }
0xb: {  	s8 =	sshrl.u32 s8, $0x2;
	s11 =	sadd.s32 $0x4000, s10;
	s13 =	sadd.s32 $0x8000, s10  }
0xc: {  	s17 =	sadd.s32 $0xC000, s10;
	s18 =	sadd.s32 $0x10000, s10;
	s6 =	smul.u32 $0x500, s6  }
0xd: {  	s16 =	ssub.s32 s31, s9;
	s7 =	sadd.s32 s11, s3;
	s9 =	sadd.s32 s17, s3  }
0xe: {  	s12 =	sadd.s32 s10, s14;
	s11 =	sadd.s32 s14, s11;
	s10 =	sadd.s32 s18, s3  }
0xf: {  	s17 =	sadd.s32 s14, s17;
	s12 =	sshrl.u32 s12, $0x3;
	s19 =	sshrl.u32 s11, $0x3  }
0x10: {  	s17 =	sshrl.u32 s17, $0x3;
	s16 =	smax.u32 s16, $0x1;
	s6 =	sadd.s32 s6, s5  }
0x11: {  	s11 =	sadd.s32 s15, s12;
	s12 =	sadd.s32 s15, s19;
	s5 =	sadd.s32 $0x3C00, s6  }
0x12: {  	s6 =	sadd.s32 s8, s3;
	s8 =	sadd.s32 s13, s3;
	s13 =	sadd.s32 s14, s13  }
0x13: {  	s19 =	simm.s32 $0x80;
	s14 =	sadd.s32 s14, s18;
	s13 =	sshrl.u32 s13, $0x3  }
0x14: {  	s18 =	sshrl.u32 s14, $0x3;
	s14 =	sadd.s32 s15, s17;
	s17 =	simm.s32 $0x3  }
0x15: {  	v0 =	vimm.f32 $0.0e+00;
	s13 =	sadd.s32 s15, s13;
	s15 =	sadd.s32 s15, s18;
	s18 =	simm.s32 $0x2A00  }
.LBB2_1:
0x16: {  	[tilespmem:s4], [sflag:$0x3] =	stream.linear.gather [hbm4b:s5+s4], $0x2800, $0x38;
	[tilespmem:$0x1EA00] =	vst v63  }
0x17: {  	_ =	swait.ge [sflag:s17], $0x2800  }
0x18: {  	[sflag:s17] =	ssyncset.done $0x0  }
0x19: {  	s29 =	simm.s32 $0x0;
	s30 =	simm.s32 $0x200;
	[sflag:s17] =	ssyncadd.s32 $0xFFFFD800  }
.LBB2_2:
0x1a: {  	p0 =	sne.s32 s30, $0xFE00;
	[tilespmem:s29+$0x2A70] =	vst v0  }
0x1b: {  	[tilespmem:s29+$0x2A00] =	vst v0  }
0x1c: {  	[tilespmem:s29+$0x2A10] =	vst v0  }
.Ltmp0:
0x1d: {  	[tilespmem:s29+$0x2A20] =	vst v0;
	(pc) =	sbr.rel @p0 .LBB2_2-.Ltmp0, $4  }
0x1e: {  	[tilespmem:s29+$0x2A30] =	vst v0  }
0x1f: {  	[tilespmem:s29+$0x2A40] =	vst v0  }
0x20: {  	[tilespmem:s29+$0x2A50] =	vst v0  }
0x21: {  	[tilespmem:s29+$0x2A60] =	vst v0;
	s29 =	sshra.s32 s30, $0x2;
	s30 =	sadd.s32 $0x200, s30  }
0x22: {  	[tilespmem:s29+$0x2A70] =	vst v0  }
0x23: {  	[tilespmem:s29+$0x2A00] =	vst v0  }
0x24: {  	[tilespmem:s29+$0x2A10] =	vst v0  }
0x25: {  	[tilespmem:s29+$0x2A20] =	vst v0  }
0x26: {  	[tilespmem:s29+$0x2A30] =	vst v0  }
0x27: {  	[tilespmem:s29+$0x2A40] =	vst v0  }
0x28: {  	[tilespmem:s29+$0x2A50] =	vst v0  }
0x29: {  	[tilespmem:s29+$0x2A60] =	vst v0  }
0x2a: {  	[spmem:s6] =	stream.linear.scatter [tilespmem:s18], [sflag:$0x3], $0x4000, $0x38;
	[tilespmem:$0x1EA00] =	vst v63  }
0x2b: {  	_ =	swait.ge [sflag:s17], $0x4000  }
0x2c: {  	[sflag:s17] =	ssyncset.done $0x0  }
0x2d: {  	[sflag:s17] =	ssyncadd.s32 $0xFFFFC000  }
0x2e: {  	[spmem:s7] =	stream.linear.scatter [tilespmem:s18], [sflag:$0x3], $0x4000, $0x38;
	[tilespmem:$0x1EA00] =	vst v63  }
0x2f: {  	_ =	swait.ge [sflag:s17], $0x4000  }
0x30: {  	[sflag:s17] =	ssyncset.done $0x0  }
0x31: {  	[sflag:s17] =	ssyncadd.s32 $0xFFFFC000  }
0x32: {  	[spmem:s8] =	stream.linear.scatter [tilespmem:s18], [sflag:$0x3], $0x4000, $0x38;
	[tilespmem:$0x1EA00] =	vst v63  }
0x33: {  	_ =	swait.ge [sflag:s17], $0x4000  }
0x34: {  	[sflag:s17] =	ssyncset.done $0x0  }
0x35: {  	[sflag:s17] =	ssyncadd.s32 $0xFFFFC000  }
0x36: {  	[spmem:s9] =	stream.linear.scatter [tilespmem:s18], [sflag:$0x3], $0x4000, $0x38;
	[tilespmem:$0x1EA00] =	vst v63  }
0x37: {  	_ =	swait.ge [sflag:s17], $0x4000  }
0x38: {  	[sflag:s17] =	ssyncset.done $0x0  }
0x39: {  	[sflag:s17] =	ssyncadd.s32 $0xFFFFC000  }
0x3a: {  	[spmem:s10] =	stream.linear.scatter [tilespmem:s18], [sflag:$0x3], $0x4000, $0x38;
	[tilespmem:$0x1EA00] =	vst v63  }
0x3b: {  	_ =	swait.ge [sflag:s17], $0x4000  }
0x3c: {  	[sflag:s17] =	ssyncset.done $0x0  }
0x3d: {  	[sflag:s17] =	ssyncadd.s32 $0xFFFFC000  }
0x3e: {  	[bflag:$0x0] =	sbarrier.arrive $0xFFFF  }
0x3f: {  	v1 =	vld [tilespmem:$0x0];
	_ =	sdelay $0x1  }
0x40: {  	v2 =	vld [tilespmem:$0x10];
	_ =	sdelay $0x1  }
0x41: {  	v3 =	vld [tilespmem:$0x20]  }
0x42: {  	v4 =	vshra.s32 v1, $0xE  }
0x43: {  	v59 =	vld [tilespmem:$0x30];
	v1 =	vand.u32 $0x3FFF, v1;
	[tilespmem:$0x2800] =	vst v4  }
0x44: {  	[tilespmem:$0x2900] =	vst v1;
	v1 =	vshra.s32 v2, $0xE  }
0x45: {  	[tilespmem:$0x2810] =	vst v1;
	v1 =	vand.u32 $0x3FFF, v2;
	v2 =	vld [tilespmem:$0x40]  }
0x46: {  	[tilespmem:$0x2910] =	vst v1;
	v1 =	vshra.s32 v3, $0xE  }
0x47: {  	[tilespmem:$0x2820] =	vst v1;
	v1 =	vand.u32 $0x3FFF, v3;
	v3 =	vld [tilespmem:$0x50]  }
0x48: {  	[tilespmem:$0x2920] =	vst v1;
	v1 =	vshra.s32 v59, $0xE  }
0x49: {  	v60 =	vld [tilespmem:$0x60];
	[tilespmem:$0x2830] =	vst v1;
	v1 =	vand.u32 $0x3FFF, v59  }
0x4a: {  	[tilespmem:$0x2930] =	vst v1;
	v1 =	vshra.s32 v2, $0xE  }
0x4b: {  	[tilespmem:$0x2840] =	vst v1;
	v1 =	vand.u32 $0x3FFF, v2;
	v2 =	vld [tilespmem:$0x70]  }
0x4c: {  	[tilespmem:$0x2940] =	vst v1;
	v1 =	vshra.s32 v3, $0xE  }
0x4d: {  	[tilespmem:$0x2850] =	vst v1;
	v1 =	vand.u32 $0x3FFF, v3  }
0x4e: {  	[tilespmem:$0x2950] =	vst v1;
	v1 =	vshra.s32 v60, $0xE  }
0x4f: {  	[tilespmem:$0x2860] =	vst v1;
	v1 =	vand.u32 $0x3FFF, v60  }
0x50: {  	[tilespmem:$0x2960] =	vst v1;
	v1 =	vshra.s32 v2, $0xE  }
0x51: {  	[tilespmem:$0x2870] =	vst v1;
	v1 =	vand.u32 $0x3FFF, v2  }
0x52: {  	[tilespmem:$0x2970] =	vst v1  }
0x53: {  	[tilespmem:s18], [sflag:$0x1] =	stream.indirect.gather [hbm4b:s0+s19], $0x80, s20, s19, $0xb8;
	[tilespmem:$0x1EA00] =	vst v63  }
0x54: {  	v1 =	vld [tilespmem:$0x80];
	_ =	sdelay $0x1  }
0x55: {  	v2 =	vld [tilespmem:$0x90];
	_ =	sdelay $0x1  }
0x56: {  	v3 =	vld [tilespmem:$0xA0]  }
0x57: {  	v61 =	vshra.s32 v1, $0xE  }
0x58: {  	v62 =	vld [tilespmem:$0xB0];
	v1 =	vand.u32 $0x3FFF, v1;
	[tilespmem:$0x2880] =	vst v61  }
0x59: {  	[tilespmem:$0x2980] =	vst v1;
	v1 =	vshra.s32 v2, $0xE  }
0x5a: {  	[tilespmem:$0x2890] =	vst v1;
	v1 =	vand.u32 $0x3FFF, v2;
	v2 =	vld [tilespmem:$0xC0]  }
0x5b: {  	[tilespmem:$0x2990] =	vst v1;
	v1 =	vshra.s32 v3, $0xE  }
0x5c: {  	[tilespmem:$0x28A0] =	vst v1;
	v1 =	vand.u32 $0x3FFF, v3;
	v3 =	vld [tilespmem:$0xD0]  }
0x5d: {  	[tilespmem:$0x29A0] =	vst v1;
	v1 =	vshra.s32 v62, $0xE  }
0x5e: {  	v63 =	vld [tilespmem:$0xE0];
	[tilespmem:$0x28B0] =	vst v1;
	v1 =	vand.u32 $0x3FFF, v62  }
0x5f: {  	[tilespmem:$0x29B0] =	vst v1;
	v1 =	vshra.s32 v2, $0xE  }
0x60: {  	[tilespmem:$0x28C0] =	vst v1;
	v1 =	vand.u32 $0x3FFF, v2;
	v2 =	vld [tilespmem:$0xF0]  }
0x61: {  	[tilespmem:$0x29C0] =	vst v1;
	v1 =	vshra.s32 v3, $0xE  }
0x62: {  	[tilespmem:$0x28D0] =	vst v1;
	v1 =	vand.u32 $0x3FFF, v3  }
0x63: {  	[tilespmem:$0x29D0] =	vst v1;
	v1 =	vshra.s32 v63, $0xE  }
0x64: {  	[tilespmem:$0x28E0] =	vst v1;
	v1 =	vand.u32 $0x3FFF, v63  }
0x65: {  	[tilespmem:$0x29E0] =	vst v1;
	v1 =	vshra.s32 v2, $0xE  }
0x66: {  	[tilespmem:$0x28F0] =	vst v1;
	v1 =	vand.u32 $0x3FFF, v2  }
0x67: {  	[tilespmem:$0x29F0] =	vst v1  }
0x68: {  	[tilespmem:s22], [sflag:$0x2] =	stream.indirect.gather [hbm4b:s0+s19], $0x80, s21, s19, $0xb8;
	[tilespmem:$0x1EA00] =	vst v63  }
0x69: {  	_ =	swait.ge [sflag:s23], $0x4000  }
0x6a: {  	[sflag:s23] =	ssyncset.done $0x0  }
0x6b: {  	[sflag:s23] =	ssyncadd.s32 $0xFFFFC000  }
0x6c: {  	[spmem:s3] =	stream.indirect.scatter.add.f32 [tilespmem:s18], [sflag:$0x3], $0x80, s24, s19, $0xb8;
	[tilespmem:$0x1EA00] =	vst v63  }
0x6d: {  	_ =	swait.ge [sflag:s17], $0x4000  }
0x6e: {  	[sflag:s17] =	ssyncset.done $0x0  }
0x6f: {  	s29 =	simm.s32 $0x1F0;
	[sflag:s17] =	ssyncadd.s32 $0xFFFFC000  }
0x70: {  	v1 =	vld [tilespmem:s29+$0xFFFFFF10];
	_ =	sdelay $0x4  }
0x71: {  	v2 =	vshra.s32 v1, $0xE  }
0x72: {  	v1 =	vand.u32 $0x3FFF, v1;
	[tilespmem:$0x2800] =	vst v2  }
0x73: {  	[tilespmem:$0x2900] =	vst v1  }
0x74: {  	v1 =	vld [tilespmem:s29+$0xFFFFFF20];
	_ =	sdelay $0x4  }
0x75: {  	v2 =	vshra.s32 v1, $0xE  }
0x76: {  	v1 =	vand.u32 $0x3FFF, v1;
	[tilespmem:$0x2810] =	vst v2  }
0x77: {  	[tilespmem:$0x2910] =	vst v1  }
0x78: {  	v1 =	vld [tilespmem:s29+$0xFFFFFF30];
	_ =	sdelay $0x4  }
0x79: {  	v2 =	vshra.s32 v1, $0xE  }
0x7a: {  	v1 =	vand.u32 $0x3FFF, v1;
	[tilespmem:$0x2820] =	vst v2  }
0x7b: {  	[tilespmem:$0x2920] =	vst v1  }
0x7c: {  	v1 =	vld [tilespmem:s29+$0xFFFFFF40];
	_ =	sdelay $0x4  }
0x7d: {  	v2 =	vshra.s32 v1, $0xE  }
0x7e: {  	v1 =	vand.u32 $0x3FFF, v1;
	[tilespmem:$0x2830] =	vst v2  }
0x7f: {  	[tilespmem:$0x2930] =	vst v1  }
0x80: {  	v1 =	vld [tilespmem:s29+$0xFFFFFF50];
	_ =	sdelay $0x4  }
0x81: {  	v2 =	vshra.s32 v1, $0xE  }
0x82: {  	v1 =	vand.u32 $0x3FFF, v1;
	[tilespmem:$0x2840] =	vst v2  }
0x83: {  	[tilespmem:$0x2940] =	vst v1  }
0x84: {  	v1 =	vld [tilespmem:s29+$0xFFFFFF60];
	_ =	sdelay $0x4  }
0x85: {  	v2 =	vshra.s32 v1, $0xE  }
0x86: {  	v1 =	vand.u32 $0x3FFF, v1;
	[tilespmem:$0x2850] =	vst v2  }
0x87: {  	[tilespmem:$0x2950] =	vst v1  }
0x88: {  	v1 =	vld [tilespmem:s29+$0xFFFFFF70];
	_ =	sdelay $0x4  }
0x89: {  	v2 =	vshra.s32 v1, $0xE  }
0x8a: {  	v1 =	vand.u32 $0x3FFF, v1;
	[tilespmem:$0x2860] =	vst v2  }
0x8b: {  	[tilespmem:$0x2960] =	vst v1  }
0x8c: {  	v1 =	vld [tilespmem:s29+$0xFFFFFF80];
	_ =	sdelay $0x4  }
0x8d: {  	v2 =	vshra.s32 v1, $0xE  }
0x8e: {  	v1 =	vand.u32 $0x3FFF, v1;
	[tilespmem:$0x2870] =	vst v2  }
0x8f: {  	[tilespmem:$0x2970] =	vst v1  }
0x90: {  	[tilespmem:s18], [sflag:$0x1] =	stream.indirect.gather [hbm4b:s0+s19], $0x80, s20, s19, $0xb8;
	[tilespmem:$0x1EA00] =	vst v63  }
0x91: {  	_ =	swait.ge [sflag:s25], $0x4000  }
0x92: {  	[sflag:s25] =	ssyncset.done $0x0  }
0x93: {  	[sflag:s25] =	ssyncadd.s32 $0xFFFFC000  }
0x94: {  	[spmem:s3] =	stream.indirect.scatter.add.f32 [tilespmem:s22], [sflag:$0x3], $0x80, s26, s19, $0xb8;
	[tilespmem:$0x1EA00] =	vst v63  }
0x95: {  	_ =	swait.ge [sflag:s17], $0x4000  }
0x96: {  	[sflag:s17] =	ssyncset.done $0x0  }
0x97: {  	[sflag:s17] =	ssyncadd.s32 $0xFFFFC000  }
0x98: {  	v1 =	vld [tilespmem:s29+$0xFFFFFF90];
	_ =	sdelay $0x4  }
0x99: {  	v2 =	vshra.s32 v1, $0xE  }
0x9a: {  	v1 =	vand.u32 $0x3FFF, v1;
	[tilespmem:$0x2880] =	vst v2  }
0x9b: {  	[tilespmem:$0x2980] =	vst v1  }
0x9c: {  	v1 =	vld [tilespmem:s29+$0xFFFFFFA0];
	_ =	sdelay $0x4  }
0x9d: {  	v2 =	vshra.s32 v1, $0xE  }
0x9e: {  	v1 =	vand.u32 $0x3FFF, v1;
	[tilespmem:$0x2890] =	vst v2  }
0x9f: {  	[tilespmem:$0x2990] =	vst v1  }
0xa0: {  	v1 =	vld [tilespmem:s29+$0xFFFFFFB0];
	_ =	sdelay $0x4  }
0xa1: {  	v2 =	vshra.s32 v1, $0xE  }
0xa2: {  	v1 =	vand.u32 $0x3FFF, v1;
	[tilespmem:$0x28A0] =	vst v2  }
0xa3: {  	[tilespmem:$0x29A0] =	vst v1  }
0xa4: {  	v1 =	vld [tilespmem:s29+$0xFFFFFFC0];
	_ =	sdelay $0x4  }
0xa5: {  	v2 =	vshra.s32 v1, $0xE  }
0xa6: {  	v1 =	vand.u32 $0x3FFF, v1;
	[tilespmem:$0x28B0] =	vst v2  }
0xa7: {  	[tilespmem:$0x29B0] =	vst v1  }
0xa8: {  	v1 =	vld [tilespmem:s29+$0xFFFFFFD0];
	_ =	sdelay $0x4  }
0xa9: {  	v2 =	vshra.s32 v1, $0xE  }
0xaa: {  	v1 =	vand.u32 $0x3FFF, v1;
	[tilespmem:$0x28C0] =	vst v2  }
0xab: {  	[tilespmem:$0x29C0] =	vst v1  }
0xac: {  	v1 =	vld [tilespmem:s29+$0xFFFFFFE0];
	_ =	sdelay $0x4  }
0xad: {  	v2 =	vshra.s32 v1, $0xE  }
0xae: {  	v1 =	vand.u32 $0x3FFF, v1;
	[tilespmem:$0x28D0] =	vst v2  }
0xaf: {  	s30 =	simm.s32 $0xBC0;
	[tilespmem:$0x29D0] =	vst v1  }
.LBB2_4:
0xb0: {  	p0 =	sne.s32 s30, $0x9FC0;
	v1 =	vld [tilespmem:s29+$0xFFFFFFF0];
	s31 =	smov.u32 s30;
	s30 =	sadd.s32 $0x400, s30  }
0xb1: {  	_ =	sdelay $0x3  }
0xb2: {  	v2 =	vshra.s32 v1, $0xE;
	v1 =	vand.u32 $0x3FFF, v1  }
0xb3: {  	[tilespmem:$0x28E0] =	vst v2  }
0xb4: {  	[tilespmem:$0x29E0] =	vst v1  }
0xb5: {  	v1 =	vld [tilespmem:s29+$0x0];
	_ =	sdelay $0x4  }
0xb6: {  	v2 =	vshra.s32 v1, $0xE;
	v1 =	vand.u32 $0x3FFF, v1  }
0xb7: {  	[tilespmem:$0x28F0] =	vst v2  }
0xb8: {  	[tilespmem:$0x29F0] =	vst v1  }
0xb9: {  	[tilespmem:s22], [sflag:$0x2] =	stream.indirect.gather [hbm4b:s0+s19], $0x80, s21, s19, $0xb8;
	[tilespmem:$0x1EA00] =	vst v63  }
0xba: {  	_ =	swait.ge [sflag:s23], $0x4000  }
0xbb: {  	[sflag:s23] =	ssyncset.done $0x0  }
0xbc: {  	[sflag:s23] =	ssyncadd.s32 $0xFFFFC000  }
0xbd: {  	[spmem:s3] =	stream.indirect.scatter.add.f32 [tilespmem:s18], [sflag:$0x3], $0x80, s24, s19, $0xb8;
	[tilespmem:$0x1EA00] =	vst v63  }
0xbe: {  	_ =	swait.ge [sflag:s17], $0x4000  }
0xbf: {  	[sflag:s17] =	ssyncset.done $0x0  }
0xc0: {  	s29 =	sshra.s32 s31, $0x2;
	[sflag:s17] =	ssyncadd.s32 $0xFFFFC000  }
0xc1: {  	v1 =	vld [tilespmem:s29+$0xFFFFFF10];
	_ =	sdelay $0x4  }
0xc2: {  	v2 =	vshra.s32 v1, $0xE;
	v1 =	vand.u32 $0x3FFF, v1  }
0xc3: {  	[tilespmem:$0x2800] =	vst v2  }
0xc4: {  	[tilespmem:$0x2900] =	vst v1  }
0xc5: {  	v1 =	vld [tilespmem:s29+$0xFFFFFF20];
	_ =	sdelay $0x4  }
0xc6: {  	v2 =	vshra.s32 v1, $0xE;
	v1 =	vand.u32 $0x3FFF, v1  }
0xc7: {  	[tilespmem:$0x2810] =	vst v2  }
0xc8: {  	[tilespmem:$0x2910] =	vst v1  }
0xc9: {  	v1 =	vld [tilespmem:s29+$0xFFFFFF30];
	_ =	sdelay $0x4  }
0xca: {  	v2 =	vshra.s32 v1, $0xE;
	v1 =	vand.u32 $0x3FFF, v1  }
0xcb: {  	[tilespmem:$0x2820] =	vst v2  }
0xcc: {  	[tilespmem:$0x2920] =	vst v1  }
0xcd: {  	v1 =	vld [tilespmem:s29+$0xFFFFFF40];
	_ =	sdelay $0x4  }
0xce: {  	v2 =	vshra.s32 v1, $0xE;
	v1 =	vand.u32 $0x3FFF, v1  }
0xcf: {  	[tilespmem:$0x2830] =	vst v2  }
0xd0: {  	[tilespmem:$0x2930] =	vst v1  }
0xd1: {  	v1 =	vld [tilespmem:s29+$0xFFFFFF50];
	_ =	sdelay $0x4  }
0xd2: {  	v2 =	vshra.s32 v1, $0xE;
	v1 =	vand.u32 $0x3FFF, v1  }
0xd3: {  	[tilespmem:$0x2840] =	vst v2  }
0xd4: {  	[tilespmem:$0x2940] =	vst v1  }
0xd5: {  	v1 =	vld [tilespmem:s29+$0xFFFFFF60];
	_ =	sdelay $0x4  }
0xd6: {  	v2 =	vshra.s32 v1, $0xE;
	v1 =	vand.u32 $0x3FFF, v1  }
0xd7: {  	[tilespmem:$0x2850] =	vst v2  }
0xd8: {  	[tilespmem:$0x2950] =	vst v1  }
0xd9: {  	v1 =	vld [tilespmem:s29+$0xFFFFFF70];
	_ =	sdelay $0x4  }
0xda: {  	v2 =	vshra.s32 v1, $0xE;
	v1 =	vand.u32 $0x3FFF, v1  }
0xdb: {  	[tilespmem:$0x2860] =	vst v2  }
0xdc: {  	[tilespmem:$0x2960] =	vst v1  }
0xdd: {  	v1 =	vld [tilespmem:s29+$0xFFFFFF80];
	_ =	sdelay $0x4  }
0xde: {  	v2 =	vshra.s32 v1, $0xE;
	v1 =	vand.u32 $0x3FFF, v1  }
0xdf: {  	[tilespmem:$0x2870] =	vst v2  }
0xe0: {  	[tilespmem:$0x2970] =	vst v1  }
0xe1: {  	[tilespmem:s18], [sflag:$0x1] =	stream.indirect.gather [hbm4b:s0+s19], $0x80, s20, s19, $0xb8;
	[tilespmem:$0x1EA00] =	vst v63  }
0xe2: {  	_ =	swait.ge [sflag:s25], $0x4000  }
0xe3: {  	[sflag:s25] =	ssyncset.done $0x0  }
0xe4: {  	[sflag:s25] =	ssyncadd.s32 $0xFFFFC000  }
0xe5: {  	[spmem:s3] =	stream.indirect.scatter.add.f32 [tilespmem:s22], [sflag:$0x3], $0x80, s26, s19, $0xb8;
	[tilespmem:$0x1EA00] =	vst v63  }
0xe6: {  	_ =	swait.ge [sflag:s17], $0x4000  }
0xe7: {  	[sflag:s17] =	ssyncset.done $0x0  }
0xe8: {  	[sflag:s17] =	ssyncadd.s32 $0xFFFFC000  }
0xe9: {  	v1 =	vld [tilespmem:s29+$0xFFFFFF90];
	_ =	sdelay $0x4  }
0xea: {  	v2 =	vshra.s32 v1, $0xE;
	v1 =	vand.u32 $0x3FFF, v1  }
0xeb: {  	[tilespmem:$0x2880] =	vst v2  }
0xec: {  	[tilespmem:$0x2980] =	vst v1  }
0xed: {  	v1 =	vld [tilespmem:s29+$0xFFFFFFA0];
	_ =	sdelay $0x4  }
0xee: {  	v2 =	vshra.s32 v1, $0xE;
	v1 =	vand.u32 $0x3FFF, v1  }
0xef: {  	[tilespmem:$0x2890] =	vst v2  }
0xf0: {  	[tilespmem:$0x2990] =	vst v1  }
0xf1: {  	v1 =	vld [tilespmem:s29+$0xFFFFFFB0];
	_ =	sdelay $0x4  }
0xf2: {  	v2 =	vshra.s32 v1, $0xE;
	v1 =	vand.u32 $0x3FFF, v1  }
0xf3: {  	[tilespmem:$0x28A0] =	vst v2  }
0xf4: {  	[tilespmem:$0x29A0] =	vst v1  }
0xf5: {  	v1 =	vld [tilespmem:s29+$0xFFFFFFC0];
	_ =	sdelay $0x4  }
0xf6: {  	v2 =	vshra.s32 v1, $0xE;
	v1 =	vand.u32 $0x3FFF, v1  }
0xf7: {  	[tilespmem:$0x28B0] =	vst v2  }
0xf8: {  	[tilespmem:$0x29B0] =	vst v1  }
0xf9: {  	v1 =	vld [tilespmem:s29+$0xFFFFFFD0];
	_ =	sdelay $0x4  }
0xfa: {  	v2 =	vshra.s32 v1, $0xE;
	v1 =	vand.u32 $0x3FFF, v1  }
0xfb: {  	[tilespmem:$0x28C0] =	vst v2  }
0xfc: {  	[tilespmem:$0x29C0] =	vst v1  }
0xfd: {  	v1 =	vld [tilespmem:s29+$0xFFFFFFE0];
	_ =	sdelay $0x2  }
.Ltmp1:
0xfe: {  	(pc) =	sbr.rel @p0 .LBB2_4-.Ltmp1, $4  }
0xff: {  	_ = 	snop  }
0x100: {  	v2 =	vshra.s32 v1, $0xE;
	v1 =	vand.u32 $0x3FFF, v1  }
0x101: {  	[tilespmem:$0x28D0] =	vst v2  }
0x102: {  	[tilespmem:$0x29D0] =	vst v1  }
0x103: {  	v1 =	vld [tilespmem:s29+$0xFFFFFFF0];
	_ =	sdelay $0x4  }
0x104: {  	v2 =	vshra.s32 v1, $0xE  }
0x105: {  	v1 =	vand.u32 $0x3FFF, v1;
	[tilespmem:$0x28E0] =	vst v2  }
0x106: {  	[tilespmem:$0x29E0] =	vst v1  }
0x107: {  	v1 =	vld [tilespmem:s29+$0x0];
	_ =	sdelay $0x4  }
0x108: {  	v2 =	vshra.s32 v1, $0xE  }
0x109: {  	v1 =	vand.u32 $0x3FFF, v1;
	[tilespmem:$0x28F0] =	vst v2  }
0x10a: {  	[tilespmem:$0x29F0] =	vst v1  }
0x10b: {  	[tilespmem:s22], [sflag:$0x2] =	stream.indirect.gather [hbm4b:s0+s19], $0x80, s21, s19, $0xb8;
	[tilespmem:$0x1EA00] =	vst v63  }
0x10c: {  	_ =	swait.ge [sflag:s23], $0x4000  }
0x10d: {  	[sflag:s23] =	ssyncset.done $0x0  }
0x10e: {  	[sflag:s23] =	ssyncadd.s32 $0xFFFFC000  }
0x10f: {  	[spmem:s3] =	stream.indirect.scatter.add.f32 [tilespmem:s18], [sflag:$0x3], $0x80, s24, s19, $0xb8;
	[tilespmem:$0x1EA00] =	vst v63  }
0x110: {  	_ =	swait.ge [sflag:s17], $0x4000  }
0x111: {  	[sflag:s17] =	ssyncset.done $0x0  }
0x112: {  	[sflag:s17] =	ssyncadd.s32 $0xFFFFC000  }
0x113: {  	_ =	swait.ge [sflag:s25], $0x4000  }
0x114: {  	[sflag:s25] =	ssyncset.done $0x0  }
0x115: {  	[sflag:s25] =	ssyncadd.s32 $0xFFFFC000  }
0x116: {  	[spmem:s3] =	stream.indirect.scatter.add.f32 [tilespmem:s22], [sflag:$0x3], $0x80, s26, s19, $0xb8;
	[tilespmem:$0x1EA00] =	vst v63  }
0x117: {  	_ =	swait.ge [sflag:s17], $0x4000  }
0x118: {  	[sflag:s17] =	ssyncset.done $0x0  }
0x119: {  	s30 =	sshll.u32 s2, $0x6;
	[sflag:s17] =	ssyncadd.s32 $0xFFFFC000  }
0x11a: {  	s29 =	sor.u32 $0x1C03, s30;
	s30 =	sshrl.u32 s6, $0x3;
	[bflag:$0x0] =	sbarrier.arrive $0xFFFF  }
0x11b: {  	[hbm:s11], [sflag:s29] =	dma.local [spmem:s30], $0x800  }
0x11c: {  	_ =	swait.ge [sflag:s17], $0x800  }
0x11d: {  	[sflag:s17] =	ssyncset.done $0x0  }
0x11e: {  	s31 =	sshrl.u32 s7, $0x3;
	[sflag:s17] =	ssyncadd.s32 $0xFFFFF800  }
0x11f: {  	[hbm:s12], [sflag:s29] =	dma.local [spmem:s31], $0x800  }
0x120: {  	_ =	swait.ge [sflag:s17], $0x800  }
0x121: {  	[sflag:s17] =	ssyncset.done $0x0  }
0x122: {  	s31 =	sshrl.u32 s8, $0x3;
	[sflag:s17] =	ssyncadd.s32 $0xFFFFF800  }
0x123: {  	[hbm:s13], [sflag:s29] =	dma.local [spmem:s31], $0x800  }
0x124: {  	_ =	swait.ge [sflag:s17], $0x800  }
0x125: {  	[sflag:s17] =	ssyncset.done $0x0  }
0x126: {  	s31 =	sshrl.u32 s9, $0x3;
	[sflag:s17] =	ssyncadd.s32 $0xFFFFF800  }
0x127: {  	[hbm:s14], [sflag:s29] =	dma.local [spmem:s31], $0x800  }
0x128: {  	s28 =	sadd.s32 $0x1, s28;
	_ =	swait.ge [sflag:s17], $0x800  }
0x129: {  	p0 =	sne.s32 s28, s16;
	[sflag:s17] =	ssyncset.done $0x0  }
.Ltmp2:
0x12a: {  	s31 =	sshrl.u32 s10, $0x3;
	[sflag:s17] =	ssyncadd.s32 $0xFFFFF800;
	(pc) =	sbr.rel @p0 .LBB2_1-.Ltmp2, $4  }
0x12b: {  	[hbm:s15], [sflag:s29] =	dma.local [spmem:s31], $0x800  }
0x12c: {  	_ =	swait.ge [sflag:s17], $0x800  }
0x12d: {  	[sflag:s17] =	ssyncset.done $0x0  }
0x12e: {  	[sflag:s17] =	ssyncadd.s32 $0xFFFFF800  }
0x12f: {  	_ =	sfence.sel $0x180000  }
0x130: {  	[bflag:$0x0] =	sbarrier.arrive $0xFFFF  }
0x131: {  	p0 =	sne.s32 s2, $0x0;
	_ =	strace $0x90000047  }
0x132: {  	s0 =	sadd.s32 @!p0 $0x100000, s1;
	[bflag:$0x2] =	sbarrier.arrive $0xFFFF  }
0x133: {  	[sflag:s0] =	ssyncadd.tile.s32 @!p0 $0x1;
	_ =	shalt  }
.Lfunc_end2:
_tile_overlayer_lowered:
.L_overlay_start_2:
0x134: {  	(tag) =	ssettag $0x2  }
0x135: {  	s0 =	rddreg [dreg:$0x0];
	s2 =	stileid.u32  }
0x136: {  	s1 =	rddreg [dreg:$0x1];
	p0 =	sne.s32 s2, $0x0  }
0x137: {  	s3 =	rddreg [dreg:$0x2];
	[bflag:$0x3] =	sbarrier.arrive $0xFFFF;
	s2 =	simm.s32 @!p0 $0x1C03  }
0x138: {  	[timem:s3], [sflag:s2] =	dma.local @!p0 [hbm:s0], s1  }
0x139: {  	s0 =	simm.s32 @!p0 $0x3  }
0x13a: {  	_ =	swait.ge @!p0 [sflag:s0], s1  }
0x13b: {  	s1 =	ssub.s32 @!p0 $0x0, s1;
	[sflag:s0] =	ssyncset.done @!p0 $0x0  }
0x13c: {  	[sflag:s0] =	ssyncadd.s32 @!p0 s1  }
0x13d: {  	[bflag:$0x3] =	sbarrier.arrive $0xFFFF  }
0x13e: {  	_ =	shalt  }

// kernel: kernel.9.cloned.1.call-start
scs
__scs_entry_jumppad:
0x0: {  	(pc) =	sbr.rel $0x88, $3  }
0x1: {  	(tag) =	ssettag $0x0;
	lr =	simm.s32 $0x1  }
0x2: {  	[smem:$0x3F89] =	sst lr;
	_ =	strace $0xD0000000  }
0x3: {  	_ = 	snop  }
0x4: {  	_ = 	snop  }
0x5: {  	_ = 	snop  }
0x6: {  	_ = 	snop  }
0x7: {  	_ = 	snop  }
__scs_overlays_trampoline_lowered:
0x8: {  	[smem:$0x3F98] =	sst s0  }
0x9: {  	[smem:$0x3F99] =	sst s1  }
0xa: {  	[smem:$0x3F9A] =	sst s2  }
0xb: {  	[smem:$0x3F9B] =	sst s3  }
0xc: {  	[smem:$0x3F9C] =	sst s4  }
0xd: {  	[smem:$0x3F9D] =	sst s5  }
0xe: {  	[smem:$0x3F9E] =	sst s6  }
0xf: {  	[smem:$0x3F9F] =	sst s7  }
0x10: {  	[smem:$0x3FA0] =	sst s8  }
0x11: {  	[smem:$0x3FA1] =	sst s9;
	s0 =	simm.s32 @!p0 $0x0  }
0x12: {  	s1 =	sld [smem:$0x3F87];
	s0 =	simm.s32 @p0 $0x1  }
0x13: {  	[smem:$0x3FA2] =	sst s0;
	s0 =	simm.s32 @!p1 $0x0  }
0x14: {  	s2 =	sld [smem:$0x3F86];
	s0 =	simm.s32 @p1 $0x1  }
0x15: {  	[smem:$0x3FA3] =	sst s0;
	s0 =	simm.s32 @!p2 $0x0  }
0x16: {  	s3 =	sld [smem:$0x3FDB];
	s0 =	simm.s32 @p2 $0x1  }
0x17: {  	s4 =	simm.s32 $0x1BF5;
	[smem:$0x3FA5] =	sst s0  }
0x18: {  	s0 =	sld [smem:$0x3F88];
	_ =	swait.ge [sflag:s4], $0x0  }
0x19: {  	s7 =	sld [smem:$0x3F89]  }
0x1a: {  	s8 =	sadd.s32 $0xFFFFE003, lr  }
0x1b: {  	s9 =	sadd.s32 $0xFFFFFEF7, lr;
	s5 =	simm.s32 $0xFFFFFFFF;
	p2 =	slt.u32 s8, $0xFFFFF086  }
0x1c: {  	p1 =	slt.u32 s9, $0xF7A;
	s5 =	simm.s32 @!p2 $0x0  }
0x1d: {  	s5 =	simm.s32 @p1 $0x1;
	p0 =	seq.s32 s7, s2  }
0x1e: {  	s7 =	smul.u32 @!p0 $0xF7A, s2;
	p2 =	seq.s32 @!p0 s5, $0x0  }
0x1f: {  	s9 =	smul.u32 $0xF7A, s1;
	s8 =	simm.s32 @!p0 $0x1BF5;
	p2 =	por !p2, p0  }
0x20: {  	[sflag:s8] =	ssyncset.s32 @!p0 $0xFFFFF086;
	s6 =	sadd.s32 @!p0 s3, s7;
	s7 =	simm.s32 @!p0 $0x108  }
0x21: {  	s3 =	sadd.s32 s3, s9;
	s6 =	sadd.s32 @!p0 $0x88, s6;
	s7 =	simm.s32 @p2 $0x1082  }
0x22: {  	[simem:s7], [sflag:s8] =	dma.local @!p0 [hbm:s6], $0xF7A  }
0x23: {  	s9 =	sor.u32 $0xD0000000, s2;
	s6 =	simm.s32 $0x108;
	_ =	swait.ge @!p0 [sflag:s8], $0x0  }
0x24: {  	s3 =	sadd.s32 $0x88, s3;
	s6 =	simm.s32 @!p1 $0x1082;
	[sflag:s4] =	ssyncset.s32 $0xFFFFF086  }
0x25: {  	[simem:s6], [sflag:s4] =	dma.local [hbm:s3], $0xF7A  }
0x26: {  	[smem:$0x3F89] =	sst s1;
	(tag) =	ssettag s2;
	_ =	strace s9  }
0x27: {  	s1 =	sld [smem:$0x3F99]  }
0x28: {  	s2 =	sld [smem:$0x3F9A]  }
0x29: {  	s4 =	sld [smem:$0x3F9C]  }
0x2a: {  	p0 =	seq.s32 s5, $0x0;
	s5 =	sld [smem:$0x3F9D]  }
0x2b: {  	s6 =	sld [smem:$0x3F9E]  }
0x2c: {  	s7 =	sld [smem:$0x3F9F]  }
0x2d: {  	s3 =	simm.s32 $0x108;
	s8 =	sld [smem:$0x3FA0]  }
0x2e: {  	s3 =	simm.s32 @!p0 $0x1082;
	s9 =	sld [smem:$0x3FA1]  }
0x2f: {  	lr =	sadd.s32 s0, s3;
	s0 =	sld [smem:$0x3F98]  }
0x30: {  	s3 =	sld [smem:$0x3F9B]  }
0x31: {  	[smem:$0x3FA4] =	sst s10  }
0x32: {  	s10 =	sld [smem:$0x3FA2];
	_ =	sdelay $0x3  }
0x33: {  	p0 =	seq.s32 s10, $0x1;
	s10 =	sld [smem:$0x3FA4];
	_ =	sdelay $0x3  }
0x34: {  	[smem:$0x3FA4] =	sst s10  }
0x35: {  	s10 =	sld [smem:$0x3FA3];
	_ =	sdelay $0x3  }
0x36: {  	p1 =	seq.s32 s10, $0x1;
	s10 =	sld [smem:$0x3FA4];
	_ =	sdelay $0x3  }
0x37: {  	[smem:$0x3FA4] =	sst s10  }
0x38: {  	s10 =	sld [smem:$0x3FA5]  }
0x39: {  	_ = 	snop;
	(pc) =	sbr.ind lr, $3  }
0x3a: {  	_ = 	snop  }
0x3b: {  	_ = 	snop  }
0x3c: {  	p2 =	seq.s32 s10, $0x1;
	s10 =	sld [smem:$0x3FA4]  }
0x3d: {  	_ =	shalt  }
0x3e: {  	_ =	shalt  }
0x3f: {  	_ =	shalt  }
0x40: {  	_ =	shalt  }
0x41: {  	_ =	shalt  }
0x42: {  	_ =	shalt  }
0x43: {  	_ =	shalt  }
0x44: {  	_ =	shalt  }
0x45: {  	_ =	shalt  }
0x46: {  	_ =	shalt  }
0x47: {  	_ =	shalt  }
0x48: {  	_ =	shalt  }
0x49: {  	_ =	shalt  }
0x4a: {  	_ =	shalt  }
0x4b: {  	_ =	shalt  }
0x4c: {  	_ =	shalt  }
0x4d: {  	_ =	shalt  }
0x4e: {  	_ =	shalt  }
0x4f: {  	_ =	shalt  }
0x50: {  	_ =	shalt  }
0x51: {  	_ =	shalt  }
0x52: {  	_ =	shalt  }
0x53: {  	_ =	shalt  }
0x54: {  	_ =	shalt  }
0x55: {  	_ =	shalt  }
0x56: {  	_ =	shalt  }
0x57: {  	_ =	shalt  }
0x58: {  	_ =	shalt  }
0x59: {  	_ =	shalt  }
0x5a: {  	_ =	shalt  }
0x5b: {  	_ =	shalt  }
0x5c: {  	_ =	shalt  }
0x5d: {  	_ =	shalt  }
0x5e: {  	_ =	shalt  }
0x5f: {  	_ =	shalt  }
0x60: {  	_ =	shalt  }
0x61: {  	_ =	shalt  }
0x62: {  	_ =	shalt  }
0x63: {  	_ =	shalt  }
0x64: {  	_ =	shalt  }
0x65: {  	_ =	shalt  }
0x66: {  	_ =	shalt  }
0x67: {  	_ =	shalt  }
0x68: {  	_ =	shalt  }
0x69: {  	_ =	shalt  }
0x6a: {  	_ =	shalt  }
0x6b: {  	_ =	shalt  }
0x6c: {  	_ =	shalt  }
0x6d: {  	_ =	shalt  }
0x6e: {  	_ =	shalt  }
0x6f: {  	_ =	shalt  }
0x70: {  	_ =	shalt  }
0x71: {  	_ =	shalt  }
0x72: {  	_ =	shalt  }
0x73: {  	_ =	shalt  }
0x74: {  	_ =	shalt  }
0x75: {  	_ =	shalt  }
0x76: {  	_ =	shalt  }
0x77: {  	_ =	shalt  }
0x78: {  	_ =	shalt  }
0x79: {  	_ =	shalt  }
0x7a: {  	_ =	shalt  }
0x7b: {  	_ =	shalt  }
0x7c: {  	_ =	shalt  }
0x7d: {  	_ =	shalt  }
0x7e: {  	_ =	shalt  }
0x7f: {  	_ =	shalt  }
0x80: {  	_ =	shalt  }
0x81: {  	_ =	shalt  }
0x82: {  	_ =	shalt  }
0x83: {  	_ =	shalt  }
0x84: {  	_ =	shalt  }
0x85: {  	_ =	shalt  }
0x86: {  	_ =	shalt  }
0x87: {  	_ =	shalt  }
.Lfunc_end0:
.L_simem_size_0:
called_computation.1_lowered:
.L_overlay_start_0:
0x88: {  	s2 =	sld [smem:$0x3FD9]  }
0x89: {  	s3 =	sld [smem:$0x3FFE];
	_ =	sdelay $0x1  }
0x8a: {  	s1 =	srdreg.scid  }
0x8b: {  	s0 =	sand.u32 $0x1, s1  }
0x8c: {  	s16 =	sshll.u32 s0, $0xA;
	s2 =	sadd.s32 s3, s2  }
0x8d: {  	s2 =	sadd.s32 s2, s16  }
0x8e: {  	[smem:$0x3FB0] =	sst s2  }
0x8f: {  	_ = 	snop  }
0x90: {  	(tm) =	ssettm $0x1  }
0x91: {  	s17 =	sld [smem:$0x3FFB];
	_ =	sdelay $0x3  }
0x92: {  	_ =	strace s17  }
0x93: {  	s2 =	sld [smem:$0x3FFC];
	_ =	sdelay $0x3  }
0x94: {  	_ =	strace s2  }
0x95: {  	s2 =	sld [smem:$0x3FFD];
	_ =	sdelay $0x3  }
0x96: {  	_ =	strace s2  }
0x97: {  	_ =	strace $0x8FFFFFFF  }
0x98: {  	s18 =	sld [smem:$0x3FDB];
	_ =	sdelay $0x1  }
0x99: {  	s19 =	simm.s32 $_scs_section_size  }
0x9a: {  	s4 =	simm.s32 $_size__tile_overlayer_lowered;
	s5 =	simm.s32 $_tile_overlayer_lowered  }
0x9b: {  	s22 =	simm.s32 $0x1BFF;
	s21 =	sshll.u32 s5, $0x1;
	s2 =	sadd.s32 s19, s18  }
0x9c: {  	s6 =	simm.s32 $0x0;
	s20 =	sshll.u32 s4, $0x1;
	s4 =	sadd.s32 s21, s2  }
0x9d: {  	[timem:s6], [sflag:s22] =	dma.local [hbm:s4], s20  }
0x9e: {  	_ =	swait.ge [sflag:s22], s20  }
0x9f: {  	s3 =	ssub.s32 $0x0, s20;
	[sflag:s22] =	ssyncset.done $0x0  }
0xa0: {  	[sflag:s22] =	ssyncadd.s32 s3;
	_ =	sdelay $0x1  }
0xa1: {  	s23 =	simm.s32 $0x1B8B  }
0xa2: {  	_ =	swait.ge [sflag:s23], $0x1  }
0xa3: {  	[sflag:s23] =	ssyncset.done $0x0  }
0xa4: {  	s25 =	simm.s32 $0x1B8E;
	s24 =	sld [smem:$0x3FFE];
	[sflag:s23] =	ssyncadd.s32 $0xFFFFFFFF  }
0xa5: {  	s26 =	simm.s32 $execute0_lowered;
	[smem:$0x3FD2] =	sst s25  }
0xa6: {  	s4 =	sshll.u32 s26, $0x1;
	_ =	strace $0x80000049;
	[dreg:$0x1] =	wrdreg $0xFFFFFFFF  }
0xa7: {  	s28 =	simm.s32 $_size_execute0_lowered;
	s2 =	sadd.s32 s2, s4;
	[dreg:$0x0] =	wrdreg $0x0  }
0xa8: {  	s4 =	sshll.u32 s28, $0x1;
	[dreg:$0x2] =	wrdreg s2  }
0xa9: {  	[dreg:$0x3] =	wrdreg s4  }
0xaa: {  	[dreg:$0x4] =	wrdreg $0xC0  }
0xab: {  	_ =	task [dreg:s6], $0x5FFFF  }
0xac: {  	[dreg:$0x1] =	wrdreg $0xFFFFFFFF  }
0xad: {  	[dreg:$0x0] =	wrdreg $0x60  }
0xae: {  	[dreg:$0x2] =	wrdreg s24  }
0xaf: {  	[dreg:$0x3] =	wrdreg $0xAA000  }
0xb0: {  	[dreg:$0x4] =	wrdreg $0x9  }
0xb1: {  	_ =	task.clear_ibuf [dreg:s6], $0x5FFFF;
	_ =	strace $0x90000049  }
0xb2: {  	s29 =	simm.s32 $0x9;
	_ =	strace $0x8000004B  }
0xb3: {  	_ =	swait.ge [sflag:s29], $0x1  }
0xb4: {  	[sflag:s29] =	ssyncadd.s32 $0xFFFFFFFF  }
0xb5: {  	_ =	strace $0x9000004B  }
0xb6: {  	_ =	sfence  }
0xb7: {  	s30 =	sld [smem:$0x0];
	_ =	sdelay $0x2  }
0xb8: {  	s31 =	sshll.u32 s1, $0xD;
	s1 =	sshrl.u32 s1, $0x2  }
0xb9: {  	s3 =	sand.u32 $0x4000, s31;
	s1 =	sadd.s32 s1, s30  }
0xba: {  	s0 =	sor.u32 s3, s0;
	s1 =	sshll.u32 s1, $0x11  }
0xbb: {  	s0 =	sor.u32 s1, s0  }
0xbc: {  	s0 =	sadd.s32 $0x8F2B, s0  }
0xbd: {  	[sflag:s0] =	ssyncadd.remote.s32 $0x1  }
0xbe: {  	_ =	sfence.sel $0xFFFF  }
0xbf: {  	[dreg:$0x0] =	wrdreg $0xFFFFFFFF;
	(pc) =	sbr.abs _section_cstart, $3  }
0xc0: {  	[dreg:$0x1] =	wrdreg $0xFFFFFFFF  }
0xc1: {  	_ =	task.clear_ibuf [dreg:s6], $0x2FFFF;
	_ =	strace $0x9FFFFFFF  }
0xc2: {  	(tm) =	ssettm $0x7FFFFFFF  }
0xc3: {  	_ =	shalt  }
tec
execute0_lowered:
.L_overlay_start_1:
0x0: {  	(tag) =	ssettag $0x1  }
0x1: {  	s0 =	srdreg.scid;
	s5 =	rddreg [dreg:$0x0]  }
0x2: {  	s2 =	rddreg [dreg:$0x1];
	s1 =	stileid.u32;
	s3 =	simm.s32 $0x0  }
0x3: {  	s20 =	simm.s32 $0x2800;
	s21 =	simm.s32 $0x2880;
	s22 =	simm.s32 $0x6A00  }
0x4: {  	s23 =	simm.s32 $0x1;
	s24 =	simm.s32 $0x2900;
	s25 =	simm.s32 $0x2  }
0x5: {  	s26 =	simm.s32 $0x2980;
	s7 =	sand.u32 $0x1, s0;
	s0 =	rddreg [dreg:$0x2]  }
0x6: {  	s28 =	simm.s32 $0x0;
	[smem:$0x7FF] =	sst s3;
	s8 =	smul.u32 $0x50000, s1  }
0x7: {  	s15 =	sadd.s32 $0x34E00, s5;
	s10 =	smul.u32 $0x14000, s1;
	s4 =	sshll.u32 s7, $0x4  }
0x8: {  	_ =	strace $0x8000004A;
	s31 =	ssub.s32 $0x2, s7;
	s14 =	smul.u32 $0x140000, s7  }
0x9: {  	s4 =	sor.u32 s1, s4;
	s9 =	sshrl.u32 s31, $0x1;
	s8 =	sshrl.u32 s8, $0x2  }
0xa: {  	s11 =	sadd.s32 $0x4000, s10;
	s13 =	sadd.s32 $0x8000, s10;
	s17 =	sadd.s32 $0xC000, s10  }
0xb: {  	s18 =	sadd.s32 $0x10000, s10;
	s6 =	smul.u32 $0x500, s4;
	s4 =	sadd.s32 $0xDC00, s5  }
0xc: {  	s16 =	ssub.s32 s31, s9;
	s7 =	sadd.s32 s11, s2;
	s9 =	sadd.s32 s17, s2  }
0xd: {  	s12 =	sadd.s32 s10, s14;
	s11 =	sadd.s32 s14, s11;
	s10 =	sadd.s32 s18, s2  }
0xe: {  	s17 =	sadd.s32 s14, s17;
	s12 =	sshrl.u32 s12, $0x3;
	s19 =	sshrl.u32 s11, $0x3  }
0xf: {  	s17 =	sshrl.u32 s17, $0x3;
	s16 =	smax.u32 s16, $0x1;
	s6 =	sadd.s32 s6, s5  }
0x10: {  	s11 =	sadd.s32 s15, s12;
	s12 =	sadd.s32 s15, s19;
	s5 =	sadd.s32 $0x3C00, s6  }
0x11: {  	s6 =	sadd.s32 s8, s2;
	s8 =	sadd.s32 s13, s2;
	s13 =	sadd.s32 s14, s13  }
0x12: {  	s19 =	simm.s32 $0x80;
	s14 =	sadd.s32 s14, s18;
	s13 =	sshrl.u32 s13, $0x3  }
0x13: {  	s18 =	sshrl.u32 s14, $0x3;
	s14 =	sadd.s32 s15, s17;
	s17 =	simm.s32 $0x3  }
0x14: {  	v0 =	vimm.f32 $0.0e+00;
	s13 =	sadd.s32 s15, s13;
	s15 =	sadd.s32 s15, s18;
	s18 =	simm.s32 $0x2A00  }
.LBB2_1:
0x15: {  	[tilespmem:s3], [sflag:$0x3] =	stream.linear.gather [hbm4b:s5+s3], $0x2800, $0x38;
	[tilespmem:$0x1EA00] =	vst v63  }
0x16: {  	_ =	swait.ge [sflag:s17], $0x2800  }
0x17: {  	[sflag:s17] =	ssyncset.done $0x0  }
0x18: {  	s29 =	simm.s32 $0x0;
	s30 =	simm.s32 $0x200;
	[sflag:s17] =	ssyncadd.s32 $0xFFFFD800  }
.LBB2_2:
0x19: {  	p0 =	sne.s32 s30, $0xFE00;
	[tilespmem:s29+$0x2A70] =	vst v0  }
0x1a: {  	[tilespmem:s29+$0x2A00] =	vst v0  }
0x1b: {  	[tilespmem:s29+$0x2A10] =	vst v0  }
.Ltmp0:
0x1c: {  	[tilespmem:s29+$0x2A20] =	vst v0;
	(pc) =	sbr.rel @p0 .LBB2_2-.Ltmp0, $4  }
0x1d: {  	[tilespmem:s29+$0x2A30] =	vst v0  }
0x1e: {  	[tilespmem:s29+$0x2A40] =	vst v0  }
0x1f: {  	[tilespmem:s29+$0x2A50] =	vst v0  }
0x20: {  	[tilespmem:s29+$0x2A60] =	vst v0;
	s29 =	sshra.s32 s30, $0x2;
	s30 =	sadd.s32 $0x200, s30  }
0x21: {  	[tilespmem:s29+$0x2A70] =	vst v0  }
0x22: {  	[tilespmem:s29+$0x2A00] =	vst v0  }
0x23: {  	[tilespmem:s29+$0x2A10] =	vst v0  }
0x24: {  	[tilespmem:s29+$0x2A20] =	vst v0  }
0x25: {  	[tilespmem:s29+$0x2A30] =	vst v0  }
0x26: {  	[tilespmem:s29+$0x2A40] =	vst v0  }
0x27: {  	[tilespmem:s29+$0x2A50] =	vst v0  }
0x28: {  	[tilespmem:s29+$0x2A60] =	vst v0  }
0x29: {  	[spmem:s6] =	stream.linear.scatter [tilespmem:s18], [sflag:$0x3], $0x4000, $0x38;
	[tilespmem:$0x1EA00] =	vst v63  }
0x2a: {  	_ =	swait.ge [sflag:s17], $0x4000  }
0x2b: {  	[sflag:s17] =	ssyncset.done $0x0  }
0x2c: {  	[sflag:s17] =	ssyncadd.s32 $0xFFFFC000  }
0x2d: {  	[spmem:s7] =	stream.linear.scatter [tilespmem:s18], [sflag:$0x3], $0x4000, $0x38;
	[tilespmem:$0x1EA00] =	vst v63  }
0x2e: {  	_ =	swait.ge [sflag:s17], $0x4000  }
0x2f: {  	[sflag:s17] =	ssyncset.done $0x0  }
0x30: {  	[sflag:s17] =	ssyncadd.s32 $0xFFFFC000  }
0x31: {  	[spmem:s8] =	stream.linear.scatter [tilespmem:s18], [sflag:$0x3], $0x4000, $0x38;
	[tilespmem:$0x1EA00] =	vst v63  }
0x32: {  	_ =	swait.ge [sflag:s17], $0x4000  }
0x33: {  	[sflag:s17] =	ssyncset.done $0x0  }
0x34: {  	[sflag:s17] =	ssyncadd.s32 $0xFFFFC000  }
0x35: {  	[spmem:s9] =	stream.linear.scatter [tilespmem:s18], [sflag:$0x3], $0x4000, $0x38;
	[tilespmem:$0x1EA00] =	vst v63  }
0x36: {  	_ =	swait.ge [sflag:s17], $0x4000  }
0x37: {  	[sflag:s17] =	ssyncset.done $0x0  }
0x38: {  	[sflag:s17] =	ssyncadd.s32 $0xFFFFC000  }
0x39: {  	[spmem:s10] =	stream.linear.scatter [tilespmem:s18], [sflag:$0x3], $0x4000, $0x38;
	[tilespmem:$0x1EA00] =	vst v63  }
0x3a: {  	_ =	swait.ge [sflag:s17], $0x4000  }
0x3b: {  	[sflag:s17] =	ssyncset.done $0x0  }
0x3c: {  	[sflag:s17] =	ssyncadd.s32 $0xFFFFC000  }
0x3d: {  	[bflag:$0x0] =	sbarrier.arrive $0xFFFF  }
0x3e: {  	v1 =	vld [tilespmem:$0x0];
	_ =	sdelay $0x1  }
0x3f: {  	v2 =	vld [tilespmem:$0x10];
	_ =	sdelay $0x1  }
0x40: {  	v3 =	vld [tilespmem:$0x20]  }
0x41: {  	v4 =	vshra.s32 v1, $0xE  }
0x42: {  	v59 =	vld [tilespmem:$0x30];
	v1 =	vand.u32 $0x3FFF, v1;
	[tilespmem:$0x2800] =	vst v4  }
0x43: {  	[tilespmem:$0x2900] =	vst v1;
	v1 =	vshra.s32 v2, $0xE  }
0x44: {  	[tilespmem:$0x2810] =	vst v1;
	v1 =	vand.u32 $0x3FFF, v2;
	v2 =	vld [tilespmem:$0x40]  }
0x45: {  	[tilespmem:$0x2910] =	vst v1;
	v1 =	vshra.s32 v3, $0xE  }
0x46: {  	[tilespmem:$0x2820] =	vst v1;
	v1 =	vand.u32 $0x3FFF, v3;
	v3 =	vld [tilespmem:$0x50]  }
0x47: {  	[tilespmem:$0x2920] =	vst v1;
	v1 =	vshra.s32 v59, $0xE  }
0x48: {  	v60 =	vld [tilespmem:$0x60];
	[tilespmem:$0x2830] =	vst v1;
	v1 =	vand.u32 $0x3FFF, v59  }
0x49: {  	[tilespmem:$0x2930] =	vst v1;
	v1 =	vshra.s32 v2, $0xE  }
0x4a: {  	[tilespmem:$0x2840] =	vst v1;
	v1 =	vand.u32 $0x3FFF, v2;
	v2 =	vld [tilespmem:$0x70]  }
0x4b: {  	[tilespmem:$0x2940] =	vst v1;
	v1 =	vshra.s32 v3, $0xE  }
0x4c: {  	[tilespmem:$0x2850] =	vst v1;
	v1 =	vand.u32 $0x3FFF, v3  }
0x4d: {  	[tilespmem:$0x2950] =	vst v1;
	v1 =	vshra.s32 v60, $0xE  }
0x4e: {  	[tilespmem:$0x2860] =	vst v1;
	v1 =	vand.u32 $0x3FFF, v60  }
0x4f: {  	[tilespmem:$0x2960] =	vst v1;
	v1 =	vshra.s32 v2, $0xE  }
0x50: {  	[tilespmem:$0x2870] =	vst v1;
	v1 =	vand.u32 $0x3FFF, v2  }
0x51: {  	[tilespmem:$0x2970] =	vst v1  }
0x52: {  	[tilespmem:s18], [sflag:$0x1] =	stream.indirect.gather [hbm4b:s4+s19], $0x80, s20, s19, $0xb8;
	[tilespmem:$0x1EA00] =	vst v63  }
0x53: {  	v1 =	vld [tilespmem:$0x80];
	_ =	sdelay $0x1  }
0x54: {  	v2 =	vld [tilespmem:$0x90];
	_ =	sdelay $0x1  }
0x55: {  	v3 =	vld [tilespmem:$0xA0]  }
0x56: {  	v61 =	vshra.s32 v1, $0xE  }
0x57: {  	v62 =	vld [tilespmem:$0xB0];
	v1 =	vand.u32 $0x3FFF, v1;
	[tilespmem:$0x2880] =	vst v61  }
0x58: {  	[tilespmem:$0x2980] =	vst v1;
	v1 =	vshra.s32 v2, $0xE  }
0x59: {  	[tilespmem:$0x2890] =	vst v1;
	v1 =	vand.u32 $0x3FFF, v2;
	v2 =	vld [tilespmem:$0xC0]  }
0x5a: {  	[tilespmem:$0x2990] =	vst v1;
	v1 =	vshra.s32 v3, $0xE  }
0x5b: {  	[tilespmem:$0x28A0] =	vst v1;
	v1 =	vand.u32 $0x3FFF, v3;
	v3 =	vld [tilespmem:$0xD0]  }
0x5c: {  	[tilespmem:$0x29A0] =	vst v1;
	v1 =	vshra.s32 v62, $0xE  }
0x5d: {  	v63 =	vld [tilespmem:$0xE0];
	[tilespmem:$0x28B0] =	vst v1;
	v1 =	vand.u32 $0x3FFF, v62  }
0x5e: {  	[tilespmem:$0x29B0] =	vst v1;
	v1 =	vshra.s32 v2, $0xE  }
0x5f: {  	[tilespmem:$0x28C0] =	vst v1;
	v1 =	vand.u32 $0x3FFF, v2;
	v2 =	vld [tilespmem:$0xF0]  }
0x60: {  	[tilespmem:$0x29C0] =	vst v1;
	v1 =	vshra.s32 v3, $0xE  }
0x61: {  	[tilespmem:$0x28D0] =	vst v1;
	v1 =	vand.u32 $0x3FFF, v3  }
0x62: {  	[tilespmem:$0x29D0] =	vst v1;
	v1 =	vshra.s32 v63, $0xE  }
0x63: {  	[tilespmem:$0x28E0] =	vst v1;
	v1 =	vand.u32 $0x3FFF, v63  }
0x64: {  	[tilespmem:$0x29E0] =	vst v1;
	v1 =	vshra.s32 v2, $0xE  }
0x65: {  	[tilespmem:$0x28F0] =	vst v1;
	v1 =	vand.u32 $0x3FFF, v2  }
0x66: {  	[tilespmem:$0x29F0] =	vst v1  }
0x67: {  	[tilespmem:s22], [sflag:$0x2] =	stream.indirect.gather [hbm4b:s4+s19], $0x80, s21, s19, $0xb8;
	[tilespmem:$0x1EA00] =	vst v63  }
0x68: {  	_ =	swait.ge [sflag:s23], $0x4000  }
0x69: {  	[sflag:s23] =	ssyncset.done $0x0  }
0x6a: {  	[sflag:s23] =	ssyncadd.s32 $0xFFFFC000  }
0x6b: {  	[spmem:s2] =	stream.indirect.scatter.add.f32 [tilespmem:s18], [sflag:$0x3], $0x80, s24, s19, $0xb8;
	[tilespmem:$0x1EA00] =	vst v63  }
0x6c: {  	_ =	swait.ge [sflag:s17], $0x4000  }
0x6d: {  	[sflag:s17] =	ssyncset.done $0x0  }
0x6e: {  	s29 =	simm.s32 $0x1F0;
	[sflag:s17] =	ssyncadd.s32 $0xFFFFC000  }
0x6f: {  	v1 =	vld [tilespmem:s29+$0xFFFFFF10];
	_ =	sdelay $0x4  }
0x70: {  	v2 =	vshra.s32 v1, $0xE  }
0x71: {  	v1 =	vand.u32 $0x3FFF, v1;
	[tilespmem:$0x2800] =	vst v2  }
0x72: {  	[tilespmem:$0x2900] =	vst v1  }
0x73: {  	v1 =	vld [tilespmem:s29+$0xFFFFFF20];
	_ =	sdelay $0x4  }
0x74: {  	v2 =	vshra.s32 v1, $0xE  }
0x75: {  	v1 =	vand.u32 $0x3FFF, v1;
	[tilespmem:$0x2810] =	vst v2  }
0x76: {  	[tilespmem:$0x2910] =	vst v1  }
0x77: {  	v1 =	vld [tilespmem:s29+$0xFFFFFF30];
	_ =	sdelay $0x4  }
0x78: {  	v2 =	vshra.s32 v1, $0xE  }
0x79: {  	v1 =	vand.u32 $0x3FFF, v1;
	[tilespmem:$0x2820] =	vst v2  }
0x7a: {  	[tilespmem:$0x2920] =	vst v1  }
0x7b: {  	v1 =	vld [tilespmem:s29+$0xFFFFFF40];
	_ =	sdelay $0x4  }
0x7c: {  	v2 =	vshra.s32 v1, $0xE  }
0x7d: {  	v1 =	vand.u32 $0x3FFF, v1;
	[tilespmem:$0x2830] =	vst v2  }
0x7e: {  	[tilespmem:$0x2930] =	vst v1  }
0x7f: {  	v1 =	vld [tilespmem:s29+$0xFFFFFF50];
	_ =	sdelay $0x4  }
0x80: {  	v2 =	vshra.s32 v1, $0xE  }
0x81: {  	v1 =	vand.u32 $0x3FFF, v1;
	[tilespmem:$0x2840] =	vst v2  }
0x82: {  	[tilespmem:$0x2940] =	vst v1  }
0x83: {  	v1 =	vld [tilespmem:s29+$0xFFFFFF60];
	_ =	sdelay $0x4  }
0x84: {  	v2 =	vshra.s32 v1, $0xE  }
0x85: {  	v1 =	vand.u32 $0x3FFF, v1;
	[tilespmem:$0x2850] =	vst v2  }
0x86: {  	[tilespmem:$0x2950] =	vst v1  }
0x87: {  	v1 =	vld [tilespmem:s29+$0xFFFFFF70];
	_ =	sdelay $0x4  }
0x88: {  	v2 =	vshra.s32 v1, $0xE  }
0x89: {  	v1 =	vand.u32 $0x3FFF, v1;
	[tilespmem:$0x2860] =	vst v2  }
0x8a: {  	[tilespmem:$0x2960] =	vst v1  }
0x8b: {  	v1 =	vld [tilespmem:s29+$0xFFFFFF80];
	_ =	sdelay $0x4  }
0x8c: {  	v2 =	vshra.s32 v1, $0xE  }
0x8d: {  	v1 =	vand.u32 $0x3FFF, v1;
	[tilespmem:$0x2870] =	vst v2  }
0x8e: {  	[tilespmem:$0x2970] =	vst v1  }
0x8f: {  	[tilespmem:s18], [sflag:$0x1] =	stream.indirect.gather [hbm4b:s4+s19], $0x80, s20, s19, $0xb8;
	[tilespmem:$0x1EA00] =	vst v63  }
0x90: {  	_ =	swait.ge [sflag:s25], $0x4000  }
0x91: {  	[sflag:s25] =	ssyncset.done $0x0  }
0x92: {  	[sflag:s25] =	ssyncadd.s32 $0xFFFFC000  }
0x93: {  	[spmem:s2] =	stream.indirect.scatter.add.f32 [tilespmem:s22], [sflag:$0x3], $0x80, s26, s19, $0xb8;
	[tilespmem:$0x1EA00] =	vst v63  }
0x94: {  	_ =	swait.ge [sflag:s17], $0x4000  }
0x95: {  	[sflag:s17] =	ssyncset.done $0x0  }
0x96: {  	[sflag:s17] =	ssyncadd.s32 $0xFFFFC000  }
0x97: {  	v1 =	vld [tilespmem:s29+$0xFFFFFF90];
	_ =	sdelay $0x4  }
0x98: {  	v2 =	vshra.s32 v1, $0xE  }
0x99: {  	v1 =	vand.u32 $0x3FFF, v1;
	[tilespmem:$0x2880] =	vst v2  }
0x9a: {  	[tilespmem:$0x2980] =	vst v1  }
0x9b: {  	v1 =	vld [tilespmem:s29+$0xFFFFFFA0];
	_ =	sdelay $0x4  }
0x9c: {  	v2 =	vshra.s32 v1, $0xE  }
0x9d: {  	v1 =	vand.u32 $0x3FFF, v1;
	[tilespmem:$0x2890] =	vst v2  }
0x9e: {  	[tilespmem:$0x2990] =	vst v1  }
0x9f: {  	v1 =	vld [tilespmem:s29+$0xFFFFFFB0];
	_ =	sdelay $0x4  }
0xa0: {  	v2 =	vshra.s32 v1, $0xE  }
0xa1: {  	v1 =	vand.u32 $0x3FFF, v1;
	[tilespmem:$0x28A0] =	vst v2  }
0xa2: {  	[tilespmem:$0x29A0] =	vst v1  }
0xa3: {  	v1 =	vld [tilespmem:s29+$0xFFFFFFC0];
	_ =	sdelay $0x4  }
0xa4: {  	v2 =	vshra.s32 v1, $0xE  }
0xa5: {  	v1 =	vand.u32 $0x3FFF, v1;
	[tilespmem:$0x28B0] =	vst v2  }
0xa6: {  	[tilespmem:$0x29B0] =	vst v1  }
0xa7: {  	v1 =	vld [tilespmem:s29+$0xFFFFFFD0];
	_ =	sdelay $0x4  }
0xa8: {  	v2 =	vshra.s32 v1, $0xE  }
0xa9: {  	v1 =	vand.u32 $0x3FFF, v1;
	[tilespmem:$0x28C0] =	vst v2  }
0xaa: {  	[tilespmem:$0x29C0] =	vst v1  }
0xab: {  	v1 =	vld [tilespmem:s29+$0xFFFFFFE0];
	_ =	sdelay $0x4  }
0xac: {  	v2 =	vshra.s32 v1, $0xE  }
0xad: {  	v1 =	vand.u32 $0x3FFF, v1;
	[tilespmem:$0x28D0] =	vst v2  }
0xae: {  	s30 =	simm.s32 $0xBC0;
	[tilespmem:$0x29D0] =	vst v1  }
.LBB2_4:
0xaf: {  	p0 =	sne.s32 s30, $0x9FC0;
	v1 =	vld [tilespmem:s29+$0xFFFFFFF0];
	s31 =	smov.u32 s30;
	s30 =	sadd.s32 $0x400, s30  }
0xb0: {  	_ =	sdelay $0x3  }
0xb1: {  	v2 =	vshra.s32 v1, $0xE;
	v1 =	vand.u32 $0x3FFF, v1  }
0xb2: {  	[tilespmem:$0x28E0] =	vst v2  }
0xb3: {  	[tilespmem:$0x29E0] =	vst v1  }
0xb4: {  	v1 =	vld [tilespmem:s29+$0x0];
	_ =	sdelay $0x4  }
0xb5: {  	v2 =	vshra.s32 v1, $0xE;
	v1 =	vand.u32 $0x3FFF, v1  }
0xb6: {  	[tilespmem:$0x28F0] =	vst v2  }
0xb7: {  	[tilespmem:$0x29F0] =	vst v1  }
0xb8: {  	[tilespmem:s22], [sflag:$0x2] =	stream.indirect.gather [hbm4b:s4+s19], $0x80, s21, s19, $0xb8;
	[tilespmem:$0x1EA00] =	vst v63  }
0xb9: {  	_ =	swait.ge [sflag:s23], $0x4000  }
0xba: {  	[sflag:s23] =	ssyncset.done $0x0  }
0xbb: {  	[sflag:s23] =	ssyncadd.s32 $0xFFFFC000  }
0xbc: {  	[spmem:s2] =	stream.indirect.scatter.add.f32 [tilespmem:s18], [sflag:$0x3], $0x80, s24, s19, $0xb8;
	[tilespmem:$0x1EA00] =	vst v63  }
0xbd: {  	_ =	swait.ge [sflag:s17], $0x4000  }
0xbe: {  	[sflag:s17] =	ssyncset.done $0x0  }
0xbf: {  	s29 =	sshra.s32 s31, $0x2;
	[sflag:s17] =	ssyncadd.s32 $0xFFFFC000  }
0xc0: {  	v1 =	vld [tilespmem:s29+$0xFFFFFF10];
	_ =	sdelay $0x4  }
0xc1: {  	v2 =	vshra.s32 v1, $0xE;
	v1 =	vand.u32 $0x3FFF, v1  }
0xc2: {  	[tilespmem:$0x2800] =	vst v2  }
0xc3: {  	[tilespmem:$0x2900] =	vst v1  }
0xc4: {  	v1 =	vld [tilespmem:s29+$0xFFFFFF20];
	_ =	sdelay $0x4  }
0xc5: {  	v2 =	vshra.s32 v1, $0xE;
	v1 =	vand.u32 $0x3FFF, v1  }
0xc6: {  	[tilespmem:$0x2810] =	vst v2  }
0xc7: {  	[tilespmem:$0x2910] =	vst v1  }
0xc8: {  	v1 =	vld [tilespmem:s29+$0xFFFFFF30];
	_ =	sdelay $0x4  }
0xc9: {  	v2 =	vshra.s32 v1, $0xE;
	v1 =	vand.u32 $0x3FFF, v1  }
0xca: {  	[tilespmem:$0x2820] =	vst v2  }
0xcb: {  	[tilespmem:$0x2920] =	vst v1  }
0xcc: {  	v1 =	vld [tilespmem:s29+$0xFFFFFF40];
	_ =	sdelay $0x4  }
0xcd: {  	v2 =	vshra.s32 v1, $0xE;
	v1 =	vand.u32 $0x3FFF, v1  }
0xce: {  	[tilespmem:$0x2830] =	vst v2  }
0xcf: {  	[tilespmem:$0x2930] =	vst v1  }
0xd0: {  	v1 =	vld [tilespmem:s29+$0xFFFFFF50];
	_ =	sdelay $0x4  }
0xd1: {  	v2 =	vshra.s32 v1, $0xE;
	v1 =	vand.u32 $0x3FFF, v1  }
0xd2: {  	[tilespmem:$0x2840] =	vst v2  }
0xd3: {  	[tilespmem:$0x2940] =	vst v1  }
0xd4: {  	v1 =	vld [tilespmem:s29+$0xFFFFFF60];
	_ =	sdelay $0x4  }
0xd5: {  	v2 =	vshra.s32 v1, $0xE;
	v1 =	vand.u32 $0x3FFF, v1  }
0xd6: {  	[tilespmem:$0x2850] =	vst v2  }
0xd7: {  	[tilespmem:$0x2950] =	vst v1  }
0xd8: {  	v1 =	vld [tilespmem:s29+$0xFFFFFF70];
	_ =	sdelay $0x4  }
0xd9: {  	v2 =	vshra.s32 v1, $0xE;
	v1 =	vand.u32 $0x3FFF, v1  }
0xda: {  	[tilespmem:$0x2860] =	vst v2  }
0xdb: {  	[tilespmem:$0x2960] =	vst v1  }
0xdc: {  	v1 =	vld [tilespmem:s29+$0xFFFFFF80];
	_ =	sdelay $0x4  }
0xdd: {  	v2 =	vshra.s32 v1, $0xE;
	v1 =	vand.u32 $0x3FFF, v1  }
0xde: {  	[tilespmem:$0x2870] =	vst v2  }
0xdf: {  	[tilespmem:$0x2970] =	vst v1  }
0xe0: {  	[tilespmem:s18], [sflag:$0x1] =	stream.indirect.gather [hbm4b:s4+s19], $0x80, s20, s19, $0xb8;
	[tilespmem:$0x1EA00] =	vst v63  }
0xe1: {  	_ =	swait.ge [sflag:s25], $0x4000  }
0xe2: {  	[sflag:s25] =	ssyncset.done $0x0  }
0xe3: {  	[sflag:s25] =	ssyncadd.s32 $0xFFFFC000  }
0xe4: {  	[spmem:s2] =	stream.indirect.scatter.add.f32 [tilespmem:s22], [sflag:$0x3], $0x80, s26, s19, $0xb8;
	[tilespmem:$0x1EA00] =	vst v63  }
0xe5: {  	_ =	swait.ge [sflag:s17], $0x4000  }
0xe6: {  	[sflag:s17] =	ssyncset.done $0x0  }
0xe7: {  	[sflag:s17] =	ssyncadd.s32 $0xFFFFC000  }
0xe8: {  	v1 =	vld [tilespmem:s29+$0xFFFFFF90];
	_ =	sdelay $0x4  }
0xe9: {  	v2 =	vshra.s32 v1, $0xE;
	v1 =	vand.u32 $0x3FFF, v1  }
0xea: {  	[tilespmem:$0x2880] =	vst v2  }
0xeb: {  	[tilespmem:$0x2980] =	vst v1  }
0xec: {  	v1 =	vld [tilespmem:s29+$0xFFFFFFA0];
	_ =	sdelay $0x4  }
0xed: {  	v2 =	vshra.s32 v1, $0xE;
	v1 =	vand.u32 $0x3FFF, v1  }
0xee: {  	[tilespmem:$0x2890] =	vst v2  }
0xef: {  	[tilespmem:$0x2990] =	vst v1  }
0xf0: {  	v1 =	vld [tilespmem:s29+$0xFFFFFFB0];
	_ =	sdelay $0x4  }
0xf1: {  	v2 =	vshra.s32 v1, $0xE;
	v1 =	vand.u32 $0x3FFF, v1  }
0xf2: {  	[tilespmem:$0x28A0] =	vst v2  }
0xf3: {  	[tilespmem:$0x29A0] =	vst v1  }
0xf4: {  	v1 =	vld [tilespmem:s29+$0xFFFFFFC0];
	_ =	sdelay $0x4  }
0xf5: {  	v2 =	vshra.s32 v1, $0xE;
	v1 =	vand.u32 $0x3FFF, v1  }
0xf6: {  	[tilespmem:$0x28B0] =	vst v2  }
0xf7: {  	[tilespmem:$0x29B0] =	vst v1  }
0xf8: {  	v1 =	vld [tilespmem:s29+$0xFFFFFFD0];
	_ =	sdelay $0x4  }
0xf9: {  	v2 =	vshra.s32 v1, $0xE;
	v1 =	vand.u32 $0x3FFF, v1  }
0xfa: {  	[tilespmem:$0x28C0] =	vst v2  }
0xfb: {  	[tilespmem:$0x29C0] =	vst v1  }
0xfc: {  	v1 =	vld [tilespmem:s29+$0xFFFFFFE0];
	_ =	sdelay $0x2  }
.Ltmp1:
0xfd: {  	(pc) =	sbr.rel @p0 .LBB2_4-.Ltmp1, $4  }
0xfe: {  	_ = 	snop  }
0xff: {  	v2 =	vshra.s32 v1, $0xE;
	v1 =	vand.u32 $0x3FFF, v1  }
0x100: {  	[tilespmem:$0x28D0] =	vst v2  }
0x101: {  	[tilespmem:$0x29D0] =	vst v1  }
0x102: {  	v1 =	vld [tilespmem:s29+$0xFFFFFFF0];
	_ =	sdelay $0x4  }
0x103: {  	v2 =	vshra.s32 v1, $0xE  }
0x104: {  	v1 =	vand.u32 $0x3FFF, v1;
	[tilespmem:$0x28E0] =	vst v2  }
0x105: {  	[tilespmem:$0x29E0] =	vst v1  }
0x106: {  	v1 =	vld [tilespmem:s29+$0x0];
	_ =	sdelay $0x4  }
0x107: {  	v2 =	vshra.s32 v1, $0xE  }
0x108: {  	v1 =	vand.u32 $0x3FFF, v1;
	[tilespmem:$0x28F0] =	vst v2  }
0x109: {  	[tilespmem:$0x29F0] =	vst v1  }
0x10a: {  	[tilespmem:s22], [sflag:$0x2] =	stream.indirect.gather [hbm4b:s4+s19], $0x80, s21, s19, $0xb8;
	[tilespmem:$0x1EA00] =	vst v63  }
0x10b: {  	_ =	swait.ge [sflag:s23], $0x4000  }
0x10c: {  	[sflag:s23] =	ssyncset.done $0x0  }
0x10d: {  	[sflag:s23] =	ssyncadd.s32 $0xFFFFC000  }
0x10e: {  	[spmem:s2] =	stream.indirect.scatter.add.f32 [tilespmem:s18], [sflag:$0x3], $0x80, s24, s19, $0xb8;
	[tilespmem:$0x1EA00] =	vst v63  }
0x10f: {  	_ =	swait.ge [sflag:s17], $0x4000  }
0x110: {  	[sflag:s17] =	ssyncset.done $0x0  }
0x111: {  	[sflag:s17] =	ssyncadd.s32 $0xFFFFC000  }
0x112: {  	_ =	swait.ge [sflag:s25], $0x4000  }
0x113: {  	[sflag:s25] =	ssyncset.done $0x0  }
0x114: {  	[sflag:s25] =	ssyncadd.s32 $0xFFFFC000  }
0x115: {  	[spmem:s2] =	stream.indirect.scatter.add.f32 [tilespmem:s22], [sflag:$0x3], $0x80, s26, s19, $0xb8;
	[tilespmem:$0x1EA00] =	vst v63  }
0x116: {  	_ =	swait.ge [sflag:s17], $0x4000  }
0x117: {  	[sflag:s17] =	ssyncset.done $0x0  }
0x118: {  	s30 =	sshll.u32 s1, $0x6;
	[sflag:s17] =	ssyncadd.s32 $0xFFFFC000  }
0x119: {  	s29 =	sor.u32 $0x1C03, s30;
	s30 =	sshrl.u32 s6, $0x3;
	[bflag:$0x0] =	sbarrier.arrive $0xFFFF  }
0x11a: {  	[hbm:s11], [sflag:s29] =	dma.local [spmem:s30], $0x800  }
0x11b: {  	_ =	swait.ge [sflag:s17], $0x800  }
0x11c: {  	[sflag:s17] =	ssyncset.done $0x0  }
0x11d: {  	s31 =	sshrl.u32 s7, $0x3;
	[sflag:s17] =	ssyncadd.s32 $0xFFFFF800  }
0x11e: {  	[hbm:s12], [sflag:s29] =	dma.local [spmem:s31], $0x800  }
0x11f: {  	_ =	swait.ge [sflag:s17], $0x800  }
0x120: {  	[sflag:s17] =	ssyncset.done $0x0  }
0x121: {  	s31 =	sshrl.u32 s8, $0x3;
	[sflag:s17] =	ssyncadd.s32 $0xFFFFF800  }
0x122: {  	[hbm:s13], [sflag:s29] =	dma.local [spmem:s31], $0x800  }
0x123: {  	_ =	swait.ge [sflag:s17], $0x800  }
0x124: {  	[sflag:s17] =	ssyncset.done $0x0  }
0x125: {  	s31 =	sshrl.u32 s9, $0x3;
	[sflag:s17] =	ssyncadd.s32 $0xFFFFF800  }
0x126: {  	[hbm:s14], [sflag:s29] =	dma.local [spmem:s31], $0x800  }
0x127: {  	s28 =	sadd.s32 $0x1, s28;
	_ =	swait.ge [sflag:s17], $0x800  }
0x128: {  	p0 =	sne.s32 s28, s16;
	[sflag:s17] =	ssyncset.done $0x0  }
.Ltmp2:
0x129: {  	s31 =	sshrl.u32 s10, $0x3;
	[sflag:s17] =	ssyncadd.s32 $0xFFFFF800;
	(pc) =	sbr.rel @p0 .LBB2_1-.Ltmp2, $4  }
0x12a: {  	[hbm:s15], [sflag:s29] =	dma.local [spmem:s31], $0x800  }
0x12b: {  	_ =	swait.ge [sflag:s17], $0x800  }
0x12c: {  	[sflag:s17] =	ssyncset.done $0x0  }
0x12d: {  	[sflag:s17] =	ssyncadd.s32 $0xFFFFF800  }
0x12e: {  	_ =	sfence.sel $0x180000  }
0x12f: {  	[bflag:$0x0] =	sbarrier.arrive $0xFFFF  }
0x130: {  	p0 =	sne.s32 s1, $0x0;
	_ =	strace $0x9000004A  }
0x131: {  	s0 =	sadd.s32 @!p0 $0x100000, s0;
	[bflag:$0x2] =	sbarrier.arrive $0xFFFF  }
0x132: {  	[sflag:s0] =	ssyncadd.tile.s32 @!p0 $0x1;
	_ =	shalt  }
.Lfunc_end2:
_tile_overlayer_lowered:
.L_overlay_start_2:
0x133: {  	(tag) =	ssettag $0x2  }
0x134: {  	s0 =	rddreg [dreg:$0x0];
	s2 =	stileid.u32  }
0x135: {  	s1 =	rddreg [dreg:$0x1];
	p0 =	sne.s32 s2, $0x0  }
0x136: {  	s3 =	rddreg [dreg:$0x2];
	[bflag:$0x3] =	sbarrier.arrive $0xFFFF;
	s2 =	simm.s32 @!p0 $0x1C03  }
0x137: {  	[timem:s3], [sflag:s2] =	dma.local @!p0 [hbm:s0], s1  }
0x138: {  	s0 =	simm.s32 @!p0 $0x3  }
0x139: {  	_ =	swait.ge @!p0 [sflag:s0], s1  }
0x13a: {  	s1 =	ssub.s32 @!p0 $0x0, s1;
	[sflag:s0] =	ssyncset.done @!p0 $0x0  }
0x13b: {  	[sflag:s0] =	ssyncadd.s32 @!p0 s1  }
0x13c: {  	[bflag:$0x3] =	sbarrier.arrive $0xFFFF  }
0x13d: {  	_ =	shalt  }

</sc_bundles>
